<compile_context>
chip_gen: v7x
topology: tpu7x:2x2x1
jax: 0.10.2.dev20260603
libtpu: 0.0.44.dev20260713+nightly
codegen_flags: <defaults>
</compile_context>

<pallas_src>
import jax
import jax.numpy as jnp
from jax import lax
from jax.experimental import pallas as pl
from jax.experimental.pallas import tpu as pltpu
from jax.experimental.pallas import tpu_sc as plsc

D = 64
B = 16384
L = 16
NC, NS = 2, 16
NW = NC * NS
BPW = B // NW
R = 16
NT = 4
MARGIN = 1.0


def _rsqrt16(x):
    x = jnp.maximum(x, 1e-12)
    i = plsc.bitcast(x, jnp.int32)
    y = plsc.bitcast(jnp.full((L,), 0x5F3759DF, jnp.int32) - (i >> 1),
                     jnp.float32)
    for _ in range(3):
        y = y * (1.5 - 0.5 * x * y * y)
    return y


def _body(ph_i, pt_i, pr_i, nh_i, nt_i, nr_i, ent, rel,
          pred_out, loss_out,
          ph_x, pt_x, pr_x, nh_x, nt_x, nr_x,
          ring, rel_v, pred_s, loss_s, sem):
    wid = lax.axis_index("s") * NC + lax.axis_index("c")
    base = wid * BPW
    row_iota = lax.iota(jnp.int32, L)
    lane0 = row_iota == 0
    zf = jnp.zeros((L,), jnp.float32)

    idx_refs = (ph_x, pt_x, nh_x, nt_x)
    rel_idx = (pr_x, nr_x)
    idx_srcs = (ph_i, pt_i, nh_i, nt_i)
    rel_srcs = (pr_i, nr_i)
    NQ = D // L

    for src, dst in zip(idx_srcs + rel_srcs, idx_refs + rel_idx):
        pltpu.sync_copy(src.at[pl.ds(base, BPW)], dst.at[pl.ds(0, BPW)])
    pltpu.sync_copy(rel, rel_v)

    def fire(row):
        slot = lax.rem(row, R)
        for t, ix in enumerate(idx_refs):
            r0 = ix[pl.ds(row, L)][0]
            pltpu.async_copy(ent.at[pl.ds(r0, 1)],
                             ring.at[pl.ds(slot * NT + t, 1)], sem)

    def drain_one():
        pltpu.make_async_copy(ent.at[pl.ds(0, 1)],
                              ring.at[pl.ds(0, 1)], sem).wait()

    for j in range(R):
        fire(j)

    def row_body(i, l_acc):
        slot = lax.rem(i, R)

        @pl.when((i & 1) == 0)
        def _():
            pltpu.make_async_copy(ent.at[pl.ds(0, 8)],
                                  ring.at[pl.ds(slot * NT, 8)], sem).wait()
        quads = [[ring[slot * NT + t, pl.ds(L * q, L)] for q in range(NQ)]
                 for t in range(NT)]
        for ix in rel_idx:
            ri = ix[pl.ds(i, L)][0]
            off = (ri & 1) * D
            quads.append([rel_v[ri >> 1, pl.ds(off + L * q, L)]
                          for q in range(NQ)])

        @pl.when(i < BPW - R)
        def _():
            fire(i + R)

        phq, ptq, nhq, ntq, prq, nrq = quads

        def inv_norm(vq):
            s = vq[0] * vq[0] + vq[1] * vq[1]
            s = s + vq[2] * vq[2] + vq[3] * vq[3]
            return _rsqrt16(jnp.full((L,), jnp.sum(s), jnp.float32))

        ih, it, jh, jt, ir, jr = [inv_norm(vq) for vq in quads]

        pa, na = zf, zf
        for q in range(NQ):
            pa = pa + jnp.abs(phq[q] * ih + prq[q] * ir - ptq[q] * it)
            na = na + jnp.abs(nhq[q] * jh + nrq[q] * jr - ntq[q] * jt)
        p = jnp.sum(pa)
        n = jnp.sum(na)
        pv = jnp.full((L,), p, jnp.float32)
        nv = jnp.full((L,), n, jnp.float32)
        plsc.store_scatter(pred_s, [jnp.full((L,), i, jnp.int32)],
                           pv, mask=lane0)
        return l_acc + jnp.maximum(pv - nv + MARGIN, 0.0)

    loss_acc = lax.fori_loop(0, BPW, row_body, zf)

    loss_s[...] = loss_acc * 0.0625
    pltpu.sync_copy(pred_s, pred_out.at[pl.ds(base, BPW)])
    pltpu.sync_copy(loss_s, loss_out.at[wid])


def kernel(pos_h, pos_t, pos_r, neg_h, neg_t, neg_r,
           ent_embeddings, rel_embeddings):
    mesh = plsc.VectorSubcoreMesh(core_axis_name="c", subcore_axis_name="s")
    run = pl.kernel(
        _body,
        out_type=(
            jax.ShapeDtypeStruct((B,), jnp.float32),
            jax.ShapeDtypeStruct((NW, L), jnp.float32),
        ),
        mesh=mesh,
        compiler_params=pltpu.CompilerParams(needs_layout_passes=False,
                                             use_tc_tiling_on_sc=True),
        scratch_types=(
            [pltpu.VMEM((BPW + L,), jnp.int32) for _ in range(6)]
            + [pltpu.VMEM((R * NT, D), jnp.float32),
               pltpu.VMEM((500, 2 * D), jnp.float32),
               pltpu.VMEM((BPW,), jnp.float32),
               pltpu.VMEM((L,), jnp.float32),
               pltpu.SemaphoreType.DMA]
        ),
    )
    pred, loss_part = run(
        pos_h.astype(jnp.int32), pos_t.astype(jnp.int32),
        pos_r.astype(jnp.int32), neg_h.astype(jnp.int32),
        neg_t.astype(jnp.int32), neg_r.astype(jnp.int32),
        ent_embeddings,
        rel_embeddings.reshape(rel_embeddings.shape[0] // 2, 2 * D))
    return (jnp.sum(loss_part), pred)

# --- scband reference (transcript-rebuilt; emitter-appended) ---
"""Pipeline reference for scband-trans-e-13761075216740 (READ-ONLY COPY).

The authoritative reference and input builder live on the scoring server;
editing this copy changes nothing except your own understanding.
"""

import jax, jax.numpy as jnp
import numpy as np

ENT_NUM = 1000000
REL_NUM = 1000
EMBED_DIM = 64
BATCH = 16384
MARGIN = 1.0


def _l2_normalize(x, axis=-1, eps=1e-12):
    sq = jnp.sum(x * x, axis=axis, keepdims=True)
    return x * jax.lax.rsqrt(jnp.maximum(sq, eps))


def _calc(h, t, r):
    h = _l2_normalize(h, -1)
    t = _l2_normalize(t, -1)
    r = _l2_normalize(r, -1)
    return jnp.abs(h + r - t)


def setup_inputs(seed: int = 0) -> dict:
    key = jax.random.key(seed)
    ks = jax.random.split(key, 8)
    pos_h = jax.random.randint(ks[0], (BATCH,), 0, ENT_NUM, dtype=jnp.int64 if jax.config.jax_enable_x64 else jnp.int32)
    pos_t = jax.random.randint(ks[1], (BATCH,), 0, ENT_NUM)
    pos_r = jax.random.randint(ks[2], (BATCH,), 0, REL_NUM)
    neg_h = jax.random.randint(ks[3], (BATCH,), 0, ENT_NUM)
    neg_t = jax.random.randint(ks[4], (BATCH,), 0, ENT_NUM)
    neg_r = jax.random.randint(ks[5], (BATCH,), 0, REL_NUM)
    # xavier-normal style init for embedding tables
    ent_std = float(np.sqrt(2.0 / (ENT_NUM + EMBED_DIM)))
    rel_std = float(np.sqrt(2.0 / (REL_NUM + EMBED_DIM)))
    ent_embeddings = jax.random.normal(ks[6], (ENT_NUM, EMBED_DIM), dtype=jnp.float32) * ent_std
    rel_embeddings = jax.random.normal(ks[7], (REL_NUM, EMBED_DIM), dtype=jnp.float32) * rel_std
    return {
        "pos_h": pos_h, "pos_t": pos_t, "pos_r": pos_r,
        "neg_h": neg_h, "neg_t": neg_t, "neg_r": neg_r,
        "ent_embeddings": ent_embeddings, "rel_embeddings": rel_embeddings,
    }


def reference(pos_h, pos_t, pos_r, neg_h, neg_t, neg_r, ent_embeddings, rel_embeddings):
    # embedding lookups (tf.nn.embedding_lookup)
    p_h = jnp.take(ent_embeddings, pos_h, axis=0)
    p_t = jnp.take(ent_embeddings, pos_t, axis=0)
    p_r = jnp.take(rel_embeddings, pos_r, axis=0)
    n_h = jnp.take(ent_embeddings, neg_h, axis=0)
    n_t = jnp.take(ent_embeddings, neg_t, axis=0)
    n_r = jnp.take(rel_embeddings, neg_r, axis=0)
    # margin ranking loss
    _p_score = _calc(p_h, p_t, p_r)
    _n_score = _calc(n_h, n_t, n_r)
    p_score = jnp.sum(_p_score, axis=-1, keepdims=True)
    n_score = jnp.sum(_n_score, axis=-1, keepdims=True)
    loss = jnp.sum(jnp.maximum(p_score - n_score + MARGIN, 0.0))
    # predict head
    predict = jnp.sum(_p_score, axis=-1)
    return (loss, predict)

if __name__ == "__main__":
    import jax
    _d = setup_inputs()
    print(jax.jit(kernel)(*tuple(_d.values())))

</pallas_src>

<mosaic_0001>
#map = affine_map<(d0, d1) -> (0)>
#map1 = affine_map<(d0, d1) -> (0, 0)>
module attributes {stable_mosaic.version = 14 : i64} {
  func.func @_body(%arg0: i32, %arg1: i32, %arg2: memref<16384xi32, #tpu.memory_space<hbm>>, %arg3: memref<16384xi32, #tpu.memory_space<hbm>>, %arg4: memref<16384xi32, #tpu.memory_space<hbm>>, %arg5: memref<16384xi32, #tpu.memory_space<hbm>>, %arg6: memref<16384xi32, #tpu.memory_space<hbm>>, %arg7: memref<16384xi32, #tpu.memory_space<hbm>>, %arg8: memref<1000000x64xf32, #tpu.memory_space<hbm>>, %arg9: memref<500x128xf32, #tpu.memory_space<hbm>>, %arg10: memref<16384xf32, #tpu.memory_space<hbm>>, %arg11: memref<32x16xf32, #tpu.memory_space<hbm>>, %arg12: memref<528xi32, #tpu.memory_space<vmem>>, %arg13: memref<528xi32, #tpu.memory_space<vmem>>, %arg14: memref<528xi32, #tpu.memory_space<vmem>>, %arg15: memref<528xi32, #tpu.memory_space<vmem>>, %arg16: memref<528xi32, #tpu.memory_space<vmem>>, %arg17: memref<528xi32, #tpu.memory_space<vmem>>, %arg18: memref<64x64xf32, #tpu.memory_space<vmem>>, %arg19: memref<500x128xf32, #tpu.memory_space<vmem>>, %arg20: memref<512xf32, #tpu.memory_space<vmem>>, %arg21: memref<16xf32, #tpu.memory_space<vmem>>, %arg22: memref<!tpu.dma_semaphore, #tpu.memory_space<semaphore_mem>>) attributes {dimension_semantics = [#tpu.dimension_semantics<core_parallel>, #tpu.dimension_semantics<subcore_parallel>], iteration_bounds = array<i64: 2, 16>, scalar_prefetch = 0 : i64, scratch_operands = 11 : i64, tpu.core_type = #tpu.core_type<sc_vector_subcore>, window_params = [{transform_indices = #map}, {transform_indices = #map}, {transform_indices = #map}, {transform_indices = #map}, {transform_indices = #map}, {transform_indices = #map}, {transform_indices = #map1}, {transform_indices = #map1}, {transform_indices = #map}, {transform_indices = #map1}]} {
    %mul3A = arith.constant 2 : i32
    %mul3A_0 = arith.muli %arg1, %mul3A : i32
    %add3A = arith.addi %mul3A_0, %arg0 : i32
    %mul3A_1 = arith.constant 512 : i32
    %mul3A_2 = arith.muli %add3A, %mul3A_1 : i32
    %iota3A = tpu.iota {dimensions = array<i32: 0>} : vector<16xi32>
    %eq3A = arith.constant 0 : i32
    %eq3A_3 = vector.broadcast %eq3A : i32 to vector<16xi32>
    %eq3A_4 = arith.cmpi eq, %iota3A, %eq3A_3 : vector<16xi32>
    %broadcast_in_dim3A = arith.constant 0.000000e+00 : f32
    %broadcast_in_dim3A_5 = vector.broadcast %broadcast_in_dim3A : f32 to vector<16xf32>
    "tpu.region"() ({
      %run_scoped3A = tpu.sem_alloc : memref<!tpu.dma_semaphore, #tpu.memory_space<semaphore_mem>>
      %dma_start3A_1082 = arith.constant 0 : i32
      %dma_start3A_1083 = tpu.memref_slice %arg12[%dma_start3A_1082] : memref<528xi32, #tpu.memory_space<vmem>> -> memref<512xi32, #tpu.memory_space<vmem>>
      %dma_start3A_1084 = tpu.memref_slice %arg2[%mul3A_2] : memref<16384xi32, #tpu.memory_space<hbm>> -> memref<512xi32, #tpu.memory_space<hbm>>
      %dma_start3A_1085 = arith.constant 0 : i32
      %dma_start3A_1086 = tpu.memref_slice %arg12[%dma_start3A_1085] : memref<528xi32, #tpu.memory_space<vmem>> -> memref<512xi32, #tpu.memory_space<vmem>>
      %dma_start3A_1087 = tpu.memref_slice %arg2[%mul3A_2] : memref<16384xi32, #tpu.memory_space<hbm>> -> memref<512xi32, #tpu.memory_space<hbm>>
      tpu.enqueue_dma source(%dma_start3A_1087 : memref<512xi32, #tpu.memory_space<hbm>>) target(%dma_start3A_1086 : memref<512xi32, #tpu.memory_space<vmem>>) target_semaphore(%run_scoped3A : memref<!tpu.dma_semaphore, #tpu.memory_space<semaphore_mem>>)
      %dma_wait3A = arith.constant 0 : i32
      %dma_wait3A_1088 = tpu.memref_slice %arg12[%dma_wait3A] : memref<528xi32, #tpu.memory_space<vmem>> -> memref<512xi32, #tpu.memory_space<vmem>>
      %dma_wait3A_1089 = tpu.memref_slice %arg2[%mul3A_2] : memref<16384xi32, #tpu.memory_space<hbm>> -> memref<512xi32, #tpu.memory_space<hbm>>
      %dma_wait3A_1090 = arith.constant 0 : i32
      %dma_wait3A_1091 = tpu.memref_slice %arg12[%dma_wait3A_1090] : memref<528xi32, #tpu.memory_space<vmem>> -> memref<512xi32, #tpu.memory_space<vmem>>
      %dma_wait3A_1092 = tpu.memref_slice %arg2[%mul3A_2] : memref<16384xi32, #tpu.memory_space<hbm>> -> memref<512xi32, #tpu.memory_space<hbm>>
      tpu.wait_dma2 semaphore(%run_scoped3A : memref<!tpu.dma_semaphore, #tpu.memory_space<semaphore_mem>>) src(%dma_wait3A_1092 : memref<512xi32, #tpu.memory_space<hbm>>) dst(%dma_wait3A_1091 : memref<512xi32, #tpu.memory_space<vmem>>)
      tpu.yield
    }) : () -> ()
    "tpu.region"() ({
      %run_scoped3A = tpu.sem_alloc : memref<!tpu.dma_semaphore, #tpu.memory_space<semaphore_mem>>
      %dma_start3A_1082 = arith.constant 0 : i32
      %dma_start3A_1083 = tpu.memref_slice %arg13[%dma_start3A_1082] : memref<528xi32, #tpu.memory_space<vmem>> -> memref<512xi32, #tpu.memory_space<vmem>>
      %dma_start3A_1084 = tpu.memref_slice %arg3[%mul3A_2] : memref<16384xi32, #tpu.memory_space<hbm>> -> memref<512xi32, #tpu.memory_space<hbm>>
      %dma_start3A_1085 = arith.constant 0 : i32
      %dma_start3A_1086 = tpu.memref_slice %arg13[%dma_start3A_1085] : memref<528xi32, #tpu.memory_space<vmem>> -> memref<512xi32, #tpu.memory_space<vmem>>
      %dma_start3A_1087 = tpu.memref_slice %arg3[%mul3A_2] : memref<16384xi32, #tpu.memory_space<hbm>> -> memref<512xi32, #tpu.memory_space<hbm>>
      tpu.enqueue_dma source(%dma_start3A_1087 : memref<512xi32, #tpu.memory_space<hbm>>) target(%dma_start3A_1086 : memref<512xi32, #tpu.memory_space<vmem>>) target_semaphore(%run_scoped3A : memref<!tpu.dma_semaphore, #tpu.memory_space<semaphore_mem>>)
      %dma_wait3A = arith.constant 0 : i32
      %dma_wait3A_1088 = tpu.memref_slice %arg13[%dma_wait3A] : memref<528xi32, #tpu.memory_space<vmem>> -> memref<512xi32, #tpu.memory_space<vmem>>
      %dma_wait3A_1089 = tpu.memref_slice %arg3[%mul3A_2] : memref<16384xi32, #tpu.memory_space<hbm>> -> memref<512xi32, #tpu.memory_space<hbm>>
      %dma_wait3A_1090 = arith.constant 0 : i32
      %dma_wait3A_1091 = tpu.memref_slice %arg13[%dma_wait3A_1090] : memref<528xi32, #tpu.memory_space<vmem>> -> memref<512xi32, #tpu.memory_space<vmem>>
      %dma_wait3A_1092 = tpu.memref_slice %arg3[%mul3A_2] : memref<16384xi32, #tpu.memory_space<hbm>> -> memref<512xi32, #tpu.memory_space<hbm>>
      tpu.wait_dma2 semaphore(%run_scoped3A : memref<!tpu.dma_semaphore, #tpu.memory_space<semaphore_mem>>) src(%dma_wait3A_1092 : memref<512xi32, #tpu.memory_space<hbm>>) dst(%dma_wait3A_1091 : memref<512xi32, #tpu.memory_space<vmem>>)
      tpu.yield
    }) : () -> ()
    "tpu.region"() ({
      %run_scoped3A = tpu.sem_alloc : memref<!tpu.dma_semaphore, #tpu.memory_space<semaphore_mem>>
      %dma_start3A_1082 = arith.constant 0 : i32
      %dma_start3A_1083 = tpu.memref_slice %arg15[%dma_start3A_1082] : memref<528xi32, #tpu.memory_space<vmem>> -> memref<512xi32, #tpu.memory_space<vmem>>
      %dma_start3A_1084 = tpu.memref_slice %arg5[%mul3A_2] : memref<16384xi32, #tpu.memory_space<hbm>> -> memref<512xi32, #tpu.memory_space<hbm>>
      %dma_start3A_1085 = arith.constant 0 : i32
      %dma_start3A_1086 = tpu.memref_slice %arg15[%dma_start3A_1085] : memref<528xi32, #tpu.memory_space<vmem>> -> memref<512xi32, #tpu.memory_space<vmem>>
      %dma_start3A_1087 = tpu.memref_slice %arg5[%mul3A_2] : memref<16384xi32, #tpu.memory_space<hbm>> -> memref<512xi32, #tpu.memory_space<hbm>>
      tpu.enqueue_dma source(%dma_start3A_1087 : memref<512xi32, #tpu.memory_space<hbm>>) target(%dma_start3A_1086 : memref<512xi32, #tpu.memory_space<vmem>>) target_semaphore(%run_scoped3A : memref<!tpu.dma_semaphore, #tpu.memory_space<semaphore_mem>>)
      %dma_wait3A = arith.constant 0 : i32
      %dma_wait3A_1088 = tpu.memref_slice %arg15[%dma_wait3A] : memref<528xi32, #tpu.memory_space<vmem>> -> memref<512xi32, #tpu.memory_space<vmem>>
      %dma_wait3A_1089 = tpu.memref_slice %arg5[%mul3A_2] : memref<16384xi32, #tpu.memory_space<hbm>> -> memref<512xi32, #tpu.memory_space<hbm>>
      %dma_wait3A_1090 = arith.constant 0 : i32
      %dma_wait3A_1091 = tpu.memref_slice %arg15[%dma_wait3A_1090] : memref<528xi32, #tpu.memory_space<vmem>> -> memref<512xi32, #tpu.memory_space<vmem>>
      %dma_wait3A_1092 = tpu.memref_slice %arg5[%mul3A_2] : memref<16384xi32, #tpu.memory_space<hbm>> -> memref<512xi32, #tpu.memory_space<hbm>>
      tpu.wait_dma2 semaphore(%run_scoped3A : memref<!tpu.dma_semaphore, #tpu.memory_space<semaphore_mem>>) src(%dma_wait3A_1092 : memref<512xi32, #tpu.memory_space<hbm>>) dst(%dma_wait3A_1091 : memref<512xi32, #tpu.memory_space<vmem>>)
      tpu.yield
    }) : () -> ()
    "tpu.region"() ({
      %run_scoped3A = tpu.sem_alloc : memref<!tpu.dma_semaphore, #tpu.memory_space<semaphore_mem>>
      %dma_start3A_1082 = arith.constant 0 : i32
      %dma_start3A_1083 = tpu.memref_slice %arg16[%dma_start3A_1082] : memref<528xi32, #tpu.memory_space<vmem>> -> memref<512xi32, #tpu.memory_space<vmem>>
      %dma_start3A_1084 = tpu.memref_slice %arg6[%mul3A_2] : memref<16384xi32, #tpu.memory_space<hbm>> -> memref<512xi32, #tpu.memory_space<hbm>>
      %dma_start3A_1085 = arith.constant 0 : i32
      %dma_start3A_1086 = tpu.memref_slice %arg16[%dma_start3A_1085] : memref<528xi32, #tpu.memory_space<vmem>> -> memref<512xi32, #tpu.memory_space<vmem>>
      %dma_start3A_1087 = tpu.memref_slice %arg6[%mul3A_2] : memref<16384xi32, #tpu.memory_space<hbm>> -> memref<512xi32, #tpu.memory_space<hbm>>
      tpu.enqueue_dma source(%dma_start3A_1087 : memref<512xi32, #tpu.memory_space<hbm>>) target(%dma_start3A_1086 : memref<512xi32, #tpu.memory_space<vmem>>) target_semaphore(%run_scoped3A : memref<!tpu.dma_semaphore, #tpu.memory_space<semaphore_mem>>)
      %dma_wait3A = arith.constant 0 : i32
      %dma_wait3A_1088 = tpu.memref_slice %arg16[%dma_wait3A] : memref<528xi32, #tpu.memory_space<vmem>> -> memref<512xi32, #tpu.memory_space<vmem>>
      %dma_wait3A_1089 = tpu.memref_slice %arg6[%mul3A_2] : memref<16384xi32, #tpu.memory_space<hbm>> -> memref<512xi32, #tpu.memory_space<hbm>>
      %dma_wait3A_1090 = arith.constant 0 : i32
      %dma_wait3A_1091 = tpu.memref_slice %arg16[%dma_wait3A_1090] : memref<528xi32, #tpu.memory_space<vmem>> -> memref<512xi32, #tpu.memory_space<vmem>>
      %dma_wait3A_1092 = tpu.memref_slice %arg6[%mul3A_2] : memref<16384xi32, #tpu.memory_space<hbm>> -> memref<512xi32, #tpu.memory_space<hbm>>
      tpu.wait_dma2 semaphore(%run_scoped3A : memref<!tpu.dma_semaphore, #tpu.memory_space<semaphore_mem>>) src(%dma_wait3A_1092 : memref<512xi32, #tpu.memory_space<hbm>>) dst(%dma_wait3A_1091 : memref<512xi32, #tpu.memory_space<vmem>>)
      tpu.yield
    }) : () -> ()
    "tpu.region"() ({
      %run_scoped3A = tpu.sem_alloc : memref<!tpu.dma_semaphore, #tpu.memory_space<semaphore_mem>>
      %dma_start3A_1082 = arith.constant 0 : i32
      %dma_start3A_1083 = tpu.memref_slice %arg14[%dma_start3A_1082] : memref<528xi32, #tpu.memory_space<vmem>> -> memref<512xi32, #tpu.memory_space<vmem>>
      %dma_start3A_1084 = tpu.memref_slice %arg4[%mul3A_2] : memref<16384xi32, #tpu.memory_space<hbm>> -> memref<512xi32, #tpu.memory_space<hbm>>
      %dma_start3A_1085 = arith.constant 0 : i32
      %dma_start3A_1086 = tpu.memref_slice %arg14[%dma_start3A_1085] : memref<528xi32, #tpu.memory_space<vmem>> -> memref<512xi32, #tpu.memory_space<vmem>>
      %dma_start3A_1087 = tpu.memref_slice %arg4[%mul3A_2] : memref<16384xi32, #tpu.memory_space<hbm>> -> memref<512xi32, #tpu.memory_space<hbm>>
      tpu.enqueue_dma source(%dma_start3A_1087 : memref<512xi32, #tpu.memory_space<hbm>>) target(%dma_start3A_1086 : memref<512xi32, #tpu.memory_space<vmem>>) target_semaphore(%run_scoped3A : memref<!tpu.dma_semaphore, #tpu.memory_space<semaphore_mem>>)
      %dma_wait3A = arith.constant 0 : i32
      %dma_wait3A_1088 = tpu.memref_slice %arg14[%dma_wait3A] : memref<528xi32, #tpu.memory_space<vmem>> -> memref<512xi32, #tpu.memory_space<vmem>>
      %dma_wait3A_1089 = tpu.memref_slice %arg4[%mul3A_2] : memref<16384xi32, #tpu.memory_space<hbm>> -> memref<512xi32, #tpu.memory_space<hbm>>
      %dma_wait3A_1090 = arith.constant 0 : i32
      %dma_wait3A_1091 = tpu.memref_slice %arg14[%dma_wait3A_1090] : memref<528xi32, #tpu.memory_space<vmem>> -> memref<512xi32, #tpu.memory_space<vmem>>
      %dma_wait3A_1092 = tpu.memref_slice %arg4[%mul3A_2] : memref<16384xi32, #tpu.memory_space<hbm>> -> memref<512xi32, #tpu.memory_space<hbm>>
      tpu.wait_dma2 semaphore(%run_scoped3A : memref<!tpu.dma_semaphore, #tpu.memory_space<semaphore_mem>>) src(%dma_wait3A_1092 : memref<512xi32, #tpu.memory_space<hbm>>) dst(%dma_wait3A_1091 : memref<512xi32, #tpu.memory_space<vmem>>)
      tpu.yield
    }) : () -> ()
    "tpu.region"() ({
      %run_scoped3A = tpu.sem_alloc : memref<!tpu.dma_semaphore, #tpu.memory_space<semaphore_mem>>
      %dma_start3A_1082 = arith.constant 0 : i32
      %dma_start3A_1083 = tpu.memref_slice %arg17[%dma_start3A_1082] : memref<528xi32, #tpu.memory_space<vmem>> -> memref<512xi32, #tpu.memory_space<vmem>>
      %dma_start3A_1084 = tpu.memref_slice %arg7[%mul3A_2] : memref<16384xi32, #tpu.memory_space<hbm>> -> memref<512xi32, #tpu.memory_space<hbm>>
      %dma_start3A_1085 = arith.constant 0 : i32
      %dma_start3A_1086 = tpu.memref_slice %arg17[%dma_start3A_1085] : memref<528xi32, #tpu.memory_space<vmem>> -> memref<512xi32, #tpu.memory_space<vmem>>
      %dma_start3A_1087 = tpu.memref_slice %arg7[%mul3A_2] : memref<16384xi32, #tpu.memory_space<hbm>> -> memref<512xi32, #tpu.memory_space<hbm>>
      tpu.enqueue_dma source(%dma_start3A_1087 : memref<512xi32, #tpu.memory_space<hbm>>) target(%dma_start3A_1086 : memref<512xi32, #tpu.memory_space<vmem>>) target_semaphore(%run_scoped3A : memref<!tpu.dma_semaphore, #tpu.memory_space<semaphore_mem>>)
      %dma_wait3A = arith.constant 0 : i32
      %dma_wait3A_1088 = tpu.memref_slice %arg17[%dma_wait3A] : memref<528xi32, #tpu.memory_space<vmem>> -> memref<512xi32, #tpu.memory_space<vmem>>
      %dma_wait3A_1089 = tpu.memref_slice %arg7[%mul3A_2] : memref<16384xi32, #tpu.memory_space<hbm>> -> memref<512xi32, #tpu.memory_space<hbm>>
      %dma_wait3A_1090 = arith.constant 0 : i32
      %dma_wait3A_1091 = tpu.memref_slice %arg17[%dma_wait3A_1090] : memref<528xi32, #tpu.memory_space<vmem>> -> memref<512xi32, #tpu.memory_space<vmem>>
      %dma_wait3A_1092 = tpu.memref_slice %arg7[%mul3A_2] : memref<16384xi32, #tpu.memory_space<hbm>> -> memref<512xi32, #tpu.memory_space<hbm>>
      tpu.wait_dma2 semaphore(%run_scoped3A : memref<!tpu.dma_semaphore, #tpu.memory_space<semaphore_mem>>) src(%dma_wait3A_1092 : memref<512xi32, #tpu.memory_space<hbm>>) dst(%dma_wait3A_1091 : memref<512xi32, #tpu.memory_space<vmem>>)
      tpu.yield
    }) : () -> ()
    "tpu.region"() ({
      %run_scoped3A = tpu.sem_alloc : memref<!tpu.dma_semaphore, #tpu.memory_space<semaphore_mem>>
      tpu.enqueue_dma source(%arg9 : memref<500x128xf32, #tpu.memory_space<hbm>>) target(%arg19 : memref<500x128xf32, #tpu.memory_space<vmem>>) target_semaphore(%run_scoped3A : memref<!tpu.dma_semaphore, #tpu.memory_space<semaphore_mem>>)
      tpu.wait_dma2 semaphore(%run_scoped3A : memref<!tpu.dma_semaphore, #tpu.memory_space<semaphore_mem>>) src(%arg9 : memref<500x128xf32, #tpu.memory_space<hbm>>) dst(%arg19 : memref<500x128xf32, #tpu.memory_space<vmem>>)
      tpu.yield
    }) : () -> ()
    %rem3A = arith.constant 0 : i32
    %rem3A_6 = arith.constant 16 : i32
    %rem3A_7 = arith.remsi %rem3A, %rem3A_6 : i32
    %get3A = arith.constant 0 : index
    %get3A_8 = tpu.vector_load %arg12[%get3A] {strides = array<i32>} : memref<528xi32, #tpu.memory_space<vmem>>, vector<16xi32>,
    %slice3A = vector.extract_strided_slice %get3A_8 {offsets = [0], sizes = [1], strides = [1]} : vector<16xi32> to vector<1xi32>
    %squeeze3A = vector.extract %slice3A[0] : i32 from vector<1xi32>
    %mul3A_9 = arith.constant 4 : i32
    %mul3A_10 = arith.muli %rem3A_7, %mul3A_9 : i32
    %add3A_11 = arith.constant 0 : i32
    %add3A_12 = arith.addi %mul3A_10, %add3A_11 : i32
    %dma_start3A = arith.constant 0 : i32
    %dma_start3A_13 = tpu.memref_slice %arg18[%add3A_12, %dma_start3A] : memref<64x64xf32, #tpu.memory_space<vmem>> -> memref<1x64xf32, #tpu.memory_space<vmem>>
    %dma_start3A_14 = arith.constant 0 : i32
    %dma_start3A_15 = tpu.memref_slice %arg8[%squeeze3A, %dma_start3A_14] : memref<1000000x64xf32, #tpu.memory_space<hbm>> -> memref<1x64xf32, #tpu.memory_space<hbm>>
    %dma_start3A_16 = arith.constant 0 : i32
    %dma_start3A_17 = tpu.memref_slice %arg18[%add3A_12, %dma_start3A_16] : memref<64x64xf32, #tpu.memory_space<vmem>> -> memref<1x64xf32, #tpu.memory_space<vmem>>
    %dma_start3A_18 = arith.constant 0 : i32
    %dma_start3A_19 = tpu.memref_slice %arg8[%squeeze3A, %dma_start3A_18] : memref<1000000x64xf32, #tpu.memory_space<hbm>> -> memref<1x64xf32, #tpu.memory_space<hbm>>
    tpu.enqueue_dma source(%dma_start3A_19 : memref<1x64xf32, #tpu.memory_space<hbm>>) target(%dma_start3A_17 : memref<1x64xf32, #tpu.memory_space<vmem>>) target_semaphore(%arg22 : memref<!tpu.dma_semaphore, #tpu.memory_space<semaphore_mem>>)
    %get3A_20 = arith.constant 0 : index
    %get3A_21 = tpu.vector_load %arg13[%get3A_20] {strides = array<i32>} : memref<528xi32, #tpu.memory_space<vmem>>, vector<16xi32>,
    %slice3A_22 = vector.extract_strided_slice %get3A_21 {offsets = [0], sizes = [1], strides = [1]} : vector<16xi32> to vector<1xi32>
    %squeeze3A_23 = vector.extract %slice3A_22[0] : i32 from vector<1xi32>
    %mul3A_24 = arith.constant 4 : i32
    %mul3A_25 = arith.muli %rem3A_7, %mul3A_24 : i32
    %add3A_26 = arith.constant 1 : i32
    %add3A_27 = arith.addi %mul3A_25, %add3A_26 : i32
    %dma_start3A_28 = arith.constant 0 : i32
    %dma_start3A_29 = tpu.memref_slice %arg18[%add3A_27, %dma_start3A_28] : memref<64x64xf32, #tpu.memory_space<vmem>> -> memref<1x64xf32, #tpu.memory_space<vmem>>
    %dma_start3A_30 = arith.constant 0 : i32
    %dma_start3A_31 = tpu.memref_slice %arg8[%squeeze3A_23, %dma_start3A_30] : memref<1000000x64xf32, #tpu.memory_space<hbm>> -> memref<1x64xf32, #tpu.memory_space<hbm>>
    %dma_start3A_32 = arith.constant 0 : i32
    %dma_start3A_33 = tpu.memref_slice %arg18[%add3A_27, %dma_start3A_32] : memref<64x64xf32, #tpu.memory_space<vmem>> -> memref<1x64xf32, #tpu.memory_space<vmem>>
    %dma_start3A_34 = arith.constant 0 : i32
    %dma_start3A_35 = tpu.memref_slice %arg8[%squeeze3A_23, %dma_start3A_34] : memref<1000000x64xf32, #tpu.memory_space<hbm>> -> memref<1x64xf32, #tpu.memory_space<hbm>>
    tpu.enqueue_dma source(%dma_start3A_35 : memref<1x64xf32, #tpu.memory_space<hbm>>) target(%dma_start3A_33 : memref<1x64xf32, #tpu.memory_space<vmem>>) target_semaphore(%arg22 : memref<!tpu.dma_semaphore, #tpu.memory_space<semaphore_mem>>)
    %get3A_36 = arith.constant 0 : index
    %get3A_37 = tpu.vector_load %arg15[%get3A_36] {strides = array<i32>} : memref<528xi32, #tpu.memory_space<vmem>>, vector<16xi32>,
    %slice3A_38 = vector.extract_strided_slice %get3A_37 {offsets = [0], sizes = [1], strides = [1]} : vector<16xi32> to vector<1xi32>
    %squeeze3A_39 = vector.extract %slice3A_38[0] : i32 from vector<1xi32>
    %mul3A_40 = arith.constant 4 : i32
    %mul3A_41 = arith.muli %rem3A_7, %mul3A_40 : i32
    %add3A_42 = arith.constant 2 : i32
    %add3A_43 = arith.addi %mul3A_41, %add3A_42 : i32
    %dma_start3A_44 = arith.constant 0 : i32
    %dma_start3A_45 = tpu.memref_slice %arg18[%add3A_43, %dma_start3A_44] : memref<64x64xf32, #tpu.memory_space<vmem>> -> memref<1x64xf32, #tpu.memory_space<vmem>>
    %dma_start3A_46 = arith.constant 0 : i32
    %dma_start3A_47 = tpu.memref_slice %arg8[%squeeze3A_39, %dma_start3A_46] : memref<1000000x64xf32, #tpu.memory_space<hbm>> -> memref<1x64xf32, #tpu.memory_space<hbm>>
    %dma_start3A_48 = arith.constant 0 : i32
    %dma_start3A_49 = tpu.memref_slice %arg18[%add3A_43, %dma_start3A_48] : memref<64x64xf32, #tpu.memory_space<vmem>> -> memref<1x64xf32, #tpu.memory_space<vmem>>
    %dma_start3A_50 = arith.constant 0 : i32
    %dma_start3A_51 = tpu.memref_slice %arg8[%squeeze3A_39, %dma_start3A_50] : memref<1000000x64xf32, #tpu.memory_space<hbm>> -> memref<1x64xf32, #tpu.memory_space<hbm>>
    tpu.enqueue_dma source(%dma_start3A_51 : memref<1x64xf32, #tpu.memory_space<hbm>>) target(%dma_start3A_49 : memref<1x64xf32, #tpu.memory_space<vmem>>) target_semaphore(%arg22 : memref<!tpu.dma_semaphore, #tpu.memory_space<semaphore_mem>>)
    %get3A_52 = arith.constant 0 : index
    %get3A_53 = tpu.vector_load %arg16[%get3A_52] {strides = array<i32>} : memref<528xi32, #tpu.memory_space<vmem>>, vector<16xi32>,
    %slice3A_54 = vector.extract_strided_slice %get3A_53 {offsets = [0], sizes = [1], strides = [1]} : vector<16xi32> to vector<1xi32>
    %squeeze3A_55 = vector.extract %slice3A_54[0] : i32 from vector<1xi32>
    %mul3A_56 = arith.constant 4 : i32
    %mul3A_57 = arith.muli %rem3A_7, %mul3A_56 : i32
    %add3A_58 = arith.constant 3 : i32
    %add3A_59 = arith.addi %mul3A_57, %add3A_58 : i32
    %dma_start3A_60 = arith.constant 0 : i32
    %dma_start3A_61 = tpu.memref_slice %arg18[%add3A_59, %dma_start3A_60] : memref<64x64xf32, #tpu.memory_space<vmem>> -> memref<1x64xf32, #tpu.memory_space<vmem>>
    %dma_start3A_62 = arith.constant 0 : i32
    %dma_start3A_63 = tpu.memref_slice %arg8[%squeeze3A_55, %dma_start3A_62] : memref<1000000x64xf32, #tpu.memory_space<hbm>> -> memref<1x64xf32, #tpu.memory_space<hbm>>
    %dma_start3A_64 = arith.constant 0 : i32
    %dma_start3A_65 = tpu.memref_slice %arg18[%add3A_59, %dma_start3A_64] : memref<64x64xf32, #tpu.memory_space<vmem>> -> memref<1x64xf32, #tpu.memory_space<vmem>>
    %dma_start3A_66 = arith.constant 0 : i32
    %dma_start3A_67 = tpu.memref_slice %arg8[%squeeze3A_55, %dma_start3A_66] : memref<1000000x64xf32, #tpu.memory_space<hbm>> -> memref<1x64xf32, #tpu.memory_space<hbm>>
    tpu.enqueue_dma source(%dma_start3A_67 : memref<1x64xf32, #tpu.memory_space<hbm>>) target(%dma_start3A_65 : memref<1x64xf32, #tpu.memory_space<vmem>>) target_semaphore(%arg22 : memref<!tpu.dma_semaphore, #tpu.memory_space<semaphore_mem>>)
    %rem3A_68 = arith.constant 1 : i32
    %rem3A_69 = arith.constant 16 : i32
    %rem3A_70 = arith.remsi %rem3A_68, %rem3A_69 : i32
    %get3A_71 = arith.constant 1 : index
    %get3A_72 = tpu.vector_load %arg12[%get3A_71] {strides = array<i32>} : memref<528xi32, #tpu.memory_space<vmem>>, vector<16xi32>,
    %slice3A_73 = vector.extract_strided_slice %get3A_72 {offsets = [0], sizes = [1], strides = [1]} : vector<16xi32> to vector<1xi32>
    %squeeze3A_74 = vector.extract %slice3A_73[0] : i32 from vector<1xi32>
    %mul3A_75 = arith.constant 4 : i32
    %mul3A_76 = arith.muli %rem3A_70, %mul3A_75 : i32
    %add3A_77 = arith.constant 0 : i32
    %add3A_78 = arith.addi %mul3A_76, %add3A_77 : i32
    %dma_start3A_79 = arith.constant 0 : i32
    %dma_start3A_80 = tpu.memref_slice %arg18[%add3A_78, %dma_start3A_79] : memref<64x64xf32, #tpu.memory_space<vmem>> -> memref<1x64xf32, #tpu.memory_space<vmem>>
    %dma_start3A_81 = arith.constant 0 : i32
    %dma_start3A_82 = tpu.memref_slice %arg8[%squeeze3A_74, %dma_start3A_81] : memref<1000000x64xf32, #tpu.memory_space<hbm>> -> memref<1x64xf32, #tpu.memory_space<hbm>>
    %dma_start3A_83 = arith.constant 0 : i32
    %dma_start3A_84 = tpu.memref_slice %arg18[%add3A_78, %dma_start3A_83] : memref<64x64xf32, #tpu.memory_space<vmem>> -> memref<1x64xf32, #tpu.memory_space<vmem>>
    %dma_start3A_85 = arith.constant 0 : i32
    %dma_start3A_86 = tpu.memref_slice %arg8[%squeeze3A_74, %dma_start3A_85] : memref<1000000x64xf32, #tpu.memory_space<hbm>> -> memref<1x64xf32, #tpu.memory_space<hbm>>
    tpu.enqueue_dma source(%dma_start3A_86 : memref<1x64xf32, #tpu.memory_space<hbm>>) target(%dma_start3A_84 : memref<1x64xf32, #tpu.memory_space<vmem>>) target_semaphore(%arg22 : memref<!tpu.dma_semaphore, #tpu.memory_space<semaphore_mem>>)
    %get3A_87 = arith.constant 1 : index
    %get3A_88 = tpu.vector_load %arg13[%get3A_87] {strides = array<i32>} : memref<528xi32, #tpu.memory_space<vmem>>, vector<16xi32>,
    %slice3A_89 = vector.extract_strided_slice %get3A_88 {offsets = [0], sizes = [1], strides = [1]} : vector<16xi32> to vector<1xi32>
    %squeeze3A_90 = vector.extract %slice3A_89[0] : i32 from vector<1xi32>
    %mul3A_91 = arith.constant 4 : i32
    %mul3A_92 = arith.muli %rem3A_70, %mul3A_91 : i32
    %add3A_93 = arith.constant 1 : i32
    %add3A_94 = arith.addi %mul3A_92, %add3A_93 : i32
    %dma_start3A_95 = arith.constant 0 : i32
    %dma_start3A_96 = tpu.memref_slice %arg18[%add3A_94, %dma_start3A_95] : memref<64x64xf32, #tpu.memory_space<vmem>> -> memref<1x64xf32, #tpu.memory_space<vmem>>
    %dma_start3A_97 = arith.constant 0 : i32
    %dma_start3A_98 = tpu.memref_slice %arg8[%squeeze3A_90, %dma_start3A_97] : memref<1000000x64xf32, #tpu.memory_space<hbm>> -> memref<1x64xf32, #tpu.memory_space<hbm>>
    %dma_start3A_99 = arith.constant 0 : i32
    %dma_start3A_100 = tpu.memref_slice %arg18[%add3A_94, %dma_start3A_99] : memref<64x64xf32, #tpu.memory_space<vmem>> -> memref<1x64xf32, #tpu.memory_space<vmem>>
    %dma_start3A_101 = arith.constant 0 : i32
    %dma_start3A_102 = tpu.memref_slice %arg8[%squeeze3A_90, %dma_start3A_101] : memref<1000000x64xf32, #tpu.memory_space<hbm>> -> memref<1x64xf32, #tpu.memory_space<hbm>>
    tpu.enqueue_dma source(%dma_start3A_102 : memref<1x64xf32, #tpu.memory_space<hbm>>) target(%dma_start3A_100 : memref<1x64xf32, #tpu.memory_space<vmem>>) target_semaphore(%arg22 : memref<!tpu.dma_semaphore, #tpu.memory_space<semaphore_mem>>)
    %get3A_103 = arith.constant 1 : index
    %get3A_104 = tpu.vector_load %arg15[%get3A_103] {strides = array<i32>} : memref<528xi32, #tpu.memory_space<vmem>>, vector<16xi32>,
    %slice3A_105 = vector.extract_strided_slice %get3A_104 {offsets = [0], sizes = [1], strides = [1]} : vector<16xi32> to vector<1xi32>
    %squeeze3A_106 = vector.extract %slice3A_105[0] : i32 from vector<1xi32>
    %mul3A_107 = arith.constant 4 : i32
    %mul3A_108 = arith.muli %rem3A_70, %mul3A_107 : i32
    %add3A_109 = arith.constant 2 : i32
    %add3A_110 = arith.addi %mul3A_108, %add3A_109 : i32
    %dma_start3A_111 = arith.constant 0 : i32
    %dma_start3A_112 = tpu.memref_slice %arg18[%add3A_110, %dma_start3A_111] : memref<64x64xf32, #tpu.memory_space<vmem>> -> memref<1x64xf32, #tpu.memory_space<vmem>>
    %dma_start3A_113 = arith.constant 0 : i32
    %dma_start3A_114 = tpu.memref_slice %arg8[%squeeze3A_106, %dma_start3A_113] : memref<1000000x64xf32, #tpu.memory_space<hbm>> -> memref<1x64xf32, #tpu.memory_space<hbm>>
    %dma_start3A_115 = arith.constant 0 : i32
    %dma_start3A_116 = tpu.memref_slice %arg18[%add3A_110, %dma_start3A_115] : memref<64x64xf32, #tpu.memory_space<vmem>> -> memref<1x64xf32, #tpu.memory_space<vmem>>
    %dma_start3A_117 = arith.constant 0 : i32
    %dma_start3A_118 = tpu.memref_slice %arg8[%squeeze3A_106, %dma_start3A_117] : memref<1000000x64xf32, #tpu.memory_space<hbm>> -> memref<1x64xf32, #tpu.memory_space<hbm>>
    tpu.enqueue_dma source(%dma_start3A_118 : memref<1x64xf32, #tpu.memory_space<hbm>>) target(%dma_start3A_116 : memref<1x64xf32, #tpu.memory_space<vmem>>) target_semaphore(%arg22 : memref<!tpu.dma_semaphore, #tpu.memory_space<semaphore_mem>>)
    %get3A_119 = arith.constant 1 : index
    %get3A_120 = tpu.vector_load %arg16[%get3A_119] {strides = array<i32>} : memref<528xi32, #tpu.memory_space<vmem>>, vector<16xi32>,
    %slice3A_121 = vector.extract_strided_slice %get3A_120 {offsets = [0], sizes = [1], strides = [1]} : vector<16xi32> to vector<1xi32>
    %squeeze3A_122 = vector.extract %slice3A_121[0] : i32 from vector<1xi32>
    %mul3A_123 = arith.constant 4 : i32
    %mul3A_124 = arith.muli %rem3A_70, %mul3A_123 : i32
    %add3A_125 = arith.constant 3 : i32
    %add3A_126 = arith.addi %mul3A_124, %add3A_125 : i32
    %dma_start3A_127 = arith.constant 0 : i32
    %dma_start3A_128 = tpu.memref_slice %arg18[%add3A_126, %dma_start3A_127] : memref<64x64xf32, #tpu.memory_space<vmem>> -> memref<1x64xf32, #tpu.memory_space<vmem>>
    %dma_start3A_129 = arith.constant 0 : i32
    %dma_start3A_130 = tpu.memref_slice %arg8[%squeeze3A_122, %dma_start3A_129] : memref<1000000x64xf32, #tpu.memory_space<hbm>> -> memref<1x64xf32, #tpu.memory_space<hbm>>
    %dma_start3A_131 = arith.constant 0 : i32
    %dma_start3A_132 = tpu.memref_slice %arg18[%add3A_126, %dma_start3A_131] : memref<64x64xf32, #tpu.memory_space<vmem>> -> memref<1x64xf32, #tpu.memory_space<vmem>>
    %dma_start3A_133 = arith.constant 0 : i32
    %dma_start3A_134 = tpu.memref_slice %arg8[%squeeze3A_122, %dma_start3A_133] : memref<1000000x64xf32, #tpu.memory_space<hbm>> -> memref<1x64xf32, #tpu.memory_space<hbm>>
    tpu.enqueue_dma source(%dma_start3A_134 : memref<1x64xf32, #tpu.memory_space<hbm>>) target(%dma_start3A_132 : memref<1x64xf32, #tpu.memory_space<vmem>>) target_semaphore(%arg22 : memref<!tpu.dma_semaphore, #tpu.memory_space<semaphore_mem>>)
    %rem3A_135 = arith.constant 2 : i32
    %rem3A_136 = arith.constant 16 : i32
    %rem3A_137 = arith.remsi %rem3A_135, %rem3A_136 : i32
    %get3A_138 = arith.constant 2 : index
    %get3A_139 = tpu.vector_load %arg12[%get3A_138] {strides = array<i32>} : memref<528xi32, #tpu.memory_space<vmem>>, vector<16xi32>,
    %slice3A_140 = vector.extract_strided_slice %get3A_139 {offsets = [0], sizes = [1], strides = [1]} : vector<16xi32> to vector<1xi32>
    %squeeze3A_141 = vector.extract %slice3A_140[0] : i32 from vector<1xi32>
    %mul3A_142 = arith.constant 4 : i32
    %mul3A_143 = arith.muli %rem3A_137, %mul3A_142 : i32
    %add3A_144 = arith.constant 0 : i32
    %add3A_145 = arith.addi %mul3A_143, %add3A_144 : i32
    %dma_start3A_146 = arith.constant 0 : i32
    %dma_start3A_147 = tpu.memref_slice %arg18[%add3A_145, %dma_start3A_146] : memref<64x64xf32, #tpu.memory_space<vmem>> -> memref<1x64xf32, #tpu.memory_space<vmem>>
    %dma_start3A_148 = arith.constant 0 : i32
    %dma_start3A_149 = tpu.memref_slice %arg8[%squeeze3A_141, %dma_start3A_148] : memref<1000000x64xf32, #tpu.memory_space<hbm>> -> memref<1x64xf32, #tpu.memory_space<hbm>>
    %dma_start3A_150 = arith.constant 0 : i32
    %dma_start3A_151 = tpu.memref_slice %arg18[%add3A_145, %dma_start3A_150] : memref<64x64xf32, #tpu.memory_space<vmem>> -> memref<1x64xf32, #tpu.memory_space<vmem>>
    %dma_start3A_152 = arith.constant 0 : i32
    %dma_start3A_153 = tpu.memref_slice %arg8[%squeeze3A_141, %dma_start3A_152] : memref<1000000x64xf32, #tpu.memory_space<hbm>> -> memref<1x64xf32, #tpu.memory_space<hbm>>
    tpu.enqueue_dma source(%dma_start3A_153 : memref<1x64xf32, #tpu.memory_space<hbm>>) target(%dma_start3A_151 : memref<1x64xf32, #tpu.memory_space<vmem>>) target_semaphore(%arg22 : memref<!tpu.dma_semaphore, #tpu.memory_space<semaphore_mem>>)
    %get3A_154 = arith.constant 2 : index
    %get3A_155 = tpu.vector_load %arg13[%get3A_154] {strides = array<i32>} : memref<528xi32, #tpu.memory_space<vmem>>, vector<16xi32>,
    %slice3A_156 = vector.extract_strided_slice %get3A_155 {offsets = [0], sizes = [1], strides = [1]} : vector<16xi32> to vector<1xi32>
    %squeeze3A_157 = vector.extract %slice3A_156[0] : i32 from vector<1xi32>
    %mul3A_158 = arith.constant 4 : i32
    %mul3A_159 = arith.muli %rem3A_137, %mul3A_158 : i32
    %add3A_160 = arith.constant 1 : i32
    %add3A_161 = arith.addi %mul3A_159, %add3A_160 : i32
    %dma_start3A_162 = arith.constant 0 : i32
    %dma_start3A_163 = tpu.memref_slice %arg18[%add3A_161, %dma_start3A_162] : memref<64x64xf32, #tpu.memory_space<vmem>> -> memref<1x64xf32, #tpu.memory_space<vmem>>
    %dma_start3A_164 = arith.constant 0 : i32
    %dma_start3A_165 = tpu.memref_slice %arg8[%squeeze3A_157, %dma_start3A_164] : memref<1000000x64xf32, #tpu.memory_space<hbm>> -> memref<1x64xf32, #tpu.memory_space<hbm>>
    %dma_start3A_166 = arith.constant 0 : i32
    %dma_start3A_167 = tpu.memref_slice %arg18[%add3A_161, %dma_start3A_166] : memref<64x64xf32, #tpu.memory_space<vmem>> -> memref<1x64xf32, #tpu.memory_space<vmem>>
    %dma_start3A_168 = arith.constant 0 : i32
    %dma_start3A_169 = tpu.memref_slice %arg8[%squeeze3A_157, %dma_start3A_168] : memref<1000000x64xf32, #tpu.memory_space<hbm>> -> memref<1x64xf32, #tpu.memory_space<hbm>>
    tpu.enqueue_dma source(%dma_start3A_169 : memref<1x64xf32, #tpu.memory_space<hbm>>) target(%dma_start3A_167 : memref<1x64xf32, #tpu.memory_space<vmem>>) target_semaphore(%arg22 : memref<!tpu.dma_semaphore, #tpu.memory_space<semaphore_mem>>)
    %get3A_170 = arith.constant 2 : index
    %get3A_171 = tpu.vector_load %arg15[%get3A_170] {strides = array<i32>} : memref<528xi32, #tpu.memory_space<vmem>>, vector<16xi32>,
    %slice3A_172 = vector.extract_strided_slice %get3A_171 {offsets = [0], sizes = [1], strides = [1]} : vector<16xi32> to vector<1xi32>
    %squeeze3A_173 = vector.extract %slice3A_172[0] : i32 from vector<1xi32>
    %mul3A_174 = arith.constant 4 : i32
    %mul3A_175 = arith.muli %rem3A_137, %mul3A_174 : i32
    %add3A_176 = arith.constant 2 : i32
    %add3A_177 = arith.addi %mul3A_175, %add3A_176 : i32
    %dma_start3A_178 = arith.constant 0 : i32
    %dma_start3A_179 = tpu.memref_slice %arg18[%add3A_177, %dma_start3A_178] : memref<64x64xf32, #tpu.memory_space<vmem>> -> memref<1x64xf32, #tpu.memory_space<vmem>>
    %dma_start3A_180 = arith.constant 0 : i32
    %dma_start3A_181 = tpu.memref_slice %arg8[%squeeze3A_173, %dma_start3A_180] : memref<1000000x64xf32, #tpu.memory_space<hbm>> -> memref<1x64xf32, #tpu.memory_space<hbm>>
    %dma_start3A_182 = arith.constant 0 : i32
    %dma_start3A_183 = tpu.memref_slice %arg18[%add3A_177, %dma_start3A_182] : memref<64x64xf32, #tpu.memory_space<vmem>> -> memref<1x64xf32, #tpu.memory_space<vmem>>
    %dma_start3A_184 = arith.constant 0 : i32
    %dma_start3A_185 = tpu.memref_slice %arg8[%squeeze3A_173, %dma_start3A_184] : memref<1000000x64xf32, #tpu.memory_space<hbm>> -> memref<1x64xf32, #tpu.memory_space<hbm>>
    tpu.enqueue_dma source(%dma_start3A_185 : memref<1x64xf32, #tpu.memory_space<hbm>>) target(%dma_start3A_183 : memref<1x64xf32, #tpu.memory_space<vmem>>) target_semaphore(%arg22 : memref<!tpu.dma_semaphore, #tpu.memory_space<semaphore_mem>>)
    %get3A_186 = arith.constant 2 : index
    %get3A_187 = tpu.vector_load %arg16[%get3A_186] {strides = array<i32>} : memref<528xi32, #tpu.memory_space<vmem>>, vector<16xi32>,
    %slice3A_188 = vector.extract_strided_slice %get3A_187 {offsets = [0], sizes = [1], strides = [1]} : vector<16xi32> to vector<1xi32>
    %squeeze3A_189 = vector.extract %slice3A_188[0] : i32 from vector<1xi32>
    %mul3A_190 = arith.constant 4 : i32
    %mul3A_191 = arith.muli %rem3A_137, %mul3A_190 : i32
    %add3A_192 = arith.constant 3 : i32
    %add3A_193 = arith.addi %mul3A_191, %add3A_192 : i32
    %dma_start3A_194 = arith.constant 0 : i32
    %dma_start3A_195 = tpu.memref_slice %arg18[%add3A_193, %dma_start3A_194] : memref<64x64xf32, #tpu.memory_space<vmem>> -> memref<1x64xf32, #tpu.memory_space<vmem>>
    %dma_start3A_196 = arith.constant 0 : i32
    %dma_start3A_197 = tpu.memref_slice %arg8[%squeeze3A_189, %dma_start3A_196] : memref<1000000x64xf32, #tpu.memory_space<hbm>> -> memref<1x64xf32, #tpu.memory_space<hbm>>
    %dma_start3A_198 = arith.constant 0 : i32
    %dma_start3A_199 = tpu.memref_slice %arg18[%add3A_193, %dma_start3A_198] : memref<64x64xf32, #tpu.memory_space<vmem>> -> memref<1x64xf32, #tpu.memory_space<vmem>>
    %dma_start3A_200 = arith.constant 0 : i32
    %dma_start3A_201 = tpu.memref_slice %arg8[%squeeze3A_189, %dma_start3A_200] : memref<1000000x64xf32, #tpu.memory_space<hbm>> -> memref<1x64xf32, #tpu.memory_space<hbm>>
    tpu.enqueue_dma source(%dma_start3A_201 : memref<1x64xf32, #tpu.memory_space<hbm>>) target(%dma_start3A_199 : memref<1x64xf32, #tpu.memory_space<vmem>>) target_semaphore(%arg22 : memref<!tpu.dma_semaphore, #tpu.memory_space<semaphore_mem>>)
    %rem3A_202 = arith.constant 3 : i32
    %rem3A_203 = arith.constant 16 : i32
    %rem3A_204 = arith.remsi %rem3A_202, %rem3A_203 : i32
    %get3A_205 = arith.constant 3 : index
    %get3A_206 = tpu.vector_load %arg12[%get3A_205] {strides = array<i32>} : memref<528xi32, #tpu.memory_space<vmem>>, vector<16xi32>,
    %slice3A_207 = vector.extract_strided_slice %get3A_206 {offsets = [0], sizes = [1], strides = [1]} : vector<16xi32> to vector<1xi32>
    %squeeze3A_208 = vector.extract %slice3A_207[0] : i32 from vector<1xi32>
    %mul3A_209 = arith.constant 4 : i32
    %mul3A_210 = arith.muli %rem3A_204, %mul3A_209 : i32
    %add3A_211 = arith.constant 0 : i32
    %add3A_212 = arith.addi %mul3A_210, %add3A_211 : i32
    %dma_start3A_213 = arith.constant 0 : i32
    %dma_start3A_214 = tpu.memref_slice %arg18[%add3A_212, %dma_start3A_213] : memref<64x64xf32, #tpu.memory_space<vmem>> -> memref<1x64xf32, #tpu.memory_space<vmem>>
    %dma_start3A_215 = arith.constant 0 : i32
    %dma_start3A_216 = tpu.memref_slice %arg8[%squeeze3A_208, %dma_start3A_215] : memref<1000000x64xf32, #tpu.memory_space<hbm>> -> memref<1x64xf32, #tpu.memory_space<hbm>>
    %dma_start3A_217 = arith.constant 0 : i32
    %dma_start3A_218 = tpu.memref_slice %arg18[%add3A_212, %dma_start3A_217] : memref<64x64xf32, #tpu.memory_space<vmem>> -> memref<1x64xf32, #tpu.memory_space<vmem>>
    %dma_start3A_219 = arith.constant 0 : i32
    %dma_start3A_220 = tpu.memref_slice %arg8[%squeeze3A_208, %dma_start3A_219] : memref<1000000x64xf32, #tpu.memory_space<hbm>> -> memref<1x64xf32, #tpu.memory_space<hbm>>
    tpu.enqueue_dma source(%dma_start3A_220 : memref<1x64xf32, #tpu.memory_space<hbm>>) target(%dma_start3A_218 : memref<1x64xf32, #tpu.memory_space<vmem>>) target_semaphore(%arg22 : memref<!tpu.dma_semaphore, #tpu.memory_space<semaphore_mem>>)
    %get3A_221 = arith.constant 3 : index
    %get3A_222 = tpu.vector_load %arg13[%get3A_221] {strides = array<i32>} : memref<528xi32, #tpu.memory_space<vmem>>, vector<16xi32>,
    %slice3A_223 = vector.extract_strided_slice %get3A_222 {offsets = [0], sizes = [1], strides = [1]} : vector<16xi32> to vector<1xi32>
    %squeeze3A_224 = vector.extract %slice3A_223[0] : i32 from vector<1xi32>
    %mul3A_225 = arith.constant 4 : i32
    %mul3A_226 = arith.muli %rem3A_204, %mul3A_225 : i32
    %add3A_227 = arith.constant 1 : i32
    %add3A_228 = arith.addi %mul3A_226, %add3A_227 : i32
    %dma_start3A_229 = arith.constant 0 : i32
    %dma_start3A_230 = tpu.memref_slice %arg18[%add3A_228, %dma_start3A_229] : memref<64x64xf32, #tpu.memory_space<vmem>> -> memref<1x64xf32, #tpu.memory_space<vmem>>
    %dma_start3A_231 = arith.constant 0 : i32
    %dma_start3A_232 = tpu.memref_slice %arg8[%squeeze3A_224, %dma_start3A_231] : memref<1000000x64xf32, #tpu.memory_space<hbm>> -> memref<1x64xf32, #tpu.memory_space<hbm>>
    %dma_start3A_233 = arith.constant 0 : i32
    %dma_start3A_234 = tpu.memref_slice %arg18[%add3A_228, %dma_start3A_233] : memref<64x64xf32, #tpu.memory_space<vmem>> -> memref<1x64xf32, #tpu.memory_space<vmem>>
    %dma_start3A_235 = arith.constant 0 : i32
    %dma_start3A_236 = tpu.memref_slice %arg8[%squeeze3A_224, %dma_start3A_235] : memref<1000000x64xf32, #tpu.memory_space<hbm>> -> memref<1x64xf32, #tpu.memory_space<hbm>>
    tpu.enqueue_dma source(%dma_start3A_236 : memref<1x64xf32, #tpu.memory_space<hbm>>) target(%dma_start3A_234 : memref<1x64xf32, #tpu.memory_space<vmem>>) target_semaphore(%arg22 : memref<!tpu.dma_semaphore, #tpu.memory_space<semaphore_mem>>)
    %get3A_237 = arith.constant 3 : index
    %get3A_238 = tpu.vector_load %arg15[%get3A_237] {strides = array<i32>} : memref<528xi32, #tpu.memory_space<vmem>>, vector<16xi32>,
    %slice3A_239 = vector.extract_strided_slice %get3A_238 {offsets = [0], sizes = [1], strides = [1]} : vector<16xi32> to vector<1xi32>
    %squeeze3A_240 = vector.extract %slice3A_239[0] : i32 from vector<1xi32>
    %mul3A_241 = arith.constant 4 : i32
    %mul3A_242 = arith.muli %rem3A_204, %mul3A_241 : i32
    %add3A_243 = arith.constant 2 : i32
    %add3A_244 = arith.addi %mul3A_242, %add3A_243 : i32
    %dma_start3A_245 = arith.constant 0 : i32
    %dma_start3A_246 = tpu.memref_slice %arg18[%add3A_244, %dma_start3A_245] : memref<64x64xf32, #tpu.memory_space<vmem>> -> memref<1x64xf32, #tpu.memory_space<vmem>>
    %dma_start3A_247 = arith.constant 0 : i32
    %dma_start3A_248 = tpu.memref_slice %arg8[%squeeze3A_240, %dma_start3A_247] : memref<1000000x64xf32, #tpu.memory_space<hbm>> -> memref<1x64xf32, #tpu.memory_space<hbm>>
    %dma_start3A_249 = arith.constant 0 : i32
    %dma_start3A_250 = tpu.memref_slice %arg18[%add3A_244, %dma_start3A_249] : memref<64x64xf32, #tpu.memory_space<vmem>> -> memref<1x64xf32, #tpu.memory_space<vmem>>
    %dma_start3A_251 = arith.constant 0 : i32
    %dma_start3A_252 = tpu.memref_slice %arg8[%squeeze3A_240, %dma_start3A_251] : memref<1000000x64xf32, #tpu.memory_space<hbm>> -> memref<1x64xf32, #tpu.memory_space<hbm>>
    tpu.enqueue_dma source(%dma_start3A_252 : memref<1x64xf32, #tpu.memory_space<hbm>>) target(%dma_start3A_250 : memref<1x64xf32, #tpu.memory_space<vmem>>) target_semaphore(%arg22 : memref<!tpu.dma_semaphore, #tpu.memory_space<semaphore_mem>>)
    %get3A_253 = arith.constant 3 : index
    %get3A_254 = tpu.vector_load %arg16[%get3A_253] {strides = array<i32>} : memref<528xi32, #tpu.memory_space<vmem>>, vector<16xi32>,
    %slice3A_255 = vector.extract_strided_slice %get3A_254 {offsets = [0], sizes = [1], strides = [1]} : vector<16xi32> to vector<1xi32>
    %squeeze3A_256 = vector.extract %slice3A_255[0] : i32 from vector<1xi32>
    %mul3A_257 = arith.constant 4 : i32
    %mul3A_258 = arith.muli %rem3A_204, %mul3A_257 : i32
    %add3A_259 = arith.constant 3 : i32
    %add3A_260 = arith.addi %mul3A_258, %add3A_259 : i32
    %dma_start3A_261 = arith.constant 0 : i32
    %dma_start3A_262 = tpu.memref_slice %arg18[%add3A_260, %dma_start3A_261] : memref<64x64xf32, #tpu.memory_space<vmem>> -> memref<1x64xf32, #tpu.memory_space<vmem>>
    %dma_start3A_263 = arith.constant 0 : i32
    %dma_start3A_264 = tpu.memref_slice %arg8[%squeeze3A_256, %dma_start3A_263] : memref<1000000x64xf32, #tpu.memory_space<hbm>> -> memref<1x64xf32, #tpu.memory_space<hbm>>
    %dma_start3A_265 = arith.constant 0 : i32
    %dma_start3A_266 = tpu.memref_slice %arg18[%add3A_260, %dma_start3A_265] : memref<64x64xf32, #tpu.memory_space<vmem>> -> memref<1x64xf32, #tpu.memory_space<vmem>>
    %dma_start3A_267 = arith.constant 0 : i32
    %dma_start3A_268 = tpu.memref_slice %arg8[%squeeze3A_256, %dma_start3A_267] : memref<1000000x64xf32, #tpu.memory_space<hbm>> -> memref<1x64xf32, #tpu.memory_space<hbm>>
    tpu.enqueue_dma source(%dma_start3A_268 : memref<1x64xf32, #tpu.memory_space<hbm>>) target(%dma_start3A_266 : memref<1x64xf32, #tpu.memory_space<vmem>>) target_semaphore(%arg22 : memref<!tpu.dma_semaphore, #tpu.memory_space<semaphore_mem>>)
    %rem3A_269 = arith.constant 4 : i32
    %rem3A_270 = arith.constant 16 : i32
    %rem3A_271 = arith.remsi %rem3A_269, %rem3A_270 : i32
    %get3A_272 = arith.constant 4 : index
    %get3A_273 = tpu.vector_load %arg12[%get3A_272] {strides = array<i32>} : memref<528xi32, #tpu.memory_space<vmem>>, vector<16xi32>,
    %slice3A_274 = vector.extract_strided_slice %get3A_273 {offsets = [0], sizes = [1], strides = [1]} : vector<16xi32> to vector<1xi32>
    %squeeze3A_275 = vector.extract %slice3A_274[0] : i32 from vector<1xi32>
    %mul3A_276 = arith.constant 4 : i32
    %mul3A_277 = arith.muli %rem3A_271, %mul3A_276 : i32
    %add3A_278 = arith.constant 0 : i32
    %add3A_279 = arith.addi %mul3A_277, %add3A_278 : i32
    %dma_start3A_280 = arith.constant 0 : i32
    %dma_start3A_281 = tpu.memref_slice %arg18[%add3A_279, %dma_start3A_280] : memref<64x64xf32, #tpu.memory_space<vmem>> -> memref<1x64xf32, #tpu.memory_space<vmem>>
    %dma_start3A_282 = arith.constant 0 : i32
    %dma_start3A_283 = tpu.memref_slice %arg8[%squeeze3A_275, %dma_start3A_282] : memref<1000000x64xf32, #tpu.memory_space<hbm>> -> memref<1x64xf32, #tpu.memory_space<hbm>>
    %dma_start3A_284 = arith.constant 0 : i32
    %dma_start3A_285 = tpu.memref_slice %arg18[%add3A_279, %dma_start3A_284] : memref<64x64xf32, #tpu.memory_space<vmem>> -> memref<1x64xf32, #tpu.memory_space<vmem>>
    %dma_start3A_286 = arith.constant 0 : i32
    %dma_start3A_287 = tpu.memref_slice %arg8[%squeeze3A_275, %dma_start3A_286] : memref<1000000x64xf32, #tpu.memory_space<hbm>> -> memref<1x64xf32, #tpu.memory_space<hbm>>
    tpu.enqueue_dma source(%dma_start3A_287 : memref<1x64xf32, #tpu.memory_space<hbm>>) target(%dma_start3A_285 : memref<1x64xf32, #tpu.memory_space<vmem>>) target_semaphore(%arg22 : memref<!tpu.dma_semaphore, #tpu.memory_space<semaphore_mem>>)
    %get3A_288 = arith.constant 4 : index
    %get3A_289 = tpu.vector_load %arg13[%get3A_288] {strides = array<i32>} : memref<528xi32, #tpu.memory_space<vmem>>, vector<16xi32>,
    %slice3A_290 = vector.extract_strided_slice %get3A_289 {offsets = [0], sizes = [1], strides = [1]} : vector<16xi32> to vector<1xi32>
    %squeeze3A_291 = vector.extract %slice3A_290[0] : i32 from vector<1xi32>
    %mul3A_292 = arith.constant 4 : i32
    %mul3A_293 = arith.muli %rem3A_271, %mul3A_292 : i32
    %add3A_294 = arith.constant 1 : i32
    %add3A_295 = arith.addi %mul3A_293, %add3A_294 : i32
    %dma_start3A_296 = arith.constant 0 : i32
    %dma_start3A_297 = tpu.memref_slice %arg18[%add3A_295, %dma_start3A_296] : memref<64x64xf32, #tpu.memory_space<vmem>> -> memref<1x64xf32, #tpu.memory_space<vmem>>
    %dma_start3A_298 = arith.constant 0 : i32
    %dma_start3A_299 = tpu.memref_slice %arg8[%squeeze3A_291, %dma_start3A_298] : memref<1000000x64xf32, #tpu.memory_space<hbm>> -> memref<1x64xf32, #tpu.memory_space<hbm>>
    %dma_start3A_300 = arith.constant 0 : i32
    %dma_start3A_301 = tpu.memref_slice %arg18[%add3A_295, %dma_start3A_300] : memref<64x64xf32, #tpu.memory_space<vmem>> -> memref<1x64xf32, #tpu.memory_space<vmem>>
    %dma_start3A_302 = arith.constant 0 : i32
    %dma_start3A_303 = tpu.memref_slice %arg8[%squeeze3A_291, %dma_start3A_302] : memref<1000000x64xf32, #tpu.memory_space<hbm>> -> memref<1x64xf32, #tpu.memory_space<hbm>>
    tpu.enqueue_dma source(%dma_start3A_303 : memref<1x64xf32, #tpu.memory_space<hbm>>) target(%dma_start3A_301 : memref<1x64xf32, #tpu.memory_space<vmem>>) target_semaphore(%arg22 : memref<!tpu.dma_semaphore, #tpu.memory_space<semaphore_mem>>)
    %get3A_304 = arith.constant 4 : index
    %get3A_305 = tpu.vector_load %arg15[%get3A_304] {strides = array<i32>} : memref<528xi32, #tpu.memory_space<vmem>>, vector<16xi32>,
    %slice3A_306 = vector.extract_strided_slice %get3A_305 {offsets = [0], sizes = [1], strides = [1]} : vector<16xi32> to vector<1xi32>
    %squeeze3A_307 = vector.extract %slice3A_306[0] : i32 from vector<1xi32>
    %mul3A_308 = arith.constant 4 : i32
    %mul3A_309 = arith.muli %rem3A_271, %mul3A_308 : i32
    %add3A_310 = arith.constant 2 : i32
    %add3A_311 = arith.addi %mul3A_309, %add3A_310 : i32
    %dma_start3A_312 = arith.constant 0 : i32
    %dma_start3A_313 = tpu.memref_slice %arg18[%add3A_311, %dma_start3A_312] : memref<64x64xf32, #tpu.memory_space<vmem>> -> memref<1x64xf32, #tpu.memory_space<vmem>>
    %dma_start3A_314 = arith.constant 0 : i32
    %dma_start3A_315 = tpu.memref_slice %arg8[%squeeze3A_307, %dma_start3A_314] : memref<1000000x64xf32, #tpu.memory_space<hbm>> -> memref<1x64xf32, #tpu.memory_space<hbm>>
    %dma_start3A_316 = arith.constant 0 : i32
    %dma_start3A_317 = tpu.memref_slice %arg18[%add3A_311, %dma_start3A_316] : memref<64x64xf32, #tpu.memory_space<vmem>> -> memref<1x64xf32, #tpu.memory_space<vmem>>
    %dma_start3A_318 = arith.constant 0 : i32
    %dma_start3A_319 = tpu.memref_slice %arg8[%squeeze3A_307, %dma_start3A_318] : memref<1000000x64xf32, #tpu.memory_space<hbm>> -> memref<1x64xf32, #tpu.memory_space<hbm>>
    tpu.enqueue_dma source(%dma_start3A_319 : memref<1x64xf32, #tpu.memory_space<hbm>>) target(%dma_start3A_317 : memref<1x64xf32, #tpu.memory_space<vmem>>) target_semaphore(%arg22 : memref<!tpu.dma_semaphore, #tpu.memory_space<semaphore_mem>>)
    %get3A_320 = arith.constant 4 : index
    %get3A_321 = tpu.vector_load %arg16[%get3A_320] {strides = array<i32>} : memref<528xi32, #tpu.memory_space<vmem>>, vector<16xi32>,
    %slice3A_322 = vector.extract_strided_slice %get3A_321 {offsets = [0], sizes = [1], strides = [1]} : vector<16xi32> to vector<1xi32>
    %squeeze3A_323 = vector.extract %slice3A_322[0] : i32 from vector<1xi32>
    %mul3A_324 = arith.constant 4 : i32
    %mul3A_325 = arith.muli %rem3A_271, %mul3A_324 : i32
    %add3A_326 = arith.constant 3 : i32
    %add3A_327 = arith.addi %mul3A_325, %add3A_326 : i32
    %dma_start3A_328 = arith.constant 0 : i32
    %dma_start3A_329 = tpu.memref_slice %arg18[%add3A_327, %dma_start3A_328] : memref<64x64xf32, #tpu.memory_space<vmem>> -> memref<1x64xf32, #tpu.memory_space<vmem>>
    %dma_start3A_330 = arith.constant 0 : i32
    %dma_start3A_331 = tpu.memref_slice %arg8[%squeeze3A_323, %dma_start3A_330] : memref<1000000x64xf32, #tpu.memory_space<hbm>> -> memref<1x64xf32, #tpu.memory_space<hbm>>
    %dma_start3A_332 = arith.constant 0 : i32
    %dma_start3A_333 = tpu.memref_slice %arg18[%add3A_327, %dma_start3A_332] : memref<64x64xf32, #tpu.memory_space<vmem>> -> memref<1x64xf32, #tpu.memory_space<vmem>>
    %dma_start3A_334 = arith.constant 0 : i32
    %dma_start3A_335 = tpu.memref_slice %arg8[%squeeze3A_323, %dma_start3A_334] : memref<1000000x64xf32, #tpu.memory_space<hbm>> -> memref<1x64xf32, #tpu.memory_space<hbm>>
    tpu.enqueue_dma source(%dma_start3A_335 : memref<1x64xf32, #tpu.memory_space<hbm>>) target(%dma_start3A_333 : memref<1x64xf32, #tpu.memory_space<vmem>>) target_semaphore(%arg22 : memref<!tpu.dma_semaphore, #tpu.memory_space<semaphore_mem>>)
    %rem3A_336 = arith.constant 5 : i32
    %rem3A_337 = arith.constant 16 : i32
    %rem3A_338 = arith.remsi %rem3A_336, %rem3A_337 : i32
    %get3A_339 = arith.constant 5 : index
    %get3A_340 = tpu.vector_load %arg12[%get3A_339] {strides = array<i32>} : memref<528xi32, #tpu.memory_space<vmem>>, vector<16xi32>,
    %slice3A_341 = vector.extract_strided_slice %get3A_340 {offsets = [0], sizes = [1], strides = [1]} : vector<16xi32> to vector<1xi32>
    %squeeze3A_342 = vector.extract %slice3A_341[0] : i32 from vector<1xi32>
    %mul3A_343 = arith.constant 4 : i32
    %mul3A_344 = arith.muli %rem3A_338, %mul3A_343 : i32
    %add3A_345 = arith.constant 0 : i32
    %add3A_346 = arith.addi %mul3A_344, %add3A_345 : i32
    %dma_start3A_347 = arith.constant 0 : i32
    %dma_start3A_348 = tpu.memref_slice %arg18[%add3A_346, %dma_start3A_347] : memref<64x64xf32, #tpu.memory_space<vmem>> -> memref<1x64xf32, #tpu.memory_space<vmem>>
    %dma_start3A_349 = arith.constant 0 : i32
    %dma_start3A_350 = tpu.memref_slice %arg8[%squeeze3A_342, %dma_start3A_349] : memref<1000000x64xf32, #tpu.memory_space<hbm>> -> memref<1x64xf32, #tpu.memory_space<hbm>>
    %dma_start3A_351 = arith.constant 0 : i32
    %dma_start3A_352 = tpu.memref_slice %arg18[%add3A_346, %dma_start3A_351] : memref<64x64xf32, #tpu.memory_space<vmem>> -> memref<1x64xf32, #tpu.memory_space<vmem>>
    %dma_start3A_353 = arith.constant 0 : i32
    %dma_start3A_354 = tpu.memref_slice %arg8[%squeeze3A_342, %dma_start3A_353] : memref<1000000x64xf32, #tpu.memory_space<hbm>> -> memref<1x64xf32, #tpu.memory_space<hbm>>
    tpu.enqueue_dma source(%dma_start3A_354 : memref<1x64xf32, #tpu.memory_space<hbm>>) target(%dma_start3A_352 : memref<1x64xf32, #tpu.memory_space<vmem>>) target_semaphore(%arg22 : memref<!tpu.dma_semaphore, #tpu.memory_space<semaphore_mem>>)
    %get3A_355 = arith.constant 5 : index
    %get3A_356 = tpu.vector_load %arg13[%get3A_355] {strides = array<i32>} : memref<528xi32, #tpu.memory_space<vmem>>, vector<16xi32>,
    %slice3A_357 = vector.extract_strided_slice %get3A_356 {offsets = [0], sizes = [1], strides = [1]} : vector<16xi32> to vector<1xi32>
    %squeeze3A_358 = vector.extract %slice3A_357[0] : i32 from vector<1xi32>
    %mul3A_359 = arith.constant 4 : i32
    %mul3A_360 = arith.muli %rem3A_338, %mul3A_359 : i32
    %add3A_361 = arith.constant 1 : i32
    %add3A_362 = arith.addi %mul3A_360, %add3A_361 : i32
    %dma_start3A_363 = arith.constant 0 : i32
    %dma_start3A_364 = tpu.memref_slice %arg18[%add3A_362, %dma_start3A_363] : memref<64x64xf32, #tpu.memory_space<vmem>> -> memref<1x64xf32, #tpu.memory_space<vmem>>
    %dma_start3A_365 = arith.constant 0 : i32
    %dma_start3A_366 = tpu.memref_slice %arg8[%squeeze3A_358, %dma_start3A_365] : memref<1000000x64xf32, #tpu.memory_space<hbm>> -> memref<1x64xf32, #tpu.memory_space<hbm>>
    %dma_start3A_367 = arith.constant 0 : i32
    %dma_start3A_368 = tpu.memref_slice %arg18[%add3A_362, %dma_start3A_367] : memref<64x64xf32, #tpu.memory_space<vmem>> -> memref<1x64xf32, #tpu.memory_space<vmem>>
    %dma_start3A_369 = arith.constant 0 : i32
    %dma_start3A_370 = tpu.memref_slice %arg8[%squeeze3A_358, %dma_start3A_369] : memref<1000000x64xf32, #tpu.memory_space<hbm>> -> memref<1x64xf32, #tpu.memory_space<hbm>>
    tpu.enqueue_dma source(%dma_start3A_370 : memref<1x64xf32, #tpu.memory_space<hbm>>) target(%dma_start3A_368 : memref<1x64xf32, #tpu.memory_space<vmem>>) target_semaphore(%arg22 : memref<!tpu.dma_semaphore, #tpu.memory_space<semaphore_mem>>)
    %get3A_371 = arith.constant 5 : index
    %get3A_372 = tpu.vector_load %arg15[%get3A_371] {strides = array<i32>} : memref<528xi32, #tpu.memory_space<vmem>>, vector<16xi32>,
    %slice3A_373 = vector.extract_strided_slice %get3A_372 {offsets = [0], sizes = [1], strides = [1]} : vector<16xi32> to vector<1xi32>
    %squeeze3A_374 = vector.extract %slice3A_373[0] : i32 from vector<1xi32>
    %mul3A_375 = arith.constant 4 : i32
    %mul3A_376 = arith.muli %rem3A_338, %mul3A_375 : i32
    %add3A_377 = arith.constant 2 : i32
    %add3A_378 = arith.addi %mul3A_376, %add3A_377 : i32
    %dma_start3A_379 = arith.constant 0 : i32
    %dma_start3A_380 = tpu.memref_slice %arg18[%add3A_378, %dma_start3A_379] : memref<64x64xf32, #tpu.memory_space<vmem>> -> memref<1x64xf32, #tpu.memory_space<vmem>>
    %dma_start3A_381 = arith.constant 0 : i32
    %dma_start3A_382 = tpu.memref_slice %arg8[%squeeze3A_374, %dma_start3A_381] : memref<1000000x64xf32, #tpu.memory_space<hbm>> -> memref<1x64xf32, #tpu.memory_space<hbm>>
    %dma_start3A_383 = arith.constant 0 : i32
    %dma_start3A_384 = tpu.memref_slice %arg18[%add3A_378, %dma_start3A_383] : memref<64x64xf32, #tpu.memory_space<vmem>> -> memref<1x64xf32, #tpu.memory_space<vmem>>
    %dma_start3A_385 = arith.constant 0 : i32
    %dma_start3A_386 = tpu.memref_slice %arg8[%squeeze3A_374, %dma_start3A_385] : memref<1000000x64xf32, #tpu.memory_space<hbm>> -> memref<1x64xf32, #tpu.memory_space<hbm>>
    tpu.enqueue_dma source(%dma_start3A_386 : memref<1x64xf32, #tpu.memory_space<hbm>>) target(%dma_start3A_384 : memref<1x64xf32, #tpu.memory_space<vmem>>) target_semaphore(%arg22 : memref<!tpu.dma_semaphore, #tpu.memory_space<semaphore_mem>>)
    %get3A_387 = arith.constant 5 : index
    %get3A_388 = tpu.vector_load %arg16[%get3A_387] {strides = array<i32>} : memref<528xi32, #tpu.memory_space<vmem>>, vector<16xi32>,
    %slice3A_389 = vector.extract_strided_slice %get3A_388 {offsets = [0], sizes = [1], strides = [1]} : vector<16xi32> to vector<1xi32>
    %squeeze3A_390 = vector.extract %slice3A_389[0] : i32 from vector<1xi32>
    %mul3A_391 = arith.constant 4 : i32
    %mul3A_392 = arith.muli %rem3A_338, %mul3A_391 : i32
    %add3A_393 = arith.constant 3 : i32
    %add3A_394 = arith.addi %mul3A_392, %add3A_393 : i32
    %dma_start3A_395 = arith.constant 0 : i32
    %dma_start3A_396 = tpu.memref_slice %arg18[%add3A_394, %dma_start3A_395] : memref<64x64xf32, #tpu.memory_space<vmem>> -> memref<1x64xf32, #tpu.memory_space<vmem>>
    %dma_start3A_397 = arith.constant 0 : i32
    %dma_start3A_398 = tpu.memref_slice %arg8[%squeeze3A_390, %dma_start3A_397] : memref<1000000x64xf32, #tpu.memory_space<hbm>> -> memref<1x64xf32, #tpu.memory_space<hbm>>
    %dma_start3A_399 = arith.constant 0 : i32
    %dma_start3A_400 = tpu.memref_slice %arg18[%add3A_394, %dma_start3A_399] : memref<64x64xf32, #tpu.memory_space<vmem>> -> memref<1x64xf32, #tpu.memory_space<vmem>>
    %dma_start3A_401 = arith.constant 0 : i32
    %dma_start3A_402 = tpu.memref_slice %arg8[%squeeze3A_390, %dma_start3A_401] : memref<1000000x64xf32, #tpu.memory_space<hbm>> -> memref<1x64xf32, #tpu.memory_space<hbm>>
    tpu.enqueue_dma source(%dma_start3A_402 : memref<1x64xf32, #tpu.memory_space<hbm>>) target(%dma_start3A_400 : memref<1x64xf32, #tpu.memory_space<vmem>>) target_semaphore(%arg22 : memref<!tpu.dma_semaphore, #tpu.memory_space<semaphore_mem>>)
    %rem3A_403 = arith.constant 6 : i32
    %rem3A_404 = arith.constant 16 : i32
    %rem3A_405 = arith.remsi %rem3A_403, %rem3A_404 : i32
    %get3A_406 = arith.constant 6 : index
    %get3A_407 = tpu.vector_load %arg12[%get3A_406] {strides = array<i32>} : memref<528xi32, #tpu.memory_space<vmem>>, vector<16xi32>,
    %slice3A_408 = vector.extract_strided_slice %get3A_407 {offsets = [0], sizes = [1], strides = [1]} : vector<16xi32> to vector<1xi32>
    %squeeze3A_409 = vector.extract %slice3A_408[0] : i32 from vector<1xi32>
    %mul3A_410 = arith.constant 4 : i32
    %mul3A_411 = arith.muli %rem3A_405, %mul3A_410 : i32
    %add3A_412 = arith.constant 0 : i32
    %add3A_413 = arith.addi %mul3A_411, %add3A_412 : i32
    %dma_start3A_414 = arith.constant 0 : i32
    %dma_start3A_415 = tpu.memref_slice %arg18[%add3A_413, %dma_start3A_414] : memref<64x64xf32, #tpu.memory_space<vmem>> -> memref<1x64xf32, #tpu.memory_space<vmem>>
    %dma_start3A_416 = arith.constant 0 : i32
    %dma_start3A_417 = tpu.memref_slice %arg8[%squeeze3A_409, %dma_start3A_416] : memref<1000000x64xf32, #tpu.memory_space<hbm>> -> memref<1x64xf32, #tpu.memory_space<hbm>>
    %dma_start3A_418 = arith.constant 0 : i32
    %dma_start3A_419 = tpu.memref_slice %arg18[%add3A_413, %dma_start3A_418] : memref<64x64xf32, #tpu.memory_space<vmem>> -> memref<1x64xf32, #tpu.memory_space<vmem>>
    %dma_start3A_420 = arith.constant 0 : i32
    %dma_start3A_421 = tpu.memref_slice %arg8[%squeeze3A_409, %dma_start3A_420] : memref<1000000x64xf32, #tpu.memory_space<hbm>> -> memref<1x64xf32, #tpu.memory_space<hbm>>
    tpu.enqueue_dma source(%dma_start3A_421 : memref<1x64xf32, #tpu.memory_space<hbm>>) target(%dma_start3A_419 : memref<1x64xf32, #tpu.memory_space<vmem>>) target_semaphore(%arg22 : memref<!tpu.dma_semaphore, #tpu.memory_space<semaphore_mem>>)
    %get3A_422 = arith.constant 6 : index
    %get3A_423 = tpu.vector_load %arg13[%get3A_422] {strides = array<i32>} : memref<528xi32, #tpu.memory_space<vmem>>, vector<16xi32>,
    %slice3A_424 = vector.extract_strided_slice %get3A_423 {offsets = [0], sizes = [1], strides = [1]} : vector<16xi32> to vector<1xi32>
    %squeeze3A_425 = vector.extract %slice3A_424[0] : i32 from vector<1xi32>
    %mul3A_426 = arith.constant 4 : i32
    %mul3A_427 = arith.muli %rem3A_405, %mul3A_426 : i32
    %add3A_428 = arith.constant 1 : i32
    %add3A_429 = arith.addi %mul3A_427, %add3A_428 : i32
    %dma_start3A_430 = arith.constant 0 : i32
    %dma_start3A_431 = tpu.memref_slice %arg18[%add3A_429, %dma_start3A_430] : memref<64x64xf32, #tpu.memory_space<vmem>> -> memref<1x64xf32, #tpu.memory_space<vmem>>
    %dma_start3A_432 = arith.constant 0 : i32
    %dma_start3A_433 = tpu.memref_slice %arg8[%squeeze3A_425, %dma_start3A_432] : memref<1000000x64xf32, #tpu.memory_space<hbm>> -> memref<1x64xf32, #tpu.memory_space<hbm>>
    %dma_start3A_434 = arith.constant 0 : i32
    %dma_start3A_435 = tpu.memref_slice %arg18[%add3A_429, %dma_start3A_434] : memref<64x64xf32, #tpu.memory_space<vmem>> -> memref<1x64xf32, #tpu.memory_space<vmem>>
    %dma_start3A_436 = arith.constant 0 : i32
    %dma_start3A_437 = tpu.memref_slice %arg8[%squeeze3A_425, %dma_start3A_436] : memref<1000000x64xf32, #tpu.memory_space<hbm>> -> memref<1x64xf32, #tpu.memory_space<hbm>>
    tpu.enqueue_dma source(%dma_start3A_437 : memref<1x64xf32, #tpu.memory_space<hbm>>) target(%dma_start3A_435 : memref<1x64xf32, #tpu.memory_space<vmem>>) target_semaphore(%arg22 : memref<!tpu.dma_semaphore, #tpu.memory_space<semaphore_mem>>)
    %get3A_438 = arith.constant 6 : index
    %get3A_439 = tpu.vector_load %arg15[%get3A_438] {strides = array<i32>} : memref<528xi32, #tpu.memory_space<vmem>>, vector<16xi32>,
    %slice3A_440 = vector.extract_strided_slice %get3A_439 {offsets = [0], sizes = [1], strides = [1]} : vector<16xi32> to vector<1xi32>
    %squeeze3A_441 = vector.extract %slice3A_440[0] : i32 from vector<1xi32>
    %mul3A_442 = arith.constant 4 : i32
    %mul3A_443 = arith.muli %rem3A_405, %mul3A_442 : i32
    %add3A_444 = arith.constant 2 : i32
    %add3A_445 = arith.addi %mul3A_443, %add3A_444 : i32
    %dma_start3A_446 = arith.constant 0 : i32
    %dma_start3A_447 = tpu.memref_slice %arg18[%add3A_445, %dma_start3A_446] : memref<64x64xf32, #tpu.memory_space<vmem>> -> memref<1x64xf32, #tpu.memory_space<vmem>>
    %dma_start3A_448 = arith.constant 0 : i32
    %dma_start3A_449 = tpu.memref_slice %arg8[%squeeze3A_441, %dma_start3A_448] : memref<1000000x64xf32, #tpu.memory_space<hbm>> -> memref<1x64xf32, #tpu.memory_space<hbm>>
    %dma_start3A_450 = arith.constant 0 : i32
    %dma_start3A_451 = tpu.memref_slice %arg18[%add3A_445, %dma_start3A_450] : memref<64x64xf32, #tpu.memory_space<vmem>> -> memref<1x64xf32, #tpu.memory_space<vmem>>
    %dma_start3A_452 = arith.constant 0 : i32
    %dma_start3A_453 = tpu.memref_slice %arg8[%squeeze3A_441, %dma_start3A_452] : memref<1000000x64xf32, #tpu.memory_space<hbm>> -> memref<1x64xf32, #tpu.memory_space<hbm>>
    tpu.enqueue_dma source(%dma_start3A_453 : memref<1x64xf32, #tpu.memory_space<hbm>>) target(%dma_start3A_451 : memref<1x64xf32, #tpu.memory_space<vmem>>) target_semaphore(%arg22 : memref<!tpu.dma_semaphore, #tpu.memory_space<semaphore_mem>>)
    %get3A_454 = arith.constant 6 : index
    %get3A_455 = tpu.vector_load %arg16[%get3A_454] {strides = array<i32>} : memref<528xi32, #tpu.memory_space<vmem>>, vector<16xi32>,
    %slice3A_456 = vector.extract_strided_slice %get3A_455 {offsets = [0], sizes = [1], strides = [1]} : vector<16xi32> to vector<1xi32>
    %squeeze3A_457 = vector.extract %slice3A_456[0] : i32 from vector<1xi32>
    %mul3A_458 = arith.constant 4 : i32
    %mul3A_459 = arith.muli %rem3A_405, %mul3A_458 : i32
    %add3A_460 = arith.constant 3 : i32
    %add3A_461 = arith.addi %mul3A_459, %add3A_460 : i32
    %dma_start3A_462 = arith.constant 0 : i32
    %dma_start3A_463 = tpu.memref_slice %arg18[%add3A_461, %dma_start3A_462] : memref<64x64xf32, #tpu.memory_space<vmem>> -> memref<1x64xf32, #tpu.memory_space<vmem>>
    %dma_start3A_464 = arith.constant 0 : i32
    %dma_start3A_465 = tpu.memref_slice %arg8[%squeeze3A_457, %dma_start3A_464] : memref<1000000x64xf32, #tpu.memory_space<hbm>> -> memref<1x64xf32, #tpu.memory_space<hbm>>
    %dma_start3A_466 = arith.constant 0 : i32
    %dma_start3A_467 = tpu.memref_slice %arg18[%add3A_461, %dma_start3A_466] : memref<64x64xf32, #tpu.memory_space<vmem>> -> memref<1x64xf32, #tpu.memory_space<vmem>>
    %dma_start3A_468 = arith.constant 0 : i32
    %dma_start3A_469 = tpu.memref_slice %arg8[%squeeze3A_457, %dma_start3A_468] : memref<1000000x64xf32, #tpu.memory_space<hbm>> -> memref<1x64xf32, #tpu.memory_space<hbm>>
    tpu.enqueue_dma source(%dma_start3A_469 : memref<1x64xf32, #tpu.memory_space<hbm>>) target(%dma_start3A_467 : memref<1x64xf32, #tpu.memory_space<vmem>>) target_semaphore(%arg22 : memref<!tpu.dma_semaphore, #tpu.memory_space<semaphore_mem>>)
    %rem3A_470 = arith.constant 7 : i32
    %rem3A_471 = arith.constant 16 : i32
    %rem3A_472 = arith.remsi %rem3A_470, %rem3A_471 : i32
    %get3A_473 = arith.constant 7 : index
    %get3A_474 = tpu.vector_load %arg12[%get3A_473] {strides = array<i32>} : memref<528xi32, #tpu.memory_space<vmem>>, vector<16xi32>,
    %slice3A_475 = vector.extract_strided_slice %get3A_474 {offsets = [0], sizes = [1], strides = [1]} : vector<16xi32> to vector<1xi32>
    %squeeze3A_476 = vector.extract %slice3A_475[0] : i32 from vector<1xi32>
    %mul3A_477 = arith.constant 4 : i32
    %mul3A_478 = arith.muli %rem3A_472, %mul3A_477 : i32
    %add3A_479 = arith.constant 0 : i32
    %add3A_480 = arith.addi %mul3A_478, %add3A_479 : i32
    %dma_start3A_481 = arith.constant 0 : i32
    %dma_start3A_482 = tpu.memref_slice %arg18[%add3A_480, %dma_start3A_481] : memref<64x64xf32, #tpu.memory_space<vmem>> -> memref<1x64xf32, #tpu.memory_space<vmem>>
    %dma_start3A_483 = arith.constant 0 : i32
    %dma_start3A_484 = tpu.memref_slice %arg8[%squeeze3A_476, %dma_start3A_483] : memref<1000000x64xf32, #tpu.memory_space<hbm>> -> memref<1x64xf32, #tpu.memory_space<hbm>>
    %dma_start3A_485 = arith.constant 0 : i32
    %dma_start3A_486 = tpu.memref_slice %arg18[%add3A_480, %dma_start3A_485] : memref<64x64xf32, #tpu.memory_space<vmem>> -> memref<1x64xf32, #tpu.memory_space<vmem>>
    %dma_start3A_487 = arith.constant 0 : i32
    %dma_start3A_488 = tpu.memref_slice %arg8[%squeeze3A_476, %dma_start3A_487] : memref<1000000x64xf32, #tpu.memory_space<hbm>> -> memref<1x64xf32, #tpu.memory_space<hbm>>
    tpu.enqueue_dma source(%dma_start3A_488 : memref<1x64xf32, #tpu.memory_space<hbm>>) target(%dma_start3A_486 : memref<1x64xf32, #tpu.memory_space<vmem>>) target_semaphore(%arg22 : memref<!tpu.dma_semaphore, #tpu.memory_space<semaphore_mem>>)
    %get3A_489 = arith.constant 7 : index
    %get3A_490 = tpu.vector_load %arg13[%get3A_489] {strides = array<i32>} : memref<528xi32, #tpu.memory_space<vmem>>, vector<16xi32>,
    %slice3A_491 = vector.extract_strided_slice %get3A_490 {offsets = [0], sizes = [1], strides = [1]} : vector<16xi32> to vector<1xi32>
    %squeeze3A_492 = vector.extract %slice3A_491[0] : i32 from vector<1xi32>
    %mul3A_493 = arith.constant 4 : i32
    %mul3A_494 = arith.muli %rem3A_472, %mul3A_493 : i32
    %add3A_495 = arith.constant 1 : i32
    %add3A_496 = arith.addi %mul3A_494, %add3A_495 : i32
    %dma_start3A_497 = arith.constant 0 : i32
    %dma_start3A_498 = tpu.memref_slice %arg18[%add3A_496, %dma_start3A_497] : memref<64x64xf32, #tpu.memory_space<vmem>> -> memref<1x64xf32, #tpu.memory_space<vmem>>
    %dma_start3A_499 = arith.constant 0 : i32
    %dma_start3A_500 = tpu.memref_slice %arg8[%squeeze3A_492, %dma_start3A_499] : memref<1000000x64xf32, #tpu.memory_space<hbm>> -> memref<1x64xf32, #tpu.memory_space<hbm>>
    %dma_start3A_501 = arith.constant 0 : i32
    %dma_start3A_502 = tpu.memref_slice %arg18[%add3A_496, %dma_start3A_501] : memref<64x64xf32, #tpu.memory_space<vmem>> -> memref<1x64xf32, #tpu.memory_space<vmem>>
    %dma_start3A_503 = arith.constant 0 : i32
    %dma_start3A_504 = tpu.memref_slice %arg8[%squeeze3A_492, %dma_start3A_503] : memref<1000000x64xf32, #tpu.memory_space<hbm>> -> memref<1x64xf32, #tpu.memory_space<hbm>>
    tpu.enqueue_dma source(%dma_start3A_504 : memref<1x64xf32, #tpu.memory_space<hbm>>) target(%dma_start3A_502 : memref<1x64xf32, #tpu.memory_space<vmem>>) target_semaphore(%arg22 : memref<!tpu.dma_semaphore, #tpu.memory_space<semaphore_mem>>)
    %get3A_505 = arith.constant 7 : index
    %get3A_506 = tpu.vector_load %arg15[%get3A_505] {strides = array<i32>} : memref<528xi32, #tpu.memory_space<vmem>>, vector<16xi32>,
    %slice3A_507 = vector.extract_strided_slice %get3A_506 {offsets = [0], sizes = [1], strides = [1]} : vector<16xi32> to vector<1xi32>
    %squeeze3A_508 = vector.extract %slice3A_507[0] : i32 from vector<1xi32>
    %mul3A_509 = arith.constant 4 : i32
    %mul3A_510 = arith.muli %rem3A_472, %mul3A_509 : i32
    %add3A_511 = arith.constant 2 : i32
    %add3A_512 = arith.addi %mul3A_510, %add3A_511 : i32
    %dma_start3A_513 = arith.constant 0 : i32
    %dma_start3A_514 = tpu.memref_slice %arg18[%add3A_512, %dma_start3A_513] : memref<64x64xf32, #tpu.memory_space<vmem>> -> memref<1x64xf32, #tpu.memory_space<vmem>>
    %dma_start3A_515 = arith.constant 0 : i32
    %dma_start3A_516 = tpu.memref_slice %arg8[%squeeze3A_508, %dma_start3A_515] : memref<1000000x64xf32, #tpu.memory_space<hbm>> -> memref<1x64xf32, #tpu.memory_space<hbm>>
    %dma_start3A_517 = arith.constant 0 : i32
    %dma_start3A_518 = tpu.memref_slice %arg18[%add3A_512, %dma_start3A_517] : memref<64x64xf32, #tpu.memory_space<vmem>> -> memref<1x64xf32, #tpu.memory_space<vmem>>
    %dma_start3A_519 = arith.constant 0 : i32
    %dma_start3A_520 = tpu.memref_slice %arg8[%squeeze3A_508, %dma_start3A_519] : memref<1000000x64xf32, #tpu.memory_space<hbm>> -> memref<1x64xf32, #tpu.memory_space<hbm>>
    tpu.enqueue_dma source(%dma_start3A_520 : memref<1x64xf32, #tpu.memory_space<hbm>>) target(%dma_start3A_518 : memref<1x64xf32, #tpu.memory_space<vmem>>) target_semaphore(%arg22 : memref<!tpu.dma_semaphore, #tpu.memory_space<semaphore_mem>>)
    %get3A_521 = arith.constant 7 : index
    %get3A_522 = tpu.vector_load %arg16[%get3A_521] {strides = array<i32>} : memref<528xi32, #tpu.memory_space<vmem>>, vector<16xi32>,
    %slice3A_523 = vector.extract_strided_slice %get3A_522 {offsets = [0], sizes = [1], strides = [1]} : vector<16xi32> to vector<1xi32>
    %squeeze3A_524 = vector.extract %slice3A_523[0] : i32 from vector<1xi32>
    %mul3A_525 = arith.constant 4 : i32
    %mul3A_526 = arith.muli %rem3A_472, %mul3A_525 : i32
    %add3A_527 = arith.constant 3 : i32
    %add3A_528 = arith.addi %mul3A_526, %add3A_527 : i32
    %dma_start3A_529 = arith.constant 0 : i32
    %dma_start3A_530 = tpu.memref_slice %arg18[%add3A_528, %dma_start3A_529] : memref<64x64xf32, #tpu.memory_space<vmem>> -> memref<1x64xf32, #tpu.memory_space<vmem>>
    %dma_start3A_531 = arith.constant 0 : i32
    %dma_start3A_532 = tpu.memref_slice %arg8[%squeeze3A_524, %dma_start3A_531] : memref<1000000x64xf32, #tpu.memory_space<hbm>> -> memref<1x64xf32, #tpu.memory_space<hbm>>
    %dma_start3A_533 = arith.constant 0 : i32
    %dma_start3A_534 = tpu.memref_slice %arg18[%add3A_528, %dma_start3A_533] : memref<64x64xf32, #tpu.memory_space<vmem>> -> memref<1x64xf32, #tpu.memory_space<vmem>>
    %dma_start3A_535 = arith.constant 0 : i32
    %dma_start3A_536 = tpu.memref_slice %arg8[%squeeze3A_524, %dma_start3A_535] : memref<1000000x64xf32, #tpu.memory_space<hbm>> -> memref<1x64xf32, #tpu.memory_space<hbm>>
    tpu.enqueue_dma source(%dma_start3A_536 : memref<1x64xf32, #tpu.memory_space<hbm>>) target(%dma_start3A_534 : memref<1x64xf32, #tpu.memory_space<vmem>>) target_semaphore(%arg22 : memref<!tpu.dma_semaphore, #tpu.memory_space<semaphore_mem>>)
    %rem3A_537 = arith.constant 8 : i32
    %rem3A_538 = arith.constant 16 : i32
    %rem3A_539 = arith.remsi %rem3A_537, %rem3A_538 : i32
    %get3A_540 = arith.constant 8 : index
    %get3A_541 = tpu.vector_load %arg12[%get3A_540] {strides = array<i32>} : memref<528xi32, #tpu.memory_space<vmem>>, vector<16xi32>,
    %slice3A_542 = vector.extract_strided_slice %get3A_541 {offsets = [0], sizes = [1], strides = [1]} : vector<16xi32> to vector<1xi32>
    %squeeze3A_543 = vector.extract %slice3A_542[0] : i32 from vector<1xi32>
    %mul3A_544 = arith.constant 4 : i32
    %mul3A_545 = arith.muli %rem3A_539, %mul3A_544 : i32
    %add3A_546 = arith.constant 0 : i32
    %add3A_547 = arith.addi %mul3A_545, %add3A_546 : i32
    %dma_start3A_548 = arith.constant 0 : i32
    %dma_start3A_549 = tpu.memref_slice %arg18[%add3A_547, %dma_start3A_548] : memref<64x64xf32, #tpu.memory_space<vmem>> -> memref<1x64xf32, #tpu.memory_space<vmem>>
    %dma_start3A_550 = arith.constant 0 : i32
    %dma_start3A_551 = tpu.memref_slice %arg8[%squeeze3A_543, %dma_start3A_550] : memref<1000000x64xf32, #tpu.memory_space<hbm>> -> memref<1x64xf32, #tpu.memory_space<hbm>>
    %dma_start3A_552 = arith.constant 0 : i32
    %dma_start3A_553 = tpu.memref_slice %arg18[%add3A_547, %dma_start3A_552] : memref<64x64xf32, #tpu.memory_space<vmem>> -> memref<1x64xf32, #tpu.memory_space<vmem>>
    %dma_start3A_554 = arith.constant 0 : i32
    %dma_start3A_555 = tpu.memref_slice %arg8[%squeeze3A_543, %dma_start3A_554] : memref<1000000x64xf32, #tpu.memory_space<hbm>> -> memref<1x64xf32, #tpu.memory_space<hbm>>
    tpu.enqueue_dma source(%dma_start3A_555 : memref<1x64xf32, #tpu.memory_space<hbm>>) target(%dma_start3A_553 : memref<1x64xf32, #tpu.memory_space<vmem>>) target_semaphore(%arg22 : memref<!tpu.dma_semaphore, #tpu.memory_space<semaphore_mem>>)
    %get3A_556 = arith.constant 8 : index
    %get3A_557 = tpu.vector_load %arg13[%get3A_556] {strides = array<i32>} : memref<528xi32, #tpu.memory_space<vmem>>, vector<16xi32>,
    %slice3A_558 = vector.extract_strided_slice %get3A_557 {offsets = [0], sizes = [1], strides = [1]} : vector<16xi32> to vector<1xi32>
    %squeeze3A_559 = vector.extract %slice3A_558[0] : i32 from vector<1xi32>
    %mul3A_560 = arith.constant 4 : i32
    %mul3A_561 = arith.muli %rem3A_539, %mul3A_560 : i32
    %add3A_562 = arith.constant 1 : i32
    %add3A_563 = arith.addi %mul3A_561, %add3A_562 : i32
    %dma_start3A_564 = arith.constant 0 : i32
    %dma_start3A_565 = tpu.memref_slice %arg18[%add3A_563, %dma_start3A_564] : memref<64x64xf32, #tpu.memory_space<vmem>> -> memref<1x64xf32, #tpu.memory_space<vmem>>
    %dma_start3A_566 = arith.constant 0 : i32
    %dma_start3A_567 = tpu.memref_slice %arg8[%squeeze3A_559, %dma_start3A_566] : memref<1000000x64xf32, #tpu.memory_space<hbm>> -> memref<1x64xf32, #tpu.memory_space<hbm>>
    %dma_start3A_568 = arith.constant 0 : i32
    %dma_start3A_569 = tpu.memref_slice %arg18[%add3A_563, %dma_start3A_568] : memref<64x64xf32, #tpu.memory_space<vmem>> -> memref<1x64xf32, #tpu.memory_space<vmem>>
    %dma_start3A_570 = arith.constant 0 : i32
    %dma_start3A_571 = tpu.memref_slice %arg8[%squeeze3A_559, %dma_start3A_570] : memref<1000000x64xf32, #tpu.memory_space<hbm>> -> memref<1x64xf32, #tpu.memory_space<hbm>>
    tpu.enqueue_dma source(%dma_start3A_571 : memref<1x64xf32, #tpu.memory_space<hbm>>) target(%dma_start3A_569 : memref<1x64xf32, #tpu.memory_space<vmem>>) target_semaphore(%arg22 : memref<!tpu.dma_semaphore, #tpu.memory_space<semaphore_mem>>)
    %get3A_572 = arith.constant 8 : index
    %get3A_573 = tpu.vector_load %arg15[%get3A_572] {strides = array<i32>} : memref<528xi32, #tpu.memory_space<vmem>>, vector<16xi32>,
    %slice3A_574 = vector.extract_strided_slice %get3A_573 {offsets = [0], sizes = [1], strides = [1]} : vector<16xi32> to vector<1xi32>
    %squeeze3A_575 = vector.extract %slice3A_574[0] : i32 from vector<1xi32>
    %mul3A_576 = arith.constant 4 : i32
    %mul3A_577 = arith.muli %rem3A_539, %mul3A_576 : i32
    %add3A_578 = arith.constant 2 : i32
    %add3A_579 = arith.addi %mul3A_577, %add3A_578 : i32
    %dma_start3A_580 = arith.constant 0 : i32
    %dma_start3A_581 = tpu.memref_slice %arg18[%add3A_579, %dma_start3A_580] : memref<64x64xf32, #tpu.memory_space<vmem>> -> memref<1x64xf32, #tpu.memory_space<vmem>>
    %dma_start3A_582 = arith.constant 0 : i32
    %dma_start3A_583 = tpu.memref_slice %arg8[%squeeze3A_575, %dma_start3A_582] : memref<1000000x64xf32, #tpu.memory_space<hbm>> -> memref<1x64xf32, #tpu.memory_space<hbm>>
    %dma_start3A_584 = arith.constant 0 : i32
    %dma_start3A_585 = tpu.memref_slice %arg18[%add3A_579, %dma_start3A_584] : memref<64x64xf32, #tpu.memory_space<vmem>> -> memref<1x64xf32, #tpu.memory_space<vmem>>
    %dma_start3A_586 = arith.constant 0 : i32
    %dma_start3A_587 = tpu.memref_slice %arg8[%squeeze3A_575, %dma_start3A_586] : memref<1000000x64xf32, #tpu.memory_space<hbm>> -> memref<1x64xf32, #tpu.memory_space<hbm>>
    tpu.enqueue_dma source(%dma_start3A_587 : memref<1x64xf32, #tpu.memory_space<hbm>>) target(%dma_start3A_585 : memref<1x64xf32, #tpu.memory_space<vmem>>) target_semaphore(%arg22 : memref<!tpu.dma_semaphore, #tpu.memory_space<semaphore_mem>>)
    %get3A_588 = arith.constant 8 : index
    %get3A_589 = tpu.vector_load %arg16[%get3A_588] {strides = array<i32>} : memref<528xi32, #tpu.memory_space<vmem>>, vector<16xi32>,
    %slice3A_590 = vector.extract_strided_slice %get3A_589 {offsets = [0], sizes = [1], strides = [1]} : vector<16xi32> to vector<1xi32>
    %squeeze3A_591 = vector.extract %slice3A_590[0] : i32 from vector<1xi32>
    %mul3A_592 = arith.constant 4 : i32
    %mul3A_593 = arith.muli %rem3A_539, %mul3A_592 : i32
    %add3A_594 = arith.constant 3 : i32
    %add3A_595 = arith.addi %mul3A_593, %add3A_594 : i32
    %dma_start3A_596 = arith.constant 0 : i32
    %dma_start3A_597 = tpu.memref_slice %arg18[%add3A_595, %dma_start3A_596] : memref<64x64xf32, #tpu.memory_space<vmem>> -> memref<1x64xf32, #tpu.memory_space<vmem>>
    %dma_start3A_598 = arith.constant 0 : i32
    %dma_start3A_599 = tpu.memref_slice %arg8[%squeeze3A_591, %dma_start3A_598] : memref<1000000x64xf32, #tpu.memory_space<hbm>> -> memref<1x64xf32, #tpu.memory_space<hbm>>
    %dma_start3A_600 = arith.constant 0 : i32
    %dma_start3A_601 = tpu.memref_slice %arg18[%add3A_595, %dma_start3A_600] : memref<64x64xf32, #tpu.memory_space<vmem>> -> memref<1x64xf32, #tpu.memory_space<vmem>>
    %dma_start3A_602 = arith.constant 0 : i32
    %dma_start3A_603 = tpu.memref_slice %arg8[%squeeze3A_591, %dma_start3A_602] : memref<1000000x64xf32, #tpu.memory_space<hbm>> -> memref<1x64xf32, #tpu.memory_space<hbm>>
    tpu.enqueue_dma source(%dma_start3A_603 : memref<1x64xf32, #tpu.memory_space<hbm>>) target(%dma_start3A_601 : memref<1x64xf32, #tpu.memory_space<vmem>>) target_semaphore(%arg22 : memref<!tpu.dma_semaphore, #tpu.memory_space<semaphore_mem>>)
    %rem3A_604 = arith.constant 9 : i32
    %rem3A_605 = arith.constant 16 : i32
    %rem3A_606 = arith.remsi %rem3A_604, %rem3A_605 : i32
    %get3A_607 = arith.constant 9 : index
    %get3A_608 = tpu.vector_load %arg12[%get3A_607] {strides = array<i32>} : memref<528xi32, #tpu.memory_space<vmem>>, vector<16xi32>,
    %slice3A_609 = vector.extract_strided_slice %get3A_608 {offsets = [0], sizes = [1], strides = [1]} : vector<16xi32> to vector<1xi32>
    %squeeze3A_610 = vector.extract %slice3A_609[0] : i32 from vector<1xi32>
    %mul3A_611 = arith.constant 4 : i32
    %mul3A_612 = arith.muli %rem3A_606, %mul3A_611 : i32
    %add3A_613 = arith.constant 0 : i32
    %add3A_614 = arith.addi %mul3A_612, %add3A_613 : i32
    %dma_start3A_615 = arith.constant 0 : i32
    %dma_start3A_616 = tpu.memref_slice %arg18[%add3A_614, %dma_start3A_615] : memref<64x64xf32, #tpu.memory_space<vmem>> -> memref<1x64xf32, #tpu.memory_space<vmem>>
    %dma_start3A_617 = arith.constant 0 : i32
    %dma_start3A_618 = tpu.memref_slice %arg8[%squeeze3A_610, %dma_start3A_617] : memref<1000000x64xf32, #tpu.memory_space<hbm>> -> memref<1x64xf32, #tpu.memory_space<hbm>>
    %dma_start3A_619 = arith.constant 0 : i32
    %dma_start3A_620 = tpu.memref_slice %arg18[%add3A_614, %dma_start3A_619] : memref<64x64xf32, #tpu.memory_space<vmem>> -> memref<1x64xf32, #tpu.memory_space<vmem>>
    %dma_start3A_621 = arith.constant 0 : i32
    %dma_start3A_622 = tpu.memref_slice %arg8[%squeeze3A_610, %dma_start3A_621] : memref<1000000x64xf32, #tpu.memory_space<hbm>> -> memref<1x64xf32, #tpu.memory_space<hbm>>
    tpu.enqueue_dma source(%dma_start3A_622 : memref<1x64xf32, #tpu.memory_space<hbm>>) target(%dma_start3A_620 : memref<1x64xf32, #tpu.memory_space<vmem>>) target_semaphore(%arg22 : memref<!tpu.dma_semaphore, #tpu.memory_space<semaphore_mem>>)
    %get3A_623 = arith.constant 9 : index
    %get3A_624 = tpu.vector_load %arg13[%get3A_623] {strides = array<i32>} : memref<528xi32, #tpu.memory_space<vmem>>, vector<16xi32>,
    %slice3A_625 = vector.extract_strided_slice %get3A_624 {offsets = [0], sizes = [1], strides = [1]} : vector<16xi32> to vector<1xi32>
    %squeeze3A_626 = vector.extract %slice3A_625[0] : i32 from vector<1xi32>
    %mul3A_627 = arith.constant 4 : i32
    %mul3A_628 = arith.muli %rem3A_606, %mul3A_627 : i32
    %add3A_629 = arith.constant 1 : i32
    %add3A_630 = arith.addi %mul3A_628, %add3A_629 : i32
    %dma_start3A_631 = arith.constant 0 : i32
    %dma_start3A_632 = tpu.memref_slice %arg18[%add3A_630, %dma_start3A_631] : memref<64x64xf32, #tpu.memory_space<vmem>> -> memref<1x64xf32, #tpu.memory_space<vmem>>
    %dma_start3A_633 = arith.constant 0 : i32
    %dma_start3A_634 = tpu.memref_slice %arg8[%squeeze3A_626, %dma_start3A_633] : memref<1000000x64xf32, #tpu.memory_space<hbm>> -> memref<1x64xf32, #tpu.memory_space<hbm>>
    %dma_start3A_635 = arith.constant 0 : i32
    %dma_start3A_636 = tpu.memref_slice %arg18[%add3A_630, %dma_start3A_635] : memref<64x64xf32, #tpu.memory_space<vmem>> -> memref<1x64xf32, #tpu.memory_space<vmem>>
    %dma_start3A_637 = arith.constant 0 : i32
    %dma_start3A_638 = tpu.memref_slice %arg8[%squeeze3A_626, %dma_start3A_637] : memref<1000000x64xf32, #tpu.memory_space<hbm>> -> memref<1x64xf32, #tpu.memory_space<hbm>>
    tpu.enqueue_dma source(%dma_start3A_638 : memref<1x64xf32, #tpu.memory_space<hbm>>) target(%dma_start3A_636 : memref<1x64xf32, #tpu.memory_space<vmem>>) target_semaphore(%arg22 : memref<!tpu.dma_semaphore, #tpu.memory_space<semaphore_mem>>)
    %get3A_639 = arith.constant 9 : index
    %get3A_640 = tpu.vector_load %arg15[%get3A_639] {strides = array<i32>} : memref<528xi32, #tpu.memory_space<vmem>>, vector<16xi32>,
    %slice3A_641 = vector.extract_strided_slice %get3A_640 {offsets = [0], sizes = [1], strides = [1]} : vector<16xi32> to vector<1xi32>
    %squeeze3A_642 = vector.extract %slice3A_641[0] : i32 from vector<1xi32>
    %mul3A_643 = arith.constant 4 : i32
    %mul3A_644 = arith.muli %rem3A_606, %mul3A_643 : i32
    %add3A_645 = arith.constant 2 : i32
    %add3A_646 = arith.addi %mul3A_644, %add3A_645 : i32
    %dma_start3A_647 = arith.constant 0 : i32
    %dma_start3A_648 = tpu.memref_slice %arg18[%add3A_646, %dma_start3A_647] : memref<64x64xf32, #tpu.memory_space<vmem>> -> memref<1x64xf32, #tpu.memory_space<vmem>>
    %dma_start3A_649 = arith.constant 0 : i32
    %dma_start3A_650 = tpu.memref_slice %arg8[%squeeze3A_642, %dma_start3A_649] : memref<1000000x64xf32, #tpu.memory_space<hbm>> -> memref<1x64xf32, #tpu.memory_space<hbm>>
    %dma_start3A_651 = arith.constant 0 : i32
    %dma_start3A_652 = tpu.memref_slice %arg18[%add3A_646, %dma_start3A_651] : memref<64x64xf32, #tpu.memory_space<vmem>> -> memref<1x64xf32, #tpu.memory_space<vmem>>
    %dma_start3A_653 = arith.constant 0 : i32
    %dma_start3A_654 = tpu.memref_slice %arg8[%squeeze3A_642, %dma_start3A_653] : memref<1000000x64xf32, #tpu.memory_space<hbm>> -> memref<1x64xf32, #tpu.memory_space<hbm>>
    tpu.enqueue_dma source(%dma_start3A_654 : memref<1x64xf32, #tpu.memory_space<hbm>>) target(%dma_start3A_652 : memref<1x64xf32, #tpu.memory_space<vmem>>) target_semaphore(%arg22 : memref<!tpu.dma_semaphore, #tpu.memory_space<semaphore_mem>>)
    %get3A_655 = arith.constant 9 : index
    %get3A_656 = tpu.vector_load %arg16[%get3A_655] {strides = array<i32>} : memref<528xi32, #tpu.memory_space<vmem>>, vector<16xi32>,
    %slice3A_657 = vector.extract_strided_slice %get3A_656 {offsets = [0], sizes = [1], strides = [1]} : vector<16xi32> to vector<1xi32>
    %squeeze3A_658 = vector.extract %slice3A_657[0] : i32 from vector<1xi32>
    %mul3A_659 = arith.constant 4 : i32
    %mul3A_660 = arith.muli %rem3A_606, %mul3A_659 : i32
    %add3A_661 = arith.constant 3 : i32
    %add3A_662 = arith.addi %mul3A_660, %add3A_661 : i32
    %dma_start3A_663 = arith.constant 0 : i32
    %dma_start3A_664 = tpu.memref_slice %arg18[%add3A_662, %dma_start3A_663] : memref<64x64xf32, #tpu.memory_space<vmem>> -> memref<1x64xf32, #tpu.memory_space<vmem>>
    %dma_start3A_665 = arith.constant 0 : i32
    %dma_start3A_666 = tpu.memref_slice %arg8[%squeeze3A_658, %dma_start3A_665] : memref<1000000x64xf32, #tpu.memory_space<hbm>> -> memref<1x64xf32, #tpu.memory_space<hbm>>
    %dma_start3A_667 = arith.constant 0 : i32
    %dma_start3A_668 = tpu.memref_slice %arg18[%add3A_662, %dma_start3A_667] : memref<64x64xf32, #tpu.memory_space<vmem>> -> memref<1x64xf32, #tpu.memory_space<vmem>>
    %dma_start3A_669 = arith.constant 0 : i32
    %dma_start3A_670 = tpu.memref_slice %arg8[%squeeze3A_658, %dma_start3A_669] : memref<1000000x64xf32, #tpu.memory_space<hbm>> -> memref<1x64xf32, #tpu.memory_space<hbm>>
    tpu.enqueue_dma source(%dma_start3A_670 : memref<1x64xf32, #tpu.memory_space<hbm>>) target(%dma_start3A_668 : memref<1x64xf32, #tpu.memory_space<vmem>>) target_semaphore(%arg22 : memref<!tpu.dma_semaphore, #tpu.memory_space<semaphore_mem>>)
    %rem3A_671 = arith.constant 10 : i32
    %rem3A_672 = arith.constant 16 : i32
    %rem3A_673 = arith.remsi %rem3A_671, %rem3A_672 : i32
    %get3A_674 = arith.constant 10 : index
    %get3A_675 = tpu.vector_load %arg12[%get3A_674] {strides = array<i32>} : memref<528xi32, #tpu.memory_space<vmem>>, vector<16xi32>,
    %slice3A_676 = vector.extract_strided_slice %get3A_675 {offsets = [0], sizes = [1], strides = [1]} : vector<16xi32> to vector<1xi32>
    %squeeze3A_677 = vector.extract %slice3A_676[0] : i32 from vector<1xi32>
    %mul3A_678 = arith.constant 4 : i32
    %mul3A_679 = arith.muli %rem3A_673, %mul3A_678 : i32
    %add3A_680 = arith.constant 0 : i32
    %add3A_681 = arith.addi %mul3A_679, %add3A_680 : i32
    %dma_start3A_682 = arith.constant 0 : i32
    %dma_start3A_683 = tpu.memref_slice %arg18[%add3A_681, %dma_start3A_682] : memref<64x64xf32, #tpu.memory_space<vmem>> -> memref<1x64xf32, #tpu.memory_space<vmem>>
    %dma_start3A_684 = arith.constant 0 : i32
    %dma_start3A_685 = tpu.memref_slice %arg8[%squeeze3A_677, %dma_start3A_684] : memref<1000000x64xf32, #tpu.memory_space<hbm>> -> memref<1x64xf32, #tpu.memory_space<hbm>>
    %dma_start3A_686 = arith.constant 0 : i32
    %dma_start3A_687 = tpu.memref_slice %arg18[%add3A_681, %dma_start3A_686] : memref<64x64xf32, #tpu.memory_space<vmem>> -> memref<1x64xf32, #tpu.memory_space<vmem>>
    %dma_start3A_688 = arith.constant 0 : i32
    %dma_start3A_689 = tpu.memref_slice %arg8[%squeeze3A_677, %dma_start3A_688] : memref<1000000x64xf32, #tpu.memory_space<hbm>> -> memref<1x64xf32, #tpu.memory_space<hbm>>
    tpu.enqueue_dma source(%dma_start3A_689 : memref<1x64xf32, #tpu.memory_space<hbm>>) target(%dma_start3A_687 : memref<1x64xf32, #tpu.memory_space<vmem>>) target_semaphore(%arg22 : memref<!tpu.dma_semaphore, #tpu.memory_space<semaphore_mem>>)
    %get3A_690 = arith.constant 10 : index
    %get3A_691 = tpu.vector_load %arg13[%get3A_690] {strides = array<i32>} : memref<528xi32, #tpu.memory_space<vmem>>, vector<16xi32>,
    %slice3A_692 = vector.extract_strided_slice %get3A_691 {offsets = [0], sizes = [1], strides = [1]} : vector<16xi32> to vector<1xi32>
    %squeeze3A_693 = vector.extract %slice3A_692[0] : i32 from vector<1xi32>
    %mul3A_694 = arith.constant 4 : i32
    %mul3A_695 = arith.muli %rem3A_673, %mul3A_694 : i32
    %add3A_696 = arith.constant 1 : i32
    %add3A_697 = arith.addi %mul3A_695, %add3A_696 : i32
    %dma_start3A_698 = arith.constant 0 : i32
    %dma_start3A_699 = tpu.memref_slice %arg18[%add3A_697, %dma_start3A_698] : memref<64x64xf32, #tpu.memory_space<vmem>> -> memref<1x64xf32, #tpu.memory_space<vmem>>
    %dma_start3A_700 = arith.constant 0 : i32
    %dma_start3A_701 = tpu.memref_slice %arg8[%squeeze3A_693, %dma_start3A_700] : memref<1000000x64xf32, #tpu.memory_space<hbm>> -> memref<1x64xf32, #tpu.memory_space<hbm>>
    %dma_start3A_702 = arith.constant 0 : i32
    %dma_start3A_703 = tpu.memref_slice %arg18[%add3A_697, %dma_start3A_702] : memref<64x64xf32, #tpu.memory_space<vmem>> -> memref<1x64xf32, #tpu.memory_space<vmem>>
    %dma_start3A_704 = arith.constant 0 : i32
    %dma_start3A_705 = tpu.memref_slice %arg8[%squeeze3A_693, %dma_start3A_704] : memref<1000000x64xf32, #tpu.memory_space<hbm>> -> memref<1x64xf32, #tpu.memory_space<hbm>>
    tpu.enqueue_dma source(%dma_start3A_705 : memref<1x64xf32, #tpu.memory_space<hbm>>) target(%dma_start3A_703 : memref<1x64xf32, #tpu.memory_space<vmem>>) target_semaphore(%arg22 : memref<!tpu.dma_semaphore, #tpu.memory_space<semaphore_mem>>)
    %get3A_706 = arith.constant 10 : index
    %get3A_707 = tpu.vector_load %arg15[%get3A_706] {strides = array<i32>} : memref<528xi32, #tpu.memory_space<vmem>>, vector<16xi32>,
    %slice3A_708 = vector.extract_strided_slice %get3A_707 {offsets = [0], sizes = [1], strides = [1]} : vector<16xi32> to vector<1xi32>
    %squeeze3A_709 = vector.extract %slice3A_708[0] : i32 from vector<1xi32>
    %mul3A_710 = arith.constant 4 : i32
    %mul3A_711 = arith.muli %rem3A_673, %mul3A_710 : i32
    %add3A_712 = arith.constant 2 : i32
    %add3A_713 = arith.addi %mul3A_711, %add3A_712 : i32
    %dma_start3A_714 = arith.constant 0 : i32
    %dma_start3A_715 = tpu.memref_slice %arg18[%add3A_713, %dma_start3A_714] : memref<64x64xf32, #tpu.memory_space<vmem>> -> memref<1x64xf32, #tpu.memory_space<vmem>>
    %dma_start3A_716 = arith.constant 0 : i32
    %dma_start3A_717 = tpu.memref_slice %arg8[%squeeze3A_709, %dma_start3A_716] : memref<1000000x64xf32, #tpu.memory_space<hbm>> -> memref<1x64xf32, #tpu.memory_space<hbm>>
    %dma_start3A_718 = arith.constant 0 : i32
    %dma_start3A_719 = tpu.memref_slice %arg18[%add3A_713, %dma_start3A_718] : memref<64x64xf32, #tpu.memory_space<vmem>> -> memref<1x64xf32, #tpu.memory_space<vmem>>
    %dma_start3A_720 = arith.constant 0 : i32
    %dma_start3A_721 = tpu.memref_slice %arg8[%squeeze3A_709, %dma_start3A_720] : memref<1000000x64xf32, #tpu.memory_space<hbm>> -> memref<1x64xf32, #tpu.memory_space<hbm>>
    tpu.enqueue_dma source(%dma_start3A_721 : memref<1x64xf32, #tpu.memory_space<hbm>>) target(%dma_start3A_719 : memref<1x64xf32, #tpu.memory_space<vmem>>) target_semaphore(%arg22 : memref<!tpu.dma_semaphore, #tpu.memory_space<semaphore_mem>>)
    %get3A_722 = arith.constant 10 : index
    %get3A_723 = tpu.vector_load %arg16[%get3A_722] {strides = array<i32>} : memref<528xi32, #tpu.memory_space<vmem>>, vector<16xi32>,
    %slice3A_724 = vector.extract_strided_slice %get3A_723 {offsets = [0], sizes = [1], strides = [1]} : vector<16xi32> to vector<1xi32>
    %squeeze3A_725 = vector.extract %slice3A_724[0] : i32 from vector<1xi32>
    %mul3A_726 = arith.constant 4 : i32
    %mul3A_727 = arith.muli %rem3A_673, %mul3A_726 : i32
    %add3A_728 = arith.constant 3 : i32
    %add3A_729 = arith.addi %mul3A_727, %add3A_728 : i32
    %dma_start3A_730 = arith.constant 0 : i32
    %dma_start3A_731 = tpu.memref_slice %arg18[%add3A_729, %dma_start3A_730] : memref<64x64xf32, #tpu.memory_space<vmem>> -> memref<1x64xf32, #tpu.memory_space<vmem>>
    %dma_start3A_732 = arith.constant 0 : i32
    %dma_start3A_733 = tpu.memref_slice %arg8[%squeeze3A_725, %dma_start3A_732] : memref<1000000x64xf32, #tpu.memory_space<hbm>> -> memref<1x64xf32, #tpu.memory_space<hbm>>
    %dma_start3A_734 = arith.constant 0 : i32
    %dma_start3A_735 = tpu.memref_slice %arg18[%add3A_729, %dma_start3A_734] : memref<64x64xf32, #tpu.memory_space<vmem>> -> memref<1x64xf32, #tpu.memory_space<vmem>>
    %dma_start3A_736 = arith.constant 0 : i32
    %dma_start3A_737 = tpu.memref_slice %arg8[%squeeze3A_725, %dma_start3A_736] : memref<1000000x64xf32, #tpu.memory_space<hbm>> -> memref<1x64xf32, #tpu.memory_space<hbm>>
    tpu.enqueue_dma source(%dma_start3A_737 : memref<1x64xf32, #tpu.memory_space<hbm>>) target(%dma_start3A_735 : memref<1x64xf32, #tpu.memory_space<vmem>>) target_semaphore(%arg22 : memref<!tpu.dma_semaphore, #tpu.memory_space<semaphore_mem>>)
    %rem3A_738 = arith.constant 11 : i32
    %rem3A_739 = arith.constant 16 : i32
    %rem3A_740 = arith.remsi %rem3A_738, %rem3A_739 : i32
    %get3A_741 = arith.constant 11 : index
    %get3A_742 = tpu.vector_load %arg12[%get3A_741] {strides = array<i32>} : memref<528xi32, #tpu.memory_space<vmem>>, vector<16xi32>,
    %slice3A_743 = vector.extract_strided_slice %get3A_742 {offsets = [0], sizes = [1], strides = [1]} : vector<16xi32> to vector<1xi32>
    %squeeze3A_744 = vector.extract %slice3A_743[0] : i32 from vector<1xi32>
    %mul3A_745 = arith.constant 4 : i32
    %mul3A_746 = arith.muli %rem3A_740, %mul3A_745 : i32
    %add3A_747 = arith.constant 0 : i32
    %add3A_748 = arith.addi %mul3A_746, %add3A_747 : i32
    %dma_start3A_749 = arith.constant 0 : i32
    %dma_start3A_750 = tpu.memref_slice %arg18[%add3A_748, %dma_start3A_749] : memref<64x64xf32, #tpu.memory_space<vmem>> -> memref<1x64xf32, #tpu.memory_space<vmem>>
    %dma_start3A_751 = arith.constant 0 : i32
    %dma_start3A_752 = tpu.memref_slice %arg8[%squeeze3A_744, %dma_start3A_751] : memref<1000000x64xf32, #tpu.memory_space<hbm>> -> memref<1x64xf32, #tpu.memory_space<hbm>>
    %dma_start3A_753 = arith.constant 0 : i32
    %dma_start3A_754 = tpu.memref_slice %arg18[%add3A_748, %dma_start3A_753] : memref<64x64xf32, #tpu.memory_space<vmem>> -> memref<1x64xf32, #tpu.memory_space<vmem>>
    %dma_start3A_755 = arith.constant 0 : i32
    %dma_start3A_756 = tpu.memref_slice %arg8[%squeeze3A_744, %dma_start3A_755] : memref<1000000x64xf32, #tpu.memory_space<hbm>> -> memref<1x64xf32, #tpu.memory_space<hbm>>
    tpu.enqueue_dma source(%dma_start3A_756 : memref<1x64xf32, #tpu.memory_space<hbm>>) target(%dma_start3A_754 : memref<1x64xf32, #tpu.memory_space<vmem>>) target_semaphore(%arg22 : memref<!tpu.dma_semaphore, #tpu.memory_space<semaphore_mem>>)
    %get3A_757 = arith.constant 11 : index
    %get3A_758 = tpu.vector_load %arg13[%get3A_757] {strides = array<i32>} : memref<528xi32, #tpu.memory_space<vmem>>, vector<16xi32>,
    %slice3A_759 = vector.extract_strided_slice %get3A_758 {offsets = [0], sizes = [1], strides = [1]} : vector<16xi32> to vector<1xi32>
    %squeeze3A_760 = vector.extract %slice3A_759[0] : i32 from vector<1xi32>
    %mul3A_761 = arith.constant 4 : i32
    %mul3A_762 = arith.muli %rem3A_740, %mul3A_761 : i32
    %add3A_763 = arith.constant 1 : i32
    %add3A_764 = arith.addi %mul3A_762, %add3A_763 : i32
    %dma_start3A_765 = arith.constant 0 : i32
    %dma_start3A_766 = tpu.memref_slice %arg18[%add3A_764, %dma_start3A_765] : memref<64x64xf32, #tpu.memory_space<vmem>> -> memref<1x64xf32, #tpu.memory_space<vmem>>
    %dma_start3A_767 = arith.constant 0 : i32
    %dma_start3A_768 = tpu.memref_slice %arg8[%squeeze3A_760, %dma_start3A_767] : memref<1000000x64xf32, #tpu.memory_space<hbm>> -> memref<1x64xf32, #tpu.memory_space<hbm>>
    %dma_start3A_769 = arith.constant 0 : i32
    %dma_start3A_770 = tpu.memref_slice %arg18[%add3A_764, %dma_start3A_769] : memref<64x64xf32, #tpu.memory_space<vmem>> -> memref<1x64xf32, #tpu.memory_space<vmem>>
    %dma_start3A_771 = arith.constant 0 : i32
    %dma_start3A_772 = tpu.memref_slice %arg8[%squeeze3A_760, %dma_start3A_771] : memref<1000000x64xf32, #tpu.memory_space<hbm>> -> memref<1x64xf32, #tpu.memory_space<hbm>>
    tpu.enqueue_dma source(%dma_start3A_772 : memref<1x64xf32, #tpu.memory_space<hbm>>) target(%dma_start3A_770 : memref<1x64xf32, #tpu.memory_space<vmem>>) target_semaphore(%arg22 : memref<!tpu.dma_semaphore, #tpu.memory_space<semaphore_mem>>)
    %get3A_773 = arith.constant 11 : index
    %get3A_774 = tpu.vector_load %arg15[%get3A_773] {strides = array<i32>} : memref<528xi32, #tpu.memory_space<vmem>>, vector<16xi32>,
    %slice3A_775 = vector.extract_strided_slice %get3A_774 {offsets = [0], sizes = [1], strides = [1]} : vector<16xi32> to vector<1xi32>
    %squeeze3A_776 = vector.extract %slice3A_775[0] : i32 from vector<1xi32>
    %mul3A_777 = arith.constant 4 : i32
    %mul3A_778 = arith.muli %rem3A_740, %mul3A_777 : i32
    %add3A_779 = arith.constant 2 : i32
    %add3A_780 = arith.addi %mul3A_778, %add3A_779 : i32
    %dma_start3A_781 = arith.constant 0 : i32
    %dma_start3A_782 = tpu.memref_slice %arg18[%add3A_780, %dma_start3A_781] : memref<64x64xf32, #tpu.memory_space<vmem>> -> memref<1x64xf32, #tpu.memory_space<vmem>>
    %dma_start3A_783 = arith.constant 0 : i32
    %dma_start3A_784 = tpu.memref_slice %arg8[%squeeze3A_776, %dma_start3A_783] : memref<1000000x64xf32, #tpu.memory_space<hbm>> -> memref<1x64xf32, #tpu.memory_space<hbm>>
    %dma_start3A_785 = arith.constant 0 : i32
    %dma_start3A_786 = tpu.memref_slice %arg18[%add3A_780, %dma_start3A_785] : memref<64x64xf32, #tpu.memory_space<vmem>> -> memref<1x64xf32, #tpu.memory_space<vmem>>
    %dma_start3A_787 = arith.constant 0 : i32
    %dma_start3A_788 = tpu.memref_slice %arg8[%squeeze3A_776, %dma_start3A_787] : memref<1000000x64xf32, #tpu.memory_space<hbm>> -> memref<1x64xf32, #tpu.memory_space<hbm>>
    tpu.enqueue_dma source(%dma_start3A_788 : memref<1x64xf32, #tpu.memory_space<hbm>>) target(%dma_start3A_786 : memref<1x64xf32, #tpu.memory_space<vmem>>) target_semaphore(%arg22 : memref<!tpu.dma_semaphore, #tpu.memory_space<semaphore_mem>>)
    %get3A_789 = arith.constant 11 : index
    %get3A_790 = tpu.vector_load %arg16[%get3A_789] {strides = array<i32>} : memref<528xi32, #tpu.memory_space<vmem>>, vector<16xi32>,
    %slice3A_791 = vector.extract_strided_slice %get3A_790 {offsets = [0], sizes = [1], strides = [1]} : vector<16xi32> to vector<1xi32>
    %squeeze3A_792 = vector.extract %slice3A_791[0] : i32 from vector<1xi32>
    %mul3A_793 = arith.constant 4 : i32
    %mul3A_794 = arith.muli %rem3A_740, %mul3A_793 : i32
    %add3A_795 = arith.constant 3 : i32
    %add3A_796 = arith.addi %mul3A_794, %add3A_795 : i32
    %dma_start3A_797 = arith.constant 0 : i32
    %dma_start3A_798 = tpu.memref_slice %arg18[%add3A_796, %dma_start3A_797] : memref<64x64xf32, #tpu.memory_space<vmem>> -> memref<1x64xf32, #tpu.memory_space<vmem>>
    %dma_start3A_799 = arith.constant 0 : i32
    %dma_start3A_800 = tpu.memref_slice %arg8[%squeeze3A_792, %dma_start3A_799] : memref<1000000x64xf32, #tpu.memory_space<hbm>> -> memref<1x64xf32, #tpu.memory_space<hbm>>
    %dma_start3A_801 = arith.constant 0 : i32
    %dma_start3A_802 = tpu.memref_slice %arg18[%add3A_796, %dma_start3A_801] : memref<64x64xf32, #tpu.memory_space<vmem>> -> memref<1x64xf32, #tpu.memory_space<vmem>>
    %dma_start3A_803 = arith.constant 0 : i32
    %dma_start3A_804 = tpu.memref_slice %arg8[%squeeze3A_792, %dma_start3A_803] : memref<1000000x64xf32, #tpu.memory_space<hbm>> -> memref<1x64xf32, #tpu.memory_space<hbm>>
    tpu.enqueue_dma source(%dma_start3A_804 : memref<1x64xf32, #tpu.memory_space<hbm>>) target(%dma_start3A_802 : memref<1x64xf32, #tpu.memory_space<vmem>>) target_semaphore(%arg22 : memref<!tpu.dma_semaphore, #tpu.memory_space<semaphore_mem>>)
    %rem3A_805 = arith.constant 12 : i32
    %rem3A_806 = arith.constant 16 : i32
    %rem3A_807 = arith.remsi %rem3A_805, %rem3A_806 : i32
    %get3A_808 = arith.constant 12 : index
    %get3A_809 = tpu.vector_load %arg12[%get3A_808] {strides = array<i32>} : memref<528xi32, #tpu.memory_space<vmem>>, vector<16xi32>,
    %slice3A_810 = vector.extract_strided_slice %get3A_809 {offsets = [0], sizes = [1], strides = [1]} : vector<16xi32> to vector<1xi32>
    %squeeze3A_811 = vector.extract %slice3A_810[0] : i32 from vector<1xi32>
    %mul3A_812 = arith.constant 4 : i32
    %mul3A_813 = arith.muli %rem3A_807, %mul3A_812 : i32
    %add3A_814 = arith.constant 0 : i32
    %add3A_815 = arith.addi %mul3A_813, %add3A_814 : i32
    %dma_start3A_816 = arith.constant 0 : i32
    %dma_start3A_817 = tpu.memref_slice %arg18[%add3A_815, %dma_start3A_816] : memref<64x64xf32, #tpu.memory_space<vmem>> -> memref<1x64xf32, #tpu.memory_space<vmem>>
    %dma_start3A_818 = arith.constant 0 : i32
    %dma_start3A_819 = tpu.memref_slice %arg8[%squeeze3A_811, %dma_start3A_818] : memref<1000000x64xf32, #tpu.memory_space<hbm>> -> memref<1x64xf32, #tpu.memory_space<hbm>>
    %dma_start3A_820 = arith.constant 0 : i32
    %dma_start3A_821 = tpu.memref_slice %arg18[%add3A_815, %dma_start3A_820] : memref<64x64xf32, #tpu.memory_space<vmem>> -> memref<1x64xf32, #tpu.memory_space<vmem>>
    %dma_start3A_822 = arith.constant 0 : i32
    %dma_start3A_823 = tpu.memref_slice %arg8[%squeeze3A_811, %dma_start3A_822] : memref<1000000x64xf32, #tpu.memory_space<hbm>> -> memref<1x64xf32, #tpu.memory_space<hbm>>
    tpu.enqueue_dma source(%dma_start3A_823 : memref<1x64xf32, #tpu.memory_space<hbm>>) target(%dma_start3A_821 : memref<1x64xf32, #tpu.memory_space<vmem>>) target_semaphore(%arg22 : memref<!tpu.dma_semaphore, #tpu.memory_space<semaphore_mem>>)
    %get3A_824 = arith.constant 12 : index
    %get3A_825 = tpu.vector_load %arg13[%get3A_824] {strides = array<i32>} : memref<528xi32, #tpu.memory_space<vmem>>, vector<16xi32>,
    %slice3A_826 = vector.extract_strided_slice %get3A_825 {offsets = [0], sizes = [1], strides = [1]} : vector<16xi32> to vector<1xi32>
    %squeeze3A_827 = vector.extract %slice3A_826[0] : i32 from vector<1xi32>
    %mul3A_828 = arith.constant 4 : i32
    %mul3A_829 = arith.muli %rem3A_807, %mul3A_828 : i32
    %add3A_830 = arith.constant 1 : i32
    %add3A_831 = arith.addi %mul3A_829, %add3A_830 : i32
    %dma_start3A_832 = arith.constant 0 : i32
    %dma_start3A_833 = tpu.memref_slice %arg18[%add3A_831, %dma_start3A_832] : memref<64x64xf32, #tpu.memory_space<vmem>> -> memref<1x64xf32, #tpu.memory_space<vmem>>
    %dma_start3A_834 = arith.constant 0 : i32
    %dma_start3A_835 = tpu.memref_slice %arg8[%squeeze3A_827, %dma_start3A_834] : memref<1000000x64xf32, #tpu.memory_space<hbm>> -> memref<1x64xf32, #tpu.memory_space<hbm>>
    %dma_start3A_836 = arith.constant 0 : i32
    %dma_start3A_837 = tpu.memref_slice %arg18[%add3A_831, %dma_start3A_836] : memref<64x64xf32, #tpu.memory_space<vmem>> -> memref<1x64xf32, #tpu.memory_space<vmem>>
    %dma_start3A_838 = arith.constant 0 : i32
    %dma_start3A_839 = tpu.memref_slice %arg8[%squeeze3A_827, %dma_start3A_838] : memref<1000000x64xf32, #tpu.memory_space<hbm>> -> memref<1x64xf32, #tpu.memory_space<hbm>>
    tpu.enqueue_dma source(%dma_start3A_839 : memref<1x64xf32, #tpu.memory_space<hbm>>) target(%dma_start3A_837 : memref<1x64xf32, #tpu.memory_space<vmem>>) target_semaphore(%arg22 : memref<!tpu.dma_semaphore, #tpu.memory_space<semaphore_mem>>)
    %get3A_840 = arith.constant 12 : index
    %get3A_841 = tpu.vector_load %arg15[%get3A_840] {strides = array<i32>} : memref<528xi32, #tpu.memory_space<vmem>>, vector<16xi32>,
    %slice3A_842 = vector.extract_strided_slice %get3A_841 {offsets = [0], sizes = [1], strides = [1]} : vector<16xi32> to vector<1xi32>
    %squeeze3A_843 = vector.extract %slice3A_842[0] : i32 from vector<1xi32>
    %mul3A_844 = arith.constant 4 : i32
    %mul3A_845 = arith.muli %rem3A_807, %mul3A_844 : i32
    %add3A_846 = arith.constant 2 : i32
    %add3A_847 = arith.addi %mul3A_845, %add3A_846 : i32
    %dma_start3A_848 = arith.constant 0 : i32
    %dma_start3A_849 = tpu.memref_slice %arg18[%add3A_847, %dma_start3A_848] : memref<64x64xf32, #tpu.memory_space<vmem>> -> memref<1x64xf32, #tpu.memory_space<vmem>>
    %dma_start3A_850 = arith.constant 0 : i32
    %dma_start3A_851 = tpu.memref_slice %arg8[%squeeze3A_843, %dma_start3A_850] : memref<1000000x64xf32, #tpu.memory_space<hbm>> -> memref<1x64xf32, #tpu.memory_space<hbm>>
    %dma_start3A_852 = arith.constant 0 : i32
    %dma_start3A_853 = tpu.memref_slice %arg18[%add3A_847, %dma_start3A_852] : memref<64x64xf32, #tpu.memory_space<vmem>> -> memref<1x64xf32, #tpu.memory_space<vmem>>
    %dma_start3A_854 = arith.constant 0 : i32
    %dma_start3A_855 = tpu.memref_slice %arg8[%squeeze3A_843, %dma_start3A_854] : memref<1000000x64xf32, #tpu.memory_space<hbm>> -> memref<1x64xf32, #tpu.memory_space<hbm>>
    tpu.enqueue_dma source(%dma_start3A_855 : memref<1x64xf32, #tpu.memory_space<hbm>>) target(%dma_start3A_853 : memref<1x64xf32, #tpu.memory_space<vmem>>) target_semaphore(%arg22 : memref<!tpu.dma_semaphore, #tpu.memory_space<semaphore_mem>>)
    %get3A_856 = arith.constant 12 : index
    %get3A_857 = tpu.vector_load %arg16[%get3A_856] {strides = array<i32>} : memref<528xi32, #tpu.memory_space<vmem>>, vector<16xi32>,
    %slice3A_858 = vector.extract_strided_slice %get3A_857 {offsets = [0], sizes = [1], strides = [1]} : vector<16xi32> to vector<1xi32>
    %squeeze3A_859 = vector.extract %slice3A_858[0] : i32 from vector<1xi32>
    %mul3A_860 = arith.constant 4 : i32
    %mul3A_861 = arith.muli %rem3A_807, %mul3A_860 : i32
    %add3A_862 = arith.constant 3 : i32
    %add3A_863 = arith.addi %mul3A_861, %add3A_862 : i32
    %dma_start3A_864 = arith.constant 0 : i32
    %dma_start3A_865 = tpu.memref_slice %arg18[%add3A_863, %dma_start3A_864] : memref<64x64xf32, #tpu.memory_space<vmem>> -> memref<1x64xf32, #tpu.memory_space<vmem>>
    %dma_start3A_866 = arith.constant 0 : i32
    %dma_start3A_867 = tpu.memref_slice %arg8[%squeeze3A_859, %dma_start3A_866] : memref<1000000x64xf32, #tpu.memory_space<hbm>> -> memref<1x64xf32, #tpu.memory_space<hbm>>
    %dma_start3A_868 = arith.constant 0 : i32
    %dma_start3A_869 = tpu.memref_slice %arg18[%add3A_863, %dma_start3A_868] : memref<64x64xf32, #tpu.memory_space<vmem>> -> memref<1x64xf32, #tpu.memory_space<vmem>>
    %dma_start3A_870 = arith.constant 0 : i32
    %dma_start3A_871 = tpu.memref_slice %arg8[%squeeze3A_859, %dma_start3A_870] : memref<1000000x64xf32, #tpu.memory_space<hbm>> -> memref<1x64xf32, #tpu.memory_space<hbm>>
    tpu.enqueue_dma source(%dma_start3A_871 : memref<1x64xf32, #tpu.memory_space<hbm>>) target(%dma_start3A_869 : memref<1x64xf32, #tpu.memory_space<vmem>>) target_semaphore(%arg22 : memref<!tpu.dma_semaphore, #tpu.memory_space<semaphore_mem>>)
    %rem3A_872 = arith.constant 13 : i32
    %rem3A_873 = arith.constant 16 : i32
    %rem3A_874 = arith.remsi %rem3A_872, %rem3A_873 : i32
    %get3A_875 = arith.constant 13 : index
    %get3A_876 = tpu.vector_load %arg12[%get3A_875] {strides = array<i32>} : memref<528xi32, #tpu.memory_space<vmem>>, vector<16xi32>,
    %slice3A_877 = vector.extract_strided_slice %get3A_876 {offsets = [0], sizes = [1], strides = [1]} : vector<16xi32> to vector<1xi32>
    %squeeze3A_878 = vector.extract %slice3A_877[0] : i32 from vector<1xi32>
    %mul3A_879 = arith.constant 4 : i32
    %mul3A_880 = arith.muli %rem3A_874, %mul3A_879 : i32
    %add3A_881 = arith.constant 0 : i32
    %add3A_882 = arith.addi %mul3A_880, %add3A_881 : i32
    %dma_start3A_883 = arith.constant 0 : i32
    %dma_start3A_884 = tpu.memref_slice %arg18[%add3A_882, %dma_start3A_883] : memref<64x64xf32, #tpu.memory_space<vmem>> -> memref<1x64xf32, #tpu.memory_space<vmem>>
    %dma_start3A_885 = arith.constant 0 : i32
    %dma_start3A_886 = tpu.memref_slice %arg8[%squeeze3A_878, %dma_start3A_885] : memref<1000000x64xf32, #tpu.memory_space<hbm>> -> memref<1x64xf32, #tpu.memory_space<hbm>>
    %dma_start3A_887 = arith.constant 0 : i32
    %dma_start3A_888 = tpu.memref_slice %arg18[%add3A_882, %dma_start3A_887] : memref<64x64xf32, #tpu.memory_space<vmem>> -> memref<1x64xf32, #tpu.memory_space<vmem>>
    %dma_start3A_889 = arith.constant 0 : i32
    %dma_start3A_890 = tpu.memref_slice %arg8[%squeeze3A_878, %dma_start3A_889] : memref<1000000x64xf32, #tpu.memory_space<hbm>> -> memref<1x64xf32, #tpu.memory_space<hbm>>
    tpu.enqueue_dma source(%dma_start3A_890 : memref<1x64xf32, #tpu.memory_space<hbm>>) target(%dma_start3A_888 : memref<1x64xf32, #tpu.memory_space<vmem>>) target_semaphore(%arg22 : memref<!tpu.dma_semaphore, #tpu.memory_space<semaphore_mem>>)
    %get3A_891 = arith.constant 13 : index
    %get3A_892 = tpu.vector_load %arg13[%get3A_891] {strides = array<i32>} : memref<528xi32, #tpu.memory_space<vmem>>, vector<16xi32>,
    %slice3A_893 = vector.extract_strided_slice %get3A_892 {offsets = [0], sizes = [1], strides = [1]} : vector<16xi32> to vector<1xi32>
    %squeeze3A_894 = vector.extract %slice3A_893[0] : i32 from vector<1xi32>
    %mul3A_895 = arith.constant 4 : i32
    %mul3A_896 = arith.muli %rem3A_874, %mul3A_895 : i32
    %add3A_897 = arith.constant 1 : i32
    %add3A_898 = arith.addi %mul3A_896, %add3A_897 : i32
    %dma_start3A_899 = arith.constant 0 : i32
    %dma_start3A_900 = tpu.memref_slice %arg18[%add3A_898, %dma_start3A_899] : memref<64x64xf32, #tpu.memory_space<vmem>> -> memref<1x64xf32, #tpu.memory_space<vmem>>
    %dma_start3A_901 = arith.constant 0 : i32
    %dma_start3A_902 = tpu.memref_slice %arg8[%squeeze3A_894, %dma_start3A_901] : memref<1000000x64xf32, #tpu.memory_space<hbm>> -> memref<1x64xf32, #tpu.memory_space<hbm>>
    %dma_start3A_903 = arith.constant 0 : i32
    %dma_start3A_904 = tpu.memref_slice %arg18[%add3A_898, %dma_start3A_903] : memref<64x64xf32, #tpu.memory_space<vmem>> -> memref<1x64xf32, #tpu.memory_space<vmem>>
    %dma_start3A_905 = arith.constant 0 : i32
    %dma_start3A_906 = tpu.memref_slice %arg8[%squeeze3A_894, %dma_start3A_905] : memref<1000000x64xf32, #tpu.memory_space<hbm>> -> memref<1x64xf32, #tpu.memory_space<hbm>>
    tpu.enqueue_dma source(%dma_start3A_906 : memref<1x64xf32, #tpu.memory_space<hbm>>) target(%dma_start3A_904 : memref<1x64xf32, #tpu.memory_space<vmem>>) target_semaphore(%arg22 : memref<!tpu.dma_semaphore, #tpu.memory_space<semaphore_mem>>)
    %get3A_907 = arith.constant 13 : index
    %get3A_908 = tpu.vector_load %arg15[%get3A_907] {strides = array<i32>} : memref<528xi32, #tpu.memory_space<vmem>>, vector<16xi32>,
    %slice3A_909 = vector.extract_strided_slice %get3A_908 {offsets = [0], sizes = [1], strides = [1]} : vector<16xi32> to vector<1xi32>
    %squeeze3A_910 = vector.extract %slice3A_909[0] : i32 from vector<1xi32>
    %mul3A_911 = arith.constant 4 : i32
    %mul3A_912 = arith.muli %rem3A_874, %mul3A_911 : i32
    %add3A_913 = arith.constant 2 : i32
    %add3A_914 = arith.addi %mul3A_912, %add3A_913 : i32
    %dma_start3A_915 = arith.constant 0 : i32
    %dma_start3A_916 = tpu.memref_slice %arg18[%add3A_914, %dma_start3A_915] : memref<64x64xf32, #tpu.memory_space<vmem>> -> memref<1x64xf32, #tpu.memory_space<vmem>>
    %dma_start3A_917 = arith.constant 0 : i32
    %dma_start3A_918 = tpu.memref_slice %arg8[%squeeze3A_910, %dma_start3A_917] : memref<1000000x64xf32, #tpu.memory_space<hbm>> -> memref<1x64xf32, #tpu.memory_space<hbm>>
    %dma_start3A_919 = arith.constant 0 : i32
    %dma_start3A_920 = tpu.memref_slice %arg18[%add3A_914, %dma_start3A_919] : memref<64x64xf32, #tpu.memory_space<vmem>> -> memref<1x64xf32, #tpu.memory_space<vmem>>
    %dma_start3A_921 = arith.constant 0 : i32
    %dma_start3A_922 = tpu.memref_slice %arg8[%squeeze3A_910, %dma_start3A_921] : memref<1000000x64xf32, #tpu.memory_space<hbm>> -> memref<1x64xf32, #tpu.memory_space<hbm>>
    tpu.enqueue_dma source(%dma_start3A_922 : memref<1x64xf32, #tpu.memory_space<hbm>>) target(%dma_start3A_920 : memref<1x64xf32, #tpu.memory_space<vmem>>) target_semaphore(%arg22 : memref<!tpu.dma_semaphore, #tpu.memory_space<semaphore_mem>>)
    %get3A_923 = arith.constant 13 : index
    %get3A_924 = tpu.vector_load %arg16[%get3A_923] {strides = array<i32>} : memref<528xi32, #tpu.memory_space<vmem>>, vector<16xi32>,
    %slice3A_925 = vector.extract_strided_slice %get3A_924 {offsets = [0], sizes = [1], strides = [1]} : vector<16xi32> to vector<1xi32>
    %squeeze3A_926 = vector.extract %slice3A_925[0] : i32 from vector<1xi32>
    %mul3A_927 = arith.constant 4 : i32
    %mul3A_928 = arith.muli %rem3A_874, %mul3A_927 : i32
    %add3A_929 = arith.constant 3 : i32
    %add3A_930 = arith.addi %mul3A_928, %add3A_929 : i32
    %dma_start3A_931 = arith.constant 0 : i32
    %dma_start3A_932 = tpu.memref_slice %arg18[%add3A_930, %dma_start3A_931] : memref<64x64xf32, #tpu.memory_space<vmem>> -> memref<1x64xf32, #tpu.memory_space<vmem>>
    %dma_start3A_933 = arith.constant 0 : i32
    %dma_start3A_934 = tpu.memref_slice %arg8[%squeeze3A_926, %dma_start3A_933] : memref<1000000x64xf32, #tpu.memory_space<hbm>> -> memref<1x64xf32, #tpu.memory_space<hbm>>
    %dma_start3A_935 = arith.constant 0 : i32
    %dma_start3A_936 = tpu.memref_slice %arg18[%add3A_930, %dma_start3A_935] : memref<64x64xf32, #tpu.memory_space<vmem>> -> memref<1x64xf32, #tpu.memory_space<vmem>>
    %dma_start3A_937 = arith.constant 0 : i32
    %dma_start3A_938 = tpu.memref_slice %arg8[%squeeze3A_926, %dma_start3A_937] : memref<1000000x64xf32, #tpu.memory_space<hbm>> -> memref<1x64xf32, #tpu.memory_space<hbm>>
    tpu.enqueue_dma source(%dma_start3A_938 : memref<1x64xf32, #tpu.memory_space<hbm>>) target(%dma_start3A_936 : memref<1x64xf32, #tpu.memory_space<vmem>>) target_semaphore(%arg22 : memref<!tpu.dma_semaphore, #tpu.memory_space<semaphore_mem>>)
    %rem3A_939 = arith.constant 14 : i32
    %rem3A_940 = arith.constant 16 : i32
    %rem3A_941 = arith.remsi %rem3A_939, %rem3A_940 : i32
    %get3A_942 = arith.constant 14 : index
    %get3A_943 = tpu.vector_load %arg12[%get3A_942] {strides = array<i32>} : memref<528xi32, #tpu.memory_space<vmem>>, vector<16xi32>,
    %slice3A_944 = vector.extract_strided_slice %get3A_943 {offsets = [0], sizes = [1], strides = [1]} : vector<16xi32> to vector<1xi32>
    %squeeze3A_945 = vector.extract %slice3A_944[0] : i32 from vector<1xi32>
    %mul3A_946 = arith.constant 4 : i32
    %mul3A_947 = arith.muli %rem3A_941, %mul3A_946 : i32
    %add3A_948 = arith.constant 0 : i32
    %add3A_949 = arith.addi %mul3A_947, %add3A_948 : i32
    %dma_start3A_950 = arith.constant 0 : i32
    %dma_start3A_951 = tpu.memref_slice %arg18[%add3A_949, %dma_start3A_950] : memref<64x64xf32, #tpu.memory_space<vmem>> -> memref<1x64xf32, #tpu.memory_space<vmem>>
    %dma_start3A_952 = arith.constant 0 : i32
    %dma_start3A_953 = tpu.memref_slice %arg8[%squeeze3A_945, %dma_start3A_952] : memref<1000000x64xf32, #tpu.memory_space<hbm>> -> memref<1x64xf32, #tpu.memory_space<hbm>>
    %dma_start3A_954 = arith.constant 0 : i32
    %dma_start3A_955 = tpu.memref_slice %arg18[%add3A_949, %dma_start3A_954] : memref<64x64xf32, #tpu.memory_space<vmem>> -> memref<1x64xf32, #tpu.memory_space<vmem>>
    %dma_start3A_956 = arith.constant 0 : i32
    %dma_start3A_957 = tpu.memref_slice %arg8[%squeeze3A_945, %dma_start3A_956] : memref<1000000x64xf32, #tpu.memory_space<hbm>> -> memref<1x64xf32, #tpu.memory_space<hbm>>
    tpu.enqueue_dma source(%dma_start3A_957 : memref<1x64xf32, #tpu.memory_space<hbm>>) target(%dma_start3A_955 : memref<1x64xf32, #tpu.memory_space<vmem>>) target_semaphore(%arg22 : memref<!tpu.dma_semaphore, #tpu.memory_space<semaphore_mem>>)
    %get3A_958 = arith.constant 14 : index
    %get3A_959 = tpu.vector_load %arg13[%get3A_958] {strides = array<i32>} : memref<528xi32, #tpu.memory_space<vmem>>, vector<16xi32>,
    %slice3A_960 = vector.extract_strided_slice %get3A_959 {offsets = [0], sizes = [1], strides = [1]} : vector<16xi32> to vector<1xi32>
    %squeeze3A_961 = vector.extract %slice3A_960[0] : i32 from vector<1xi32>
    %mul3A_962 = arith.constant 4 : i32
    %mul3A_963 = arith.muli %rem3A_941, %mul3A_962 : i32
    %add3A_964 = arith.constant 1 : i32
    %add3A_965 = arith.addi %mul3A_963, %add3A_964 : i32
    %dma_start3A_966 = arith.constant 0 : i32
    %dma_start3A_967 = tpu.memref_slice %arg18[%add3A_965, %dma_start3A_966] : memref<64x64xf32, #tpu.memory_space<vmem>> -> memref<1x64xf32, #tpu.memory_space<vmem>>
    %dma_start3A_968 = arith.constant 0 : i32
    %dma_start3A_969 = tpu.memref_slice %arg8[%squeeze3A_961, %dma_start3A_968] : memref<1000000x64xf32, #tpu.memory_space<hbm>> -> memref<1x64xf32, #tpu.memory_space<hbm>>
    %dma_start3A_970 = arith.constant 0 : i32
    %dma_start3A_971 = tpu.memref_slice %arg18[%add3A_965, %dma_start3A_970] : memref<64x64xf32, #tpu.memory_space<vmem>> -> memref<1x64xf32, #tpu.memory_space<vmem>>
    %dma_start3A_972 = arith.constant 0 : i32
    %dma_start3A_973 = tpu.memref_slice %arg8[%squeeze3A_961, %dma_start3A_972] : memref<1000000x64xf32, #tpu.memory_space<hbm>> -> memref<1x64xf32, #tpu.memory_space<hbm>>
    tpu.enqueue_dma source(%dma_start3A_973 : memref<1x64xf32, #tpu.memory_space<hbm>>) target(%dma_start3A_971 : memref<1x64xf32, #tpu.memory_space<vmem>>) target_semaphore(%arg22 : memref<!tpu.dma_semaphore, #tpu.memory_space<semaphore_mem>>)
    %get3A_974 = arith.constant 14 : index
    %get3A_975 = tpu.vector_load %arg15[%get3A_974] {strides = array<i32>} : memref<528xi32, #tpu.memory_space<vmem>>, vector<16xi32>,
    %slice3A_976 = vector.extract_strided_slice %get3A_975 {offsets = [0], sizes = [1], strides = [1]} : vector<16xi32> to vector<1xi32>
    %squeeze3A_977 = vector.extract %slice3A_976[0] : i32 from vector<1xi32>
    %mul3A_978 = arith.constant 4 : i32
    %mul3A_979 = arith.muli %rem3A_941, %mul3A_978 : i32
    %add3A_980 = arith.constant 2 : i32
    %add3A_981 = arith.addi %mul3A_979, %add3A_980 : i32
    %dma_start3A_982 = arith.constant 0 : i32
    %dma_start3A_983 = tpu.memref_slice %arg18[%add3A_981, %dma_start3A_982] : memref<64x64xf32, #tpu.memory_space<vmem>> -> memref<1x64xf32, #tpu.memory_space<vmem>>
    %dma_start3A_984 = arith.constant 0 : i32
    %dma_start3A_985 = tpu.memref_slice %arg8[%squeeze3A_977, %dma_start3A_984] : memref<1000000x64xf32, #tpu.memory_space<hbm>> -> memref<1x64xf32, #tpu.memory_space<hbm>>
    %dma_start3A_986 = arith.constant 0 : i32
    %dma_start3A_987 = tpu.memref_slice %arg18[%add3A_981, %dma_start3A_986] : memref<64x64xf32, #tpu.memory_space<vmem>> -> memref<1x64xf32, #tpu.memory_space<vmem>>
    %dma_start3A_988 = arith.constant 0 : i32
    %dma_start3A_989 = tpu.memref_slice %arg8[%squeeze3A_977, %dma_start3A_988] : memref<1000000x64xf32, #tpu.memory_space<hbm>> -> memref<1x64xf32, #tpu.memory_space<hbm>>
    tpu.enqueue_dma source(%dma_start3A_989 : memref<1x64xf32, #tpu.memory_space<hbm>>) target(%dma_start3A_987 : memref<1x64xf32, #tpu.memory_space<vmem>>) target_semaphore(%arg22 : memref<!tpu.dma_semaphore, #tpu.memory_space<semaphore_mem>>)
    %get3A_990 = arith.constant 14 : index
    %get3A_991 = tpu.vector_load %arg16[%get3A_990] {strides = array<i32>} : memref<528xi32, #tpu.memory_space<vmem>>, vector<16xi32>,
    %slice3A_992 = vector.extract_strided_slice %get3A_991 {offsets = [0], sizes = [1], strides = [1]} : vector<16xi32> to vector<1xi32>
    %squeeze3A_993 = vector.extract %slice3A_992[0] : i32 from vector<1xi32>
    %mul3A_994 = arith.constant 4 : i32
    %mul3A_995 = arith.muli %rem3A_941, %mul3A_994 : i32
    %add3A_996 = arith.constant 3 : i32
    %add3A_997 = arith.addi %mul3A_995, %add3A_996 : i32
    %dma_start3A_998 = arith.constant 0 : i32
    %dma_start3A_999 = tpu.memref_slice %arg18[%add3A_997, %dma_start3A_998] : memref<64x64xf32, #tpu.memory_space<vmem>> -> memref<1x64xf32, #tpu.memory_space<vmem>>
    %dma_start3A_1000 = arith.constant 0 : i32
    %dma_start3A_1001 = tpu.memref_slice %arg8[%squeeze3A_993, %dma_start3A_1000] : memref<1000000x64xf32, #tpu.memory_space<hbm>> -> memref<1x64xf32, #tpu.memory_space<hbm>>
    %dma_start3A_1002 = arith.constant 0 : i32
    %dma_start3A_1003 = tpu.memref_slice %arg18[%add3A_997, %dma_start3A_1002] : memref<64x64xf32, #tpu.memory_space<vmem>> -> memref<1x64xf32, #tpu.memory_space<vmem>>
    %dma_start3A_1004 = arith.constant 0 : i32
    %dma_start3A_1005 = tpu.memref_slice %arg8[%squeeze3A_993, %dma_start3A_1004] : memref<1000000x64xf32, #tpu.memory_space<hbm>> -> memref<1x64xf32, #tpu.memory_space<hbm>>
    tpu.enqueue_dma source(%dma_start3A_1005 : memref<1x64xf32, #tpu.memory_space<hbm>>) target(%dma_start3A_1003 : memref<1x64xf32, #tpu.memory_space<vmem>>) target_semaphore(%arg22 : memref<!tpu.dma_semaphore, #tpu.memory_space<semaphore_mem>>)
    %rem3A_1006 = arith.constant 15 : i32
    %rem3A_1007 = arith.constant 16 : i32
    %rem3A_1008 = arith.remsi %rem3A_1006, %rem3A_1007 : i32
    %get3A_1009 = arith.constant 15 : index
    %get3A_1010 = tpu.vector_load %arg12[%get3A_1009] {strides = array<i32>} : memref<528xi32, #tpu.memory_space<vmem>>, vector<16xi32>,
    %slice3A_1011 = vector.extract_strided_slice %get3A_1010 {offsets = [0], sizes = [1], strides = [1]} : vector<16xi32> to vector<1xi32>
    %squeeze3A_1012 = vector.extract %slice3A_1011[0] : i32 from vector<1xi32>
    %mul3A_1013 = arith.constant 4 : i32
    %mul3A_1014 = arith.muli %rem3A_1008, %mul3A_1013 : i32
    %add3A_1015 = arith.constant 0 : i32
    %add3A_1016 = arith.addi %mul3A_1014, %add3A_1015 : i32
    %dma_start3A_1017 = arith.constant 0 : i32
    %dma_start3A_1018 = tpu.memref_slice %arg18[%add3A_1016, %dma_start3A_1017] : memref<64x64xf32, #tpu.memory_space<vmem>> -> memref<1x64xf32, #tpu.memory_space<vmem>>
    %dma_start3A_1019 = arith.constant 0 : i32
    %dma_start3A_1020 = tpu.memref_slice %arg8[%squeeze3A_1012, %dma_start3A_1019] : memref<1000000x64xf32, #tpu.memory_space<hbm>> -> memref<1x64xf32, #tpu.memory_space<hbm>>
    %dma_start3A_1021 = arith.constant 0 : i32
    %dma_start3A_1022 = tpu.memref_slice %arg18[%add3A_1016, %dma_start3A_1021] : memref<64x64xf32, #tpu.memory_space<vmem>> -> memref<1x64xf32, #tpu.memory_space<vmem>>
    %dma_start3A_1023 = arith.constant 0 : i32
    %dma_start3A_1024 = tpu.memref_slice %arg8[%squeeze3A_1012, %dma_start3A_1023] : memref<1000000x64xf32, #tpu.memory_space<hbm>> -> memref<1x64xf32, #tpu.memory_space<hbm>>
    tpu.enqueue_dma source(%dma_start3A_1024 : memref<1x64xf32, #tpu.memory_space<hbm>>) target(%dma_start3A_1022 : memref<1x64xf32, #tpu.memory_space<vmem>>) target_semaphore(%arg22 : memref<!tpu.dma_semaphore, #tpu.memory_space<semaphore_mem>>)
    %get3A_1025 = arith.constant 15 : index
    %get3A_1026 = tpu.vector_load %arg13[%get3A_1025] {strides = array<i32>} : memref<528xi32, #tpu.memory_space<vmem>>, vector<16xi32>,
    %slice3A_1027 = vector.extract_strided_slice %get3A_1026 {offsets = [0], sizes = [1], strides = [1]} : vector<16xi32> to vector<1xi32>
    %squeeze3A_1028 = vector.extract %slice3A_1027[0] : i32 from vector<1xi32>
    %mul3A_1029 = arith.constant 4 : i32
    %mul3A_1030 = arith.muli %rem3A_1008, %mul3A_1029 : i32
    %add3A_1031 = arith.constant 1 : i32
    %add3A_1032 = arith.addi %mul3A_1030, %add3A_1031 : i32
    %dma_start3A_1033 = arith.constant 0 : i32
    %dma_start3A_1034 = tpu.memref_slice %arg18[%add3A_1032, %dma_start3A_1033] : memref<64x64xf32, #tpu.memory_space<vmem>> -> memref<1x64xf32, #tpu.memory_space<vmem>>
    %dma_start3A_1035 = arith.constant 0 : i32
    %dma_start3A_1036 = tpu.memref_slice %arg8[%squeeze3A_1028, %dma_start3A_1035] : memref<1000000x64xf32, #tpu.memory_space<hbm>> -> memref<1x64xf32, #tpu.memory_space<hbm>>
    %dma_start3A_1037 = arith.constant 0 : i32
    %dma_start3A_1038 = tpu.memref_slice %arg18[%add3A_1032, %dma_start3A_1037] : memref<64x64xf32, #tpu.memory_space<vmem>> -> memref<1x64xf32, #tpu.memory_space<vmem>>
    %dma_start3A_1039 = arith.constant 0 : i32
    %dma_start3A_1040 = tpu.memref_slice %arg8[%squeeze3A_1028, %dma_start3A_1039] : memref<1000000x64xf32, #tpu.memory_space<hbm>> -> memref<1x64xf32, #tpu.memory_space<hbm>>
    tpu.enqueue_dma source(%dma_start3A_1040 : memref<1x64xf32, #tpu.memory_space<hbm>>) target(%dma_start3A_1038 : memref<1x64xf32, #tpu.memory_space<vmem>>) target_semaphore(%arg22 : memref<!tpu.dma_semaphore, #tpu.memory_space<semaphore_mem>>)
    %get3A_1041 = arith.constant 15 : index
    %get3A_1042 = tpu.vector_load %arg15[%get3A_1041] {strides = array<i32>} : memref<528xi32, #tpu.memory_space<vmem>>, vector<16xi32>,
    %slice3A_1043 = vector.extract_strided_slice %get3A_1042 {offsets = [0], sizes = [1], strides = [1]} : vector<16xi32> to vector<1xi32>
    %squeeze3A_1044 = vector.extract %slice3A_1043[0] : i32 from vector<1xi32>
    %mul3A_1045 = arith.constant 4 : i32
    %mul3A_1046 = arith.muli %rem3A_1008, %mul3A_1045 : i32
    %add3A_1047 = arith.constant 2 : i32
    %add3A_1048 = arith.addi %mul3A_1046, %add3A_1047 : i32
    %dma_start3A_1049 = arith.constant 0 : i32
    %dma_start3A_1050 = tpu.memref_slice %arg18[%add3A_1048, %dma_start3A_1049] : memref<64x64xf32, #tpu.memory_space<vmem>> -> memref<1x64xf32, #tpu.memory_space<vmem>>
    %dma_start3A_1051 = arith.constant 0 : i32
    %dma_start3A_1052 = tpu.memref_slice %arg8[%squeeze3A_1044, %dma_start3A_1051] : memref<1000000x64xf32, #tpu.memory_space<hbm>> -> memref<1x64xf32, #tpu.memory_space<hbm>>
    %dma_start3A_1053 = arith.constant 0 : i32
    %dma_start3A_1054 = tpu.memref_slice %arg18[%add3A_1048, %dma_start3A_1053] : memref<64x64xf32, #tpu.memory_space<vmem>> -> memref<1x64xf32, #tpu.memory_space<vmem>>
    %dma_start3A_1055 = arith.constant 0 : i32
    %dma_start3A_1056 = tpu.memref_slice %arg8[%squeeze3A_1044, %dma_start3A_1055] : memref<1000000x64xf32, #tpu.memory_space<hbm>> -> memref<1x64xf32, #tpu.memory_space<hbm>>
    tpu.enqueue_dma source(%dma_start3A_1056 : memref<1x64xf32, #tpu.memory_space<hbm>>) target(%dma_start3A_1054 : memref<1x64xf32, #tpu.memory_space<vmem>>) target_semaphore(%arg22 : memref<!tpu.dma_semaphore, #tpu.memory_space<semaphore_mem>>)
    %get3A_1057 = arith.constant 15 : index
    %get3A_1058 = tpu.vector_load %arg16[%get3A_1057] {strides = array<i32>} : memref<528xi32, #tpu.memory_space<vmem>>, vector<16xi32>,
    %slice3A_1059 = vector.extract_strided_slice %get3A_1058 {offsets = [0], sizes = [1], strides = [1]} : vector<16xi32> to vector<1xi32>
    %squeeze3A_1060 = vector.extract %slice3A_1059[0] : i32 from vector<1xi32>
    %mul3A_1061 = arith.constant 4 : i32
    %mul3A_1062 = arith.muli %rem3A_1008, %mul3A_1061 : i32
    %add3A_1063 = arith.constant 3 : i32
    %add3A_1064 = arith.addi %mul3A_1062, %add3A_1063 : i32
    %dma_start3A_1065 = arith.constant 0 : i32
    %dma_start3A_1066 = tpu.memref_slice %arg18[%add3A_1064, %dma_start3A_1065] : memref<64x64xf32, #tpu.memory_space<vmem>> -> memref<1x64xf32, #tpu.memory_space<vmem>>
    %dma_start3A_1067 = arith.constant 0 : i32
    %dma_start3A_1068 = tpu.memref_slice %arg8[%squeeze3A_1060, %dma_start3A_1067] : memref<1000000x64xf32, #tpu.memory_space<hbm>> -> memref<1x64xf32, #tpu.memory_space<hbm>>
    %dma_start3A_1069 = arith.constant 0 : i32
    %dma_start3A_1070 = tpu.memref_slice %arg18[%add3A_1064, %dma_start3A_1069] : memref<64x64xf32, #tpu.memory_space<vmem>> -> memref<1x64xf32, #tpu.memory_space<vmem>>
    %dma_start3A_1071 = arith.constant 0 : i32
    %dma_start3A_1072 = tpu.memref_slice %arg8[%squeeze3A_1060, %dma_start3A_1071] : memref<1000000x64xf32, #tpu.memory_space<hbm>> -> memref<1x64xf32, #tpu.memory_space<hbm>>
    tpu.enqueue_dma source(%dma_start3A_1072 : memref<1x64xf32, #tpu.memory_space<hbm>>) target(%dma_start3A_1070 : memref<1x64xf32, #tpu.memory_space<vmem>>) target_semaphore(%arg22 : memref<!tpu.dma_semaphore, #tpu.memory_space<semaphore_mem>>)
    %scan3A = arith.constant 0 : i32
    %scan3A_1073 = arith.constant 512 : i32
    %scan3A_1074 = arith.addi %scan3A, %scan3A_1073 : i32
    %scan3A_1075 = arith.constant 1 : i32
    %scan3A_1076 = scf.for %scan3A_1082 = %scan3A to %scan3A_1074 step %scan3A_1075 iter_args(%scan3A_1083 = %broadcast_in_dim3A_5) -> (vector<16xf32>)  : i32 {
      %rem3A_1084 = arith.constant 16 : i32
      %rem3A_1085 = arith.remsi %scan3A_1082, %rem3A_1084 : i32
      %and3A = arith.constant 1 : i32
      %and3A_1086 = arith.andi %scan3A_1082, %and3A : i32
      %eq3A_1087 = arith.constant 0 : i32
      %eq3A_1088 = arith.cmpi eq, %and3A_1086, %eq3A_1087 : i32
      %convert_element_type3A = arith.extui %eq3A_1088 : i1 to i32
      %cond3A = arith.constant 0 : i32
      %cond3A_1089 = arith.cmpi ne, %convert_element_type3A, %cond3A : i32
      scf.if %cond3A_1089 {
        %mul3A_1647 = arith.constant 4 : i32
        %mul3A_1648 = arith.muli %rem3A_1085, %mul3A_1647 : i32
        %dma_wait3A = arith.constant 0 : i32
        %dma_wait3A_1649 = tpu.memref_slice %arg18[%mul3A_1648, %dma_wait3A] : memref<64x64xf32, #tpu.memory_space<vmem>> -> memref<8x64xf32, #tpu.memory_space<vmem>>
        %dma_wait3A_1650 = arith.constant 0 : i32
        %dma_wait3A_1651 = arith.constant 0 : i32
        %dma_wait3A_1652 = tpu.memref_slice %arg8[%dma_wait3A_1650, %dma_wait3A_1651] : memref<1000000x64xf32, #tpu.memory_space<hbm>> -> memref<8x64xf32, #tpu.memory_space<hbm>>
        %dma_wait3A_1653 = arith.constant 0 : i32
        %dma_wait3A_1654 = tpu.memref_slice %arg18[%mul3A_1648, %dma_wait3A_1653] : memref<64x64xf32, #tpu.memory_space<vmem>> -> memref<8x64xf32, #tpu.memory_space<vmem>>
        %dma_wait3A_1655 = arith.constant 0 : i32
        %dma_wait3A_1656 = arith.constant 0 : i32
        %dma_wait3A_1657 = tpu.memref_slice %arg8[%dma_wait3A_1655, %dma_wait3A_1656] : memref<1000000x64xf32, #tpu.memory_space<hbm>> -> memref<8x64xf32, #tpu.memory_space<hbm>>
        tpu.wait_dma2 semaphore(%arg22 : memref<!tpu.dma_semaphore, #tpu.memory_space<semaphore_mem>>) src(%dma_wait3A_1657 : memref<8x64xf32, #tpu.memory_space<hbm>>) dst(%dma_wait3A_1654 : memref<8x64xf32, #tpu.memory_space<vmem>>)
      } else {
      }
      %mul3A_1090 = arith.constant 4 : i32
      %mul3A_1091 = arith.muli %rem3A_1085, %mul3A_1090 : i32
      %add3A_1092 = arith.constant 0 : i32
      %add3A_1093 = arith.addi %mul3A_1091, %add3A_1092 : i32
      %get3A_1094 = arith.index_cast %add3A_1093 : i32 to index
      %get3A_1095 = arith.constant 0 : index
      %get3A_1096 = tpu.vector_load %arg18[%get3A_1094, %get3A_1095] {strides = array<i32>} : memref<64x64xf32, #tpu.memory_space<vmem>>, vector<16xf32>,
      %mul3A_1097 = arith.constant 4 : i32
      %mul3A_1098 = arith.muli %rem3A_1085, %mul3A_1097 : i32
      %add3A_1099 = arith.constant 0 : i32
      %add3A_1100 = arith.addi %mul3A_1098, %add3A_1099 : i32
      %get3A_1101 = arith.index_cast %add3A_1100 : i32 to index
      %get3A_1102 = arith.constant 16 : index
      %get3A_1103 = tpu.vector_load %arg18[%get3A_1101, %get3A_1102] {strides = array<i32>} : memref<64x64xf32, #tpu.memory_space<vmem>>, vector<16xf32>,
      %mul3A_1104 = arith.constant 4 : i32
      %mul3A_1105 = arith.muli %rem3A_1085, %mul3A_1104 : i32
      %add3A_1106 = arith.constant 0 : i32
      %add3A_1107 = arith.addi %mul3A_1105, %add3A_1106 : i32
      %get3A_1108 = arith.index_cast %add3A_1107 : i32 to index
      %get3A_1109 = arith.constant 32 : index
      %get3A_1110 = tpu.vector_load %arg18[%get3A_1108, %get3A_1109] {strides = array<i32>} : memref<64x64xf32, #tpu.memory_space<vmem>>, vector<16xf32>,
      %mul3A_1111 = arith.constant 4 : i32
      %mul3A_1112 = arith.muli %rem3A_1085, %mul3A_1111 : i32
      %add3A_1113 = arith.constant 0 : i32
      %add3A_1114 = arith.addi %mul3A_1112, %add3A_1113 : i32
      %get3A_1115 = arith.index_cast %add3A_1114 : i32 to index
      %get3A_1116 = arith.constant 48 : index
      %get3A_1117 = tpu.vector_load %arg18[%get3A_1115, %get3A_1116] {strides = array<i32>} : memref<64x64xf32, #tpu.memory_space<vmem>>, vector<16xf32>,
      %mul3A_1118 = arith.constant 4 : i32
      %mul3A_1119 = arith.muli %rem3A_1085, %mul3A_1118 : i32
      %add3A_1120 = arith.constant 1 : i32
      %add3A_1121 = arith.addi %mul3A_1119, %add3A_1120 : i32
      %get3A_1122 = arith.index_cast %add3A_1121 : i32 to index
      %get3A_1123 = arith.constant 0 : index
      %get3A_1124 = tpu.vector_load %arg18[%get3A_1122, %get3A_1123] {strides = array<i32>} : memref<64x64xf32, #tpu.memory_space<vmem>>, vector<16xf32>,
      %mul3A_1125 = arith.constant 4 : i32
      %mul3A_1126 = arith.muli %rem3A_1085, %mul3A_1125 : i32
      %add3A_1127 = arith.constant 1 : i32
      %add3A_1128 = arith.addi %mul3A_1126, %add3A_1127 : i32
      %get3A_1129 = arith.index_cast %add3A_1128 : i32 to index
      %get3A_1130 = arith.constant 16 : index
      %get3A_1131 = tpu.vector_load %arg18[%get3A_1129, %get3A_1130] {strides = array<i32>} : memref<64x64xf32, #tpu.memory_space<vmem>>, vector<16xf32>,
      %mul3A_1132 = arith.constant 4 : i32
      %mul3A_1133 = arith.muli %rem3A_1085, %mul3A_1132 : i32
      %add3A_1134 = arith.constant 1 : i32
      %add3A_1135 = arith.addi %mul3A_1133, %add3A_1134 : i32
      %get3A_1136 = arith.index_cast %add3A_1135 : i32 to index
      %get3A_1137 = arith.constant 32 : index
      %get3A_1138 = tpu.vector_load %arg18[%get3A_1136, %get3A_1137] {strides = array<i32>} : memref<64x64xf32, #tpu.memory_space<vmem>>, vector<16xf32>,
      %mul3A_1139 = arith.constant 4 : i32
      %mul3A_1140 = arith.muli %rem3A_1085, %mul3A_1139 : i32
      %add3A_1141 = arith.constant 1 : i32
      %add3A_1142 = arith.addi %mul3A_1140, %add3A_1141 : i32
      %get3A_1143 = arith.index_cast %add3A_1142 : i32 to index
      %get3A_1144 = arith.constant 48 : index
      %get3A_1145 = tpu.vector_load %arg18[%get3A_1143, %get3A_1144] {strides = array<i32>} : memref<64x64xf32, #tpu.memory_space<vmem>>, vector<16xf32>,
      %mul3A_1146 = arith.constant 4 : i32
      %mul3A_1147 = arith.muli %rem3A_1085, %mul3A_1146 : i32
      %add3A_1148 = arith.constant 2 : i32
      %add3A_1149 = arith.addi %mul3A_1147, %add3A_1148 : i32
      %get3A_1150 = arith.index_cast %add3A_1149 : i32 to index
      %get3A_1151 = arith.constant 0 : index
      %get3A_1152 = tpu.vector_load %arg18[%get3A_1150, %get3A_1151] {strides = array<i32>} : memref<64x64xf32, #tpu.memory_space<vmem>>, vector<16xf32>,
      %mul3A_1153 = arith.constant 4 : i32
      %mul3A_1154 = arith.muli %rem3A_1085, %mul3A_1153 : i32
      %add3A_1155 = arith.constant 2 : i32
      %add3A_1156 = arith.addi %mul3A_1154, %add3A_1155 : i32
      %get3A_1157 = arith.index_cast %add3A_1156 : i32 to index
      %get3A_1158 = arith.constant 16 : index
      %get3A_1159 = tpu.vector_load %arg18[%get3A_1157, %get3A_1158] {strides = array<i32>} : memref<64x64xf32, #tpu.memory_space<vmem>>, vector<16xf32>,
      %mul3A_1160 = arith.constant 4 : i32
      %mul3A_1161 = arith.muli %rem3A_1085, %mul3A_1160 : i32
      %add3A_1162 = arith.constant 2 : i32
      %add3A_1163 = arith.addi %mul3A_1161, %add3A_1162 : i32
      %get3A_1164 = arith.index_cast %add3A_1163 : i32 to index
      %get3A_1165 = arith.constant 32 : index
      %get3A_1166 = tpu.vector_load %arg18[%get3A_1164, %get3A_1165] {strides = array<i32>} : memref<64x64xf32, #tpu.memory_space<vmem>>, vector<16xf32>,
      %mul3A_1167 = arith.constant 4 : i32
      %mul3A_1168 = arith.muli %rem3A_1085, %mul3A_1167 : i32
      %add3A_1169 = arith.constant 2 : i32
      %add3A_1170 = arith.addi %mul3A_1168, %add3A_1169 : i32
      %get3A_1171 = arith.index_cast %add3A_1170 : i32 to index
      %get3A_1172 = arith.constant 48 : index
      %get3A_1173 = tpu.vector_load %arg18[%get3A_1171, %get3A_1172] {strides = array<i32>} : memref<64x64xf32, #tpu.memory_space<vmem>>, vector<16xf32>,
      %mul3A_1174 = arith.constant 4 : i32
      %mul3A_1175 = arith.muli %rem3A_1085, %mul3A_1174 : i32
      %add3A_1176 = arith.constant 3 : i32
      %add3A_1177 = arith.addi %mul3A_1175, %add3A_1176 : i32
      %get3A_1178 = arith.index_cast %add3A_1177 : i32 to index
      %get3A_1179 = arith.constant 0 : index
      %get3A_1180 = tpu.vector_load %arg18[%get3A_1178, %get3A_1179] {strides = array<i32>} : memref<64x64xf32, #tpu.memory_space<vmem>>, vector<16xf32>,
      %mul3A_1181 = arith.constant 4 : i32
      %mul3A_1182 = arith.muli %rem3A_1085, %mul3A_1181 : i32
      %add3A_1183 = arith.constant 3 : i32
      %add3A_1184 = arith.addi %mul3A_1182, %add3A_1183 : i32
      %get3A_1185 = arith.index_cast %add3A_1184 : i32 to index
      %get3A_1186 = arith.constant 16 : index
      %get3A_1187 = tpu.vector_load %arg18[%get3A_1185, %get3A_1186] {strides = array<i32>} : memref<64x64xf32, #tpu.memory_space<vmem>>, vector<16xf32>,
      %mul3A_1188 = arith.constant 4 : i32
      %mul3A_1189 = arith.muli %rem3A_1085, %mul3A_1188 : i32
      %add3A_1190 = arith.constant 3 : i32
      %add3A_1191 = arith.addi %mul3A_1189, %add3A_1190 : i32
      %get3A_1192 = arith.index_cast %add3A_1191 : i32 to index
      %get3A_1193 = arith.constant 32 : index
      %get3A_1194 = tpu.vector_load %arg18[%get3A_1192, %get3A_1193] {strides = array<i32>} : memref<64x64xf32, #tpu.memory_space<vmem>>, vector<16xf32>,
      %mul3A_1195 = arith.constant 4 : i32
      %mul3A_1196 = arith.muli %rem3A_1085, %mul3A_1195 : i32
      %add3A_1197 = arith.constant 3 : i32
      %add3A_1198 = arith.addi %mul3A_1196, %add3A_1197 : i32
      %get3A_1199 = arith.index_cast %add3A_1198 : i32 to index
      %get3A_1200 = arith.constant 48 : index
      %get3A_1201 = tpu.vector_load %arg18[%get3A_1199, %get3A_1200] {strides = array<i32>} : memref<64x64xf32, #tpu.memory_space<vmem>>, vector<16xf32>,
      %get3A_1202 = arith.index_cast %scan3A_1082 : i32 to index
      %get3A_1203 = tpu.vector_load %arg14[%get3A_1202] {strides = array<i32>} : memref<528xi32, #tpu.memory_space<vmem>>, vector<16xi32>,
      %slice3A_1204 = vector.extract_strided_slice %get3A_1203 {offsets = [0], sizes = [1], strides = [1]} : vector<16xi32> to vector<1xi32>
      %squeeze3A_1205 = vector.extract %slice3A_1204[0] : i32 from vector<1xi32>
      %and3A_1206 = arith.constant 1 : i32
      %and3A_1207 = arith.andi %squeeze3A_1205, %and3A_1206 : i32
      %mul3A_1208 = arith.constant 64 : i32
      %mul3A_1209 = arith.muli %and3A_1207, %mul3A_1208 : i32
      %shift_right_arithmetic3A = arith.constant 1 : i32
      %shift_right_arithmetic3A_1210 = arith.shrsi %squeeze3A_1205, %shift_right_arithmetic3A : i32
      %add3A_1211 = arith.constant 0 : i32
      %add3A_1212 = arith.addi %mul3A_1209, %add3A_1211 : i32
      %get3A_1213 = arith.index_cast %shift_right_arithmetic3A_1210 : i32 to index
      %get3A_1214 = arith.index_cast %add3A_1212 : i32 to index
      %get3A_1215 = tpu.vector_load %arg19[%get3A_1213, %get3A_1214] {strides = array<i32>} : memref<500x128xf32, #tpu.memory_space<vmem>>, vector<16xf32>,
      %shift_right_arithmetic3A_1216 = arith.constant 1 : i32
      %shift_right_arithmetic3A_1217 = arith.shrsi %squeeze3A_1205, %shift_right_arithmetic3A_1216 : i32
      %add3A_1218 = arith.constant 16 : i32
      %add3A_1219 = arith.addi %mul3A_1209, %add3A_1218 : i32
      %get3A_1220 = arith.index_cast %shift_right_arithmetic3A_1217 : i32 to index
      %get3A_1221 = arith.index_cast %add3A_1219 : i32 to index
      %get3A_1222 = tpu.vector_load %arg19[%get3A_1220, %get3A_1221] {strides = array<i32>} : memref<500x128xf32, #tpu.memory_space<vmem>>, vector<16xf32>,
      %shift_right_arithmetic3A_1223 = arith.constant 1 : i32
      %shift_right_arithmetic3A_1224 = arith.shrsi %squeeze3A_1205, %shift_right_arithmetic3A_1223 : i32
      %add3A_1225 = arith.constant 32 : i32
      %add3A_1226 = arith.addi %mul3A_1209, %add3A_1225 : i32
      %get3A_1227 = arith.index_cast %shift_right_arithmetic3A_1224 : i32 to index
      %get3A_1228 = arith.index_cast %add3A_1226 : i32 to index
      %get3A_1229 = tpu.vector_load %arg19[%get3A_1227, %get3A_1228] {strides = array<i32>} : memref<500x128xf32, #tpu.memory_space<vmem>>, vector<16xf32>,
      %shift_right_arithmetic3A_1230 = arith.constant 1 : i32
      %shift_right_arithmetic3A_1231 = arith.shrsi %squeeze3A_1205, %shift_right_arithmetic3A_1230 : i32
      %add3A_1232 = arith.constant 48 : i32
      %add3A_1233 = arith.addi %mul3A_1209, %add3A_1232 : i32
      %get3A_1234 = arith.index_cast %shift_right_arithmetic3A_1231 : i32 to index
      %get3A_1235 = arith.index_cast %add3A_1233 : i32 to index
      %get3A_1236 = tpu.vector_load %arg19[%get3A_1234, %get3A_1235] {strides = array<i32>} : memref<500x128xf32, #tpu.memory_space<vmem>>, vector<16xf32>,
      %get3A_1237 = arith.index_cast %scan3A_1082 : i32 to index
      %get3A_1238 = tpu.vector_load %arg17[%get3A_1237] {strides = array<i32>} : memref<528xi32, #tpu.memory_space<vmem>>, vector<16xi32>,
      %slice3A_1239 = vector.extract_strided_slice %get3A_1238 {offsets = [0], sizes = [1], strides = [1]} : vector<16xi32> to vector<1xi32>
      %squeeze3A_1240 = vector.extract %slice3A_1239[0] : i32 from vector<1xi32>
      %and3A_1241 = arith.constant 1 : i32
      %and3A_1242 = arith.andi %squeeze3A_1240, %and3A_1241 : i32
      %mul3A_1243 = arith.constant 64 : i32
      %mul3A_1244 = arith.muli %and3A_1242, %mul3A_1243 : i32
      %shift_right_arithmetic3A_1245 = arith.constant 1 : i32
      %shift_right_arithmetic3A_1246 = arith.shrsi %squeeze3A_1240, %shift_right_arithmetic3A_1245 : i32
      %add3A_1247 = arith.constant 0 : i32
      %add3A_1248 = arith.addi %mul3A_1244, %add3A_1247 : i32
      %get3A_1249 = arith.index_cast %shift_right_arithmetic3A_1246 : i32 to index
      %get3A_1250 = arith.index_cast %add3A_1248 : i32 to index
      %get3A_1251 = tpu.vector_load %arg19[%get3A_1249, %get3A_1250] {strides = array<i32>} : memref<500x128xf32, #tpu.memory_space<vmem>>, vector<16xf32>,
      %shift_right_arithmetic3A_1252 = arith.constant 1 : i32
      %shift_right_arithmetic3A_1253 = arith.shrsi %squeeze3A_1240, %shift_right_arithmetic3A_1252 : i32
      %add3A_1254 = arith.constant 16 : i32
      %add3A_1255 = arith.addi %mul3A_1244, %add3A_1254 : i32
      %get3A_1256 = arith.index_cast %shift_right_arithmetic3A_1253 : i32 to index
      %get3A_1257 = arith.index_cast %add3A_1255 : i32 to index
      %get3A_1258 = tpu.vector_load %arg19[%get3A_1256, %get3A_1257] {strides = array<i32>} : memref<500x128xf32, #tpu.memory_space<vmem>>, vector<16xf32>,
      %shift_right_arithmetic3A_1259 = arith.constant 1 : i32
      %shift_right_arithmetic3A_1260 = arith.shrsi %squeeze3A_1240, %shift_right_arithmetic3A_1259 : i32
      %add3A_1261 = arith.constant 32 : i32
      %add3A_1262 = arith.addi %mul3A_1244, %add3A_1261 : i32
      %get3A_1263 = arith.index_cast %shift_right_arithmetic3A_1260 : i32 to index
      %get3A_1264 = arith.index_cast %add3A_1262 : i32 to index
      %get3A_1265 = tpu.vector_load %arg19[%get3A_1263, %get3A_1264] {strides = array<i32>} : memref<500x128xf32, #tpu.memory_space<vmem>>, vector<16xf32>,
      %shift_right_arithmetic3A_1266 = arith.constant 1 : i32
      %shift_right_arithmetic3A_1267 = arith.shrsi %squeeze3A_1240, %shift_right_arithmetic3A_1266 : i32
      %add3A_1268 = arith.constant 48 : i32
      %add3A_1269 = arith.addi %mul3A_1244, %add3A_1268 : i32
      %get3A_1270 = arith.index_cast %shift_right_arithmetic3A_1267 : i32 to index
      %get3A_1271 = arith.index_cast %add3A_1269 : i32 to index
      %get3A_1272 = tpu.vector_load %arg19[%get3A_1270, %get3A_1271] {strides = array<i32>} : memref<500x128xf32, #tpu.memory_space<vmem>>, vector<16xf32>,
      %lt3A = arith.constant 496 : i32
      %lt3A_1273 = arith.cmpi slt, %scan3A_1082, %lt3A : i32
      %convert_element_type3A_1274 = arith.extui %lt3A_1273 : i1 to i32
      %cond3A_1275 = arith.constant 0 : i32
      %cond3A_1276 = arith.cmpi ne, %convert_element_type3A_1274, %cond3A_1275 : i32
      scf.if %cond3A_1276 {
        %add3A_1647 = arith.constant 16 : i32
        %add3A_1648 = arith.addi %scan3A_1082, %add3A_1647 : i32
        %rem3A_1649 = arith.constant 16 : i32
        %rem3A_1650 = arith.remsi %add3A_1648, %rem3A_1649 : i32
        %get3A_1651 = arith.index_cast %add3A_1648 : i32 to index
        %get3A_1652 = tpu.vector_load %arg12[%get3A_1651] {strides = array<i32>} : memref<528xi32, #tpu.memory_space<vmem>>, vector<16xi32>,
        %slice3A_1653 = vector.extract_strided_slice %get3A_1652 {offsets = [0], sizes = [1], strides = [1]} : vector<16xi32> to vector<1xi32>
        %squeeze3A_1654 = vector.extract %slice3A_1653[0] : i32 from vector<1xi32>
        %mul3A_1655 = arith.constant 4 : i32
        %mul3A_1656 = arith.muli %rem3A_1650, %mul3A_1655 : i32
        %add3A_1657 = arith.constant 0 : i32
        %add3A_1658 = arith.addi %mul3A_1656, %add3A_1657 : i32
        %dma_start3A_1659 = arith.constant 0 : i32
        %dma_start3A_1660 = tpu.memref_slice %arg18[%add3A_1658, %dma_start3A_1659] : memref<64x64xf32, #tpu.memory_space<vmem>> -> memref<1x64xf32, #tpu.memory_space<vmem>>
        %dma_start3A_1661 = arith.constant 0 : i32
        %dma_start3A_1662 = tpu.memref_slice %arg8[%squeeze3A_1654, %dma_start3A_1661] : memref<1000000x64xf32, #tpu.memory_space<hbm>> -> memref<1x64xf32, #tpu.memory_space<hbm>>
        %dma_start3A_1663 = arith.constant 0 : i32
        %dma_start3A_1664 = tpu.memref_slice %arg18[%add3A_1658, %dma_start3A_1663] : memref<64x64xf32, #tpu.memory_space<vmem>> -> memref<1x64xf32, #tpu.memory_space<vmem>>
        %dma_start3A_1665 = arith.constant 0 : i32
        %dma_start3A_1666 = tpu.memref_slice %arg8[%squeeze3A_1654, %dma_start3A_1665] : memref<1000000x64xf32, #tpu.memory_space<hbm>> -> memref<1x64xf32, #tpu.memory_space<hbm>>
        tpu.enqueue_dma source(%dma_start3A_1666 : memref<1x64xf32, #tpu.memory_space<hbm>>) target(%dma_start3A_1664 : memref<1x64xf32, #tpu.memory_space<vmem>>) target_semaphore(%arg22 : memref<!tpu.dma_semaphore, #tpu.memory_space<semaphore_mem>>)
        %get3A_1667 = arith.index_cast %add3A_1648 : i32 to index
        %get3A_1668 = tpu.vector_load %arg13[%get3A_1667] {strides = array<i32>} : memref<528xi32, #tpu.memory_space<vmem>>, vector<16xi32>,
        %slice3A_1669 = vector.extract_strided_slice %get3A_1668 {offsets = [0], sizes = [1], strides = [1]} : vector<16xi32> to vector<1xi32>
        %squeeze3A_1670 = vector.extract %slice3A_1669[0] : i32 from vector<1xi32>
        %mul3A_1671 = arith.constant 4 : i32
        %mul3A_1672 = arith.muli %rem3A_1650, %mul3A_1671 : i32
        %add3A_1673 = arith.constant 1 : i32
        %add3A_1674 = arith.addi %mul3A_1672, %add3A_1673 : i32
        %dma_start3A_1675 = arith.constant 0 : i32
        %dma_start3A_1676 = tpu.memref_slice %arg18[%add3A_1674, %dma_start3A_1675] : memref<64x64xf32, #tpu.memory_space<vmem>> -> memref<1x64xf32, #tpu.memory_space<vmem>>
        %dma_start3A_1677 = arith.constant 0 : i32
        %dma_start3A_1678 = tpu.memref_slice %arg8[%squeeze3A_1670, %dma_start3A_1677] : memref<1000000x64xf32, #tpu.memory_space<hbm>> -> memref<1x64xf32, #tpu.memory_space<hbm>>
        %dma_start3A_1679 = arith.constant 0 : i32
        %dma_start3A_1680 = tpu.memref_slice %arg18[%add3A_1674, %dma_start3A_1679] : memref<64x64xf32, #tpu.memory_space<vmem>> -> memref<1x64xf32, #tpu.memory_space<vmem>>
        %dma_start3A_1681 = arith.constant 0 : i32
        %dma_start3A_1682 = tpu.memref_slice %arg8[%squeeze3A_1670, %dma_start3A_1681] : memref<1000000x64xf32, #tpu.memory_space<hbm>> -> memref<1x64xf32, #tpu.memory_space<hbm>>
        tpu.enqueue_dma source(%dma_start3A_1682 : memref<1x64xf32, #tpu.memory_space<hbm>>) target(%dma_start3A_1680 : memref<1x64xf32, #tpu.memory_space<vmem>>) target_semaphore(%arg22 : memref<!tpu.dma_semaphore, #tpu.memory_space<semaphore_mem>>)
        %get3A_1683 = arith.index_cast %add3A_1648 : i32 to index
        %get3A_1684 = tpu.vector_load %arg15[%get3A_1683] {strides = array<i32>} : memref<528xi32, #tpu.memory_space<vmem>>, vector<16xi32>,
        %slice3A_1685 = vector.extract_strided_slice %get3A_1684 {offsets = [0], sizes = [1], strides = [1]} : vector<16xi32> to vector<1xi32>
        %squeeze3A_1686 = vector.extract %slice3A_1685[0] : i32 from vector<1xi32>
        %mul3A_1687 = arith.constant 4 : i32
        %mul3A_1688 = arith.muli %rem3A_1650, %mul3A_1687 : i32
        %add3A_1689 = arith.constant 2 : i32
        %add3A_1690 = arith.addi %mul3A_1688, %add3A_1689 : i32
        %dma_start3A_1691 = arith.constant 0 : i32
        %dma_start3A_1692 = tpu.memref_slice %arg18[%add3A_1690, %dma_start3A_1691] : memref<64x64xf32, #tpu.memory_space<vmem>> -> memref<1x64xf32, #tpu.memory_space<vmem>>
        %dma_start3A_1693 = arith.constant 0 : i32
        %dma_start3A_1694 = tpu.memref_slice %arg8[%squeeze3A_1686, %dma_start3A_1693] : memref<1000000x64xf32, #tpu.memory_space<hbm>> -> memref<1x64xf32, #tpu.memory_space<hbm>>
        %dma_start3A_1695 = arith.constant 0 : i32
        %dma_start3A_1696 = tpu.memref_slice %arg18[%add3A_1690, %dma_start3A_1695] : memref<64x64xf32, #tpu.memory_space<vmem>> -> memref<1x64xf32, #tpu.memory_space<vmem>>
        %dma_start3A_1697 = arith.constant 0 : i32
        %dma_start3A_1698 = tpu.memref_slice %arg8[%squeeze3A_1686, %dma_start3A_1697] : memref<1000000x64xf32, #tpu.memory_space<hbm>> -> memref<1x64xf32, #tpu.memory_space<hbm>>
        tpu.enqueue_dma source(%dma_start3A_1698 : memref<1x64xf32, #tpu.memory_space<hbm>>) target(%dma_start3A_1696 : memref<1x64xf32, #tpu.memory_space<vmem>>) target_semaphore(%arg22 : memref<!tpu.dma_semaphore, #tpu.memory_space<semaphore_mem>>)
        %get3A_1699 = arith.index_cast %add3A_1648 : i32 to index
        %get3A_1700 = tpu.vector_load %arg16[%get3A_1699] {strides = array<i32>} : memref<528xi32, #tpu.memory_space<vmem>>, vector<16xi32>,
        %slice3A_1701 = vector.extract_strided_slice %get3A_1700 {offsets = [0], sizes = [1], strides = [1]} : vector<16xi32> to vector<1xi32>
        %squeeze3A_1702 = vector.extract %slice3A_1701[0] : i32 from vector<1xi32>
        %mul3A_1703 = arith.constant 4 : i32
        %mul3A_1704 = arith.muli %rem3A_1650, %mul3A_1703 : i32
        %add3A_1705 = arith.constant 3 : i32
        %add3A_1706 = arith.addi %mul3A_1704, %add3A_1705 : i32
        %dma_start3A_1707 = arith.constant 0 : i32
        %dma_start3A_1708 = tpu.memref_slice %arg18[%add3A_1706, %dma_start3A_1707] : memref<64x64xf32, #tpu.memory_space<vmem>> -> memref<1x64xf32, #tpu.memory_space<vmem>>
        %dma_start3A_1709 = arith.constant 0 : i32
        %dma_start3A_1710 = tpu.memref_slice %arg8[%squeeze3A_1702, %dma_start3A_1709] : memref<1000000x64xf32, #tpu.memory_space<hbm>> -> memref<1x64xf32, #tpu.memory_space<hbm>>
        %dma_start3A_1711 = arith.constant 0 : i32
        %dma_start3A_1712 = tpu.memref_slice %arg18[%add3A_1706, %dma_start3A_1711] : memref<64x64xf32, #tpu.memory_space<vmem>> -> memref<1x64xf32, #tpu.memory_space<vmem>>
        %dma_start3A_1713 = arith.constant 0 : i32
        %dma_start3A_1714 = tpu.memref_slice %arg8[%squeeze3A_1702, %dma_start3A_1713] : memref<1000000x64xf32, #tpu.memory_space<hbm>> -> memref<1x64xf32, #tpu.memory_space<hbm>>
        tpu.enqueue_dma source(%dma_start3A_1714 : memref<1x64xf32, #tpu.memory_space<hbm>>) target(%dma_start3A_1712 : memref<1x64xf32, #tpu.memory_space<vmem>>) target_semaphore(%arg22 : memref<!tpu.dma_semaphore, #tpu.memory_space<semaphore_mem>>)
      } else {
      }
      %mul3A_1277 = arith.mulf %get3A_1096, %get3A_1096 : vector<16xf32>
      %mul3A_1278 = arith.mulf %get3A_1103, %get3A_1103 : vector<16xf32>
      %add3A_1279 = arith.addf %mul3A_1277, %mul3A_1278 : vector<16xf32>
      %mul3A_1280 = arith.mulf %get3A_1110, %get3A_1110 : vector<16xf32>
      %add3A_1281 = arith.addf %add3A_1279, %mul3A_1280 : vector<16xf32>
      %mul3A_1282 = arith.mulf %get3A_1117, %get3A_1117 : vector<16xf32>
      %add3A_1283 = arith.addf %add3A_1281, %mul3A_1282 : vector<16xf32>
      %reduce_sum3A = arith.constant true
      %reduce_sum3A_1284 = vector.broadcast %reduce_sum3A : i1 to vector<16xi1>
      %reduce_sum3A_1285 = tpu.scan <sum>, %add3A_1283 masked %reduce_sum3A_1284 : vector<16xf32>, vector<16xi1> -> vector<16xf32>
      %reduce_sum3A_1286 = vector.extract %reduce_sum3A_1285[15] : f32 from vector<16xf32>
      %broadcast_in_dim3A_1287 = vector.broadcast %reduce_sum3A_1286 : f32 to vector<16xf32>
      %max3A = arith.constant 9.99999996E-13 : f32
      %max3A_1288 = vector.broadcast %max3A : f32 to vector<16xf32>
      %max3A_1289 = arith.maximumf %broadcast_in_dim3A_1287, %max3A_1288 : vector<16xf32>
      %bitcast3A = vector.bitcast %max3A_1289 : vector<16xf32> to vector<16xi32>
      %broadcast_in_dim3A_1290 = arith.constant 1597463007 : i32
      %broadcast_in_dim3A_1291 = vector.broadcast %broadcast_in_dim3A_1290 : i32 to vector<16xi32>
      %shift_right_arithmetic3A_1292 = arith.constant 1 : i32
      %shift_right_arithmetic3A_1293 = vector.broadcast %shift_right_arithmetic3A_1292 : i32 to vector<16xi32>
      %shift_right_arithmetic3A_1294 = arith.shrsi %bitcast3A, %shift_right_arithmetic3A_1293 : vector<16xi32>
      %sub3A = arith.subi %broadcast_in_dim3A_1291, %shift_right_arithmetic3A_1294 : vector<16xi32>
      %bitcast3A_1295 = vector.bitcast %sub3A : vector<16xi32> to vector<16xf32>
      %mul3A_1296 = arith.constant 5.000000e-01 : f32
      %mul3A_1297 = vector.broadcast %mul3A_1296 : f32 to vector<16xf32>
      %mul3A_1298 = arith.mulf %mul3A_1297, %max3A_1289 : vector<16xf32>
      %mul3A_1299 = arith.mulf %mul3A_1298, %bitcast3A_1295 : vector<16xf32>
      %mul3A_1300 = arith.mulf %mul3A_1299, %bitcast3A_1295 : vector<16xf32>
      %sub3A_1301 = arith.constant 1.500000e+00 : f32
      %sub3A_1302 = vector.broadcast %sub3A_1301 : f32 to vector<16xf32>
      %sub3A_1303 = arith.subf %sub3A_1302, %mul3A_1300 : vector<16xf32>
      %mul3A_1304 = arith.mulf %bitcast3A_1295, %sub3A_1303 : vector<16xf32>
      %mul3A_1305 = arith.constant 5.000000e-01 : f32
      %mul3A_1306 = vector.broadcast %mul3A_1305 : f32 to vector<16xf32>
      %mul3A_1307 = arith.mulf %mul3A_1306, %max3A_1289 : vector<16xf32>
      %mul3A_1308 = arith.mulf %mul3A_1307, %mul3A_1304 : vector<16xf32>
      %mul3A_1309 = arith.mulf %mul3A_1308, %mul3A_1304 : vector<16xf32>
      %sub3A_1310 = arith.constant 1.500000e+00 : f32
      %sub3A_1311 = vector.broadcast %sub3A_1310 : f32 to vector<16xf32>
      %sub3A_1312 = arith.subf %sub3A_1311, %mul3A_1309 : vector<16xf32>
      %mul3A_1313 = arith.mulf %mul3A_1304, %sub3A_1312 : vector<16xf32>
      %mul3A_1314 = arith.constant 5.000000e-01 : f32
      %mul3A_1315 = vector.broadcast %mul3A_1314 : f32 to vector<16xf32>
      %mul3A_1316 = arith.mulf %mul3A_1315, %max3A_1289 : vector<16xf32>
      %mul3A_1317 = arith.mulf %mul3A_1316, %mul3A_1313 : vector<16xf32>
      %mul3A_1318 = arith.mulf %mul3A_1317, %mul3A_1313 : vector<16xf32>
      %sub3A_1319 = arith.constant 1.500000e+00 : f32
      %sub3A_1320 = vector.broadcast %sub3A_1319 : f32 to vector<16xf32>
      %sub3A_1321 = arith.subf %sub3A_1320, %mul3A_1318 : vector<16xf32>
      %mul3A_1322 = arith.mulf %mul3A_1313, %sub3A_1321 : vector<16xf32>
      %mul3A_1323 = arith.mulf %get3A_1124, %get3A_1124 : vector<16xf32>
      %mul3A_1324 = arith.mulf %get3A_1131, %get3A_1131 : vector<16xf32>
      %add3A_1325 = arith.addf %mul3A_1323, %mul3A_1324 : vector<16xf32>
      %mul3A_1326 = arith.mulf %get3A_1138, %get3A_1138 : vector<16xf32>
      %add3A_1327 = arith.addf %add3A_1325, %mul3A_1326 : vector<16xf32>
      %mul3A_1328 = arith.mulf %get3A_1145, %get3A_1145 : vector<16xf32>
      %add3A_1329 = arith.addf %add3A_1327, %mul3A_1328 : vector<16xf32>
      %reduce_sum3A_1330 = arith.constant true
      %reduce_sum3A_1331 = vector.broadcast %reduce_sum3A_1330 : i1 to vector<16xi1>
      %reduce_sum3A_1332 = tpu.scan <sum>, %add3A_1329 masked %reduce_sum3A_1331 : vector<16xf32>, vector<16xi1> -> vector<16xf32>
      %reduce_sum3A_1333 = vector.extract %reduce_sum3A_1332[15] : f32 from vector<16xf32>
      %broadcast_in_dim3A_1334 = vector.broadcast %reduce_sum3A_1333 : f32 to vector<16xf32>
      %max3A_1335 = arith.constant 9.99999996E-13 : f32
      %max3A_1336 = vector.broadcast %max3A_1335 : f32 to vector<16xf32>
      %max3A_1337 = arith.maximumf %broadcast_in_dim3A_1334, %max3A_1336 : vector<16xf32>
      %bitcast3A_1338 = vector.bitcast %max3A_1337 : vector<16xf32> to vector<16xi32>
      %broadcast_in_dim3A_1339 = arith.constant 1597463007 : i32
      %broadcast_in_dim3A_1340 = vector.broadcast %broadcast_in_dim3A_1339 : i32 to vector<16xi32>
      %shift_right_arithmetic3A_1341 = arith.constant 1 : i32
      %shift_right_arithmetic3A_1342 = vector.broadcast %shift_right_arithmetic3A_1341 : i32 to vector<16xi32>
      %shift_right_arithmetic3A_1343 = arith.shrsi %bitcast3A_1338, %shift_right_arithmetic3A_1342 : vector<16xi32>
      %sub3A_1344 = arith.subi %broadcast_in_dim3A_1340, %shift_right_arithmetic3A_1343 : vector<16xi32>
      %bitcast3A_1345 = vector.bitcast %sub3A_1344 : vector<16xi32> to vector<16xf32>
      %mul3A_1346 = arith.constant 5.000000e-01 : f32
      %mul3A_1347 = vector.broadcast %mul3A_1346 : f32 to vector<16xf32>
      %mul3A_1348 = arith.mulf %mul3A_1347, %max3A_1337 : vector<16xf32>
      %mul3A_1349 = arith.mulf %mul3A_1348, %bitcast3A_1345 : vector<16xf32>
      %mul3A_1350 = arith.mulf %mul3A_1349, %bitcast3A_1345 : vector<16xf32>
      %sub3A_1351 = arith.constant 1.500000e+00 : f32
      %sub3A_1352 = vector.broadcast %sub3A_1351 : f32 to vector<16xf32>
      %sub3A_1353 = arith.subf %sub3A_1352, %mul3A_1350 : vector<16xf32>
      %mul3A_1354 = arith.mulf %bitcast3A_1345, %sub3A_1353 : vector<16xf32>
      %mul3A_1355 = arith.constant 5.000000e-01 : f32
      %mul3A_1356 = vector.broadcast %mul3A_1355 : f32 to vector<16xf32>
      %mul3A_1357 = arith.mulf %mul3A_1356, %max3A_1337 : vector<16xf32>
      %mul3A_1358 = arith.mulf %mul3A_1357, %mul3A_1354 : vector<16xf32>
      %mul3A_1359 = arith.mulf %mul3A_1358, %mul3A_1354 : vector<16xf32>
      %sub3A_1360 = arith.constant 1.500000e+00 : f32
      %sub3A_1361 = vector.broadcast %sub3A_1360 : f32 to vector<16xf32>
      %sub3A_1362 = arith.subf %sub3A_1361, %mul3A_1359 : vector<16xf32>
      %mul3A_1363 = arith.mulf %mul3A_1354, %sub3A_1362 : vector<16xf32>
      %mul3A_1364 = arith.constant 5.000000e-01 : f32
      %mul3A_1365 = vector.broadcast %mul3A_1364 : f32 to vector<16xf32>
      %mul3A_1366 = arith.mulf %mul3A_1365, %max3A_1337 : vector<16xf32>
      %mul3A_1367 = arith.mulf %mul3A_1366, %mul3A_1363 : vector<16xf32>
      %mul3A_1368 = arith.mulf %mul3A_1367, %mul3A_1363 : vector<16xf32>
      %sub3A_1369 = arith.constant 1.500000e+00 : f32
      %sub3A_1370 = vector.broadcast %sub3A_1369 : f32 to vector<16xf32>
      %sub3A_1371 = arith.subf %sub3A_1370, %mul3A_1368 : vector<16xf32>
      %mul3A_1372 = arith.mulf %mul3A_1363, %sub3A_1371 : vector<16xf32>
      %mul3A_1373 = arith.mulf %get3A_1152, %get3A_1152 : vector<16xf32>
      %mul3A_1374 = arith.mulf %get3A_1159, %get3A_1159 : vector<16xf32>
      %add3A_1375 = arith.addf %mul3A_1373, %mul3A_1374 : vector<16xf32>
      %mul3A_1376 = arith.mulf %get3A_1166, %get3A_1166 : vector<16xf32>
      %add3A_1377 = arith.addf %add3A_1375, %mul3A_1376 : vector<16xf32>
      %mul3A_1378 = arith.mulf %get3A_1173, %get3A_1173 : vector<16xf32>
      %add3A_1379 = arith.addf %add3A_1377, %mul3A_1378 : vector<16xf32>
      %reduce_sum3A_1380 = arith.constant true
      %reduce_sum3A_1381 = vector.broadcast %reduce_sum3A_1380 : i1 to vector<16xi1>
      %reduce_sum3A_1382 = tpu.scan <sum>, %add3A_1379 masked %reduce_sum3A_1381 : vector<16xf32>, vector<16xi1> -> vector<16xf32>
      %reduce_sum3A_1383 = vector.extract %reduce_sum3A_1382[15] : f32 from vector<16xf32>
      %broadcast_in_dim3A_1384 = vector.broadcast %reduce_sum3A_1383 : f32 to vector<16xf32>
      %max3A_1385 = arith.constant 9.99999996E-13 : f32
      %max3A_1386 = vector.broadcast %max3A_1385 : f32 to vector<16xf32>
      %max3A_1387 = arith.maximumf %broadcast_in_dim3A_1384, %max3A_1386 : vector<16xf32>
      %bitcast3A_1388 = vector.bitcast %max3A_1387 : vector<16xf32> to vector<16xi32>
      %broadcast_in_dim3A_1389 = arith.constant 1597463007 : i32
      %broadcast_in_dim3A_1390 = vector.broadcast %broadcast_in_dim3A_1389 : i32 to vector<16xi32>
      %shift_right_arithmetic3A_1391 = arith.constant 1 : i32
      %shift_right_arithmetic3A_1392 = vector.broadcast %shift_right_arithmetic3A_1391 : i32 to vector<16xi32>
      %shift_right_arithmetic3A_1393 = arith.shrsi %bitcast3A_1388, %shift_right_arithmetic3A_1392 : vector<16xi32>
      %sub3A_1394 = arith.subi %broadcast_in_dim3A_1390, %shift_right_arithmetic3A_1393 : vector<16xi32>
      %bitcast3A_1395 = vector.bitcast %sub3A_1394 : vector<16xi32> to vector<16xf32>
      %mul3A_1396 = arith.constant 5.000000e-01 : f32
      %mul3A_1397 = vector.broadcast %mul3A_1396 : f32 to vector<16xf32>
      %mul3A_1398 = arith.mulf %mul3A_1397, %max3A_1387 : vector<16xf32>
      %mul3A_1399 = arith.mulf %mul3A_1398, %bitcast3A_1395 : vector<16xf32>
      %mul3A_1400 = arith.mulf %mul3A_1399, %bitcast3A_1395 : vector<16xf32>
      %sub3A_1401 = arith.constant 1.500000e+00 : f32
      %sub3A_1402 = vector.broadcast %sub3A_1401 : f32 to vector<16xf32>
      %sub3A_1403 = arith.subf %sub3A_1402, %mul3A_1400 : vector<16xf32>
      %mul3A_1404 = arith.mulf %bitcast3A_1395, %sub3A_1403 : vector<16xf32>
      %mul3A_1405 = arith.constant 5.000000e-01 : f32
      %mul3A_1406 = vector.broadcast %mul3A_1405 : f32 to vector<16xf32>
      %mul3A_1407 = arith.mulf %mul3A_1406, %max3A_1387 : vector<16xf32>
      %mul3A_1408 = arith.mulf %mul3A_1407, %mul3A_1404 : vector<16xf32>
      %mul3A_1409 = arith.mulf %mul3A_1408, %mul3A_1404 : vector<16xf32>
      %sub3A_1410 = arith.constant 1.500000e+00 : f32
      %sub3A_1411 = vector.broadcast %sub3A_1410 : f32 to vector<16xf32>
      %sub3A_1412 = arith.subf %sub3A_1411, %mul3A_1409 : vector<16xf32>
      %mul3A_1413 = arith.mulf %mul3A_1404, %sub3A_1412 : vector<16xf32>
      %mul3A_1414 = arith.constant 5.000000e-01 : f32
      %mul3A_1415 = vector.broadcast %mul3A_1414 : f32 to vector<16xf32>
      %mul3A_1416 = arith.mulf %mul3A_1415, %max3A_1387 : vector<16xf32>
      %mul3A_1417 = arith.mulf %mul3A_1416, %mul3A_1413 : vector<16xf32>
      %mul3A_1418 = arith.mulf %mul3A_1417, %mul3A_1413 : vector<16xf32>
      %sub3A_1419 = arith.constant 1.500000e+00 : f32
      %sub3A_1420 = vector.broadcast %sub3A_1419 : f32 to vector<16xf32>
      %sub3A_1421 = arith.subf %sub3A_1420, %mul3A_1418 : vector<16xf32>
      %mul3A_1422 = arith.mulf %mul3A_1413, %sub3A_1421 : vector<16xf32>
      %mul3A_1423 = arith.mulf %get3A_1180, %get3A_1180 : vector<16xf32>
      %mul3A_1424 = arith.mulf %get3A_1187, %get3A_1187 : vector<16xf32>
      %add3A_1425 = arith.addf %mul3A_1423, %mul3A_1424 : vector<16xf32>
      %mul3A_1426 = arith.mulf %get3A_1194, %get3A_1194 : vector<16xf32>
      %add3A_1427 = arith.addf %add3A_1425, %mul3A_1426 : vector<16xf32>
      %mul3A_1428 = arith.mulf %get3A_1201, %get3A_1201 : vector<16xf32>
      %add3A_1429 = arith.addf %add3A_1427, %mul3A_1428 : vector<16xf32>
      %reduce_sum3A_1430 = arith.constant true
      %reduce_sum3A_1431 = vector.broadcast %reduce_sum3A_1430 : i1 to vector<16xi1>
      %reduce_sum3A_1432 = tpu.scan <sum>, %add3A_1429 masked %reduce_sum3A_1431 : vector<16xf32>, vector<16xi1> -> vector<16xf32>
      %reduce_sum3A_1433 = vector.extract %reduce_sum3A_1432[15] : f32 from vector<16xf32>
      %broadcast_in_dim3A_1434 = vector.broadcast %reduce_sum3A_1433 : f32 to vector<16xf32>
      %max3A_1435 = arith.constant 9.99999996E-13 : f32
      %max3A_1436 = vector.broadcast %max3A_1435 : f32 to vector<16xf32>
      %max3A_1437 = arith.maximumf %broadcast_in_dim3A_1434, %max3A_1436 : vector<16xf32>
      %bitcast3A_1438 = vector.bitcast %max3A_1437 : vector<16xf32> to vector<16xi32>
      %broadcast_in_dim3A_1439 = arith.constant 1597463007 : i32
      %broadcast_in_dim3A_1440 = vector.broadcast %broadcast_in_dim3A_1439 : i32 to vector<16xi32>
      %shift_right_arithmetic3A_1441 = arith.constant 1 : i32
      %shift_right_arithmetic3A_1442 = vector.broadcast %shift_right_arithmetic3A_1441 : i32 to vector<16xi32>
      %shift_right_arithmetic3A_1443 = arith.shrsi %bitcast3A_1438, %shift_right_arithmetic3A_1442 : vector<16xi32>
      %sub3A_1444 = arith.subi %broadcast_in_dim3A_1440, %shift_right_arithmetic3A_1443 : vector<16xi32>
      %bitcast3A_1445 = vector.bitcast %sub3A_1444 : vector<16xi32> to vector<16xf32>
      %mul3A_1446 = arith.constant 5.000000e-01 : f32
      %mul3A_1447 = vector.broadcast %mul3A_1446 : f32 to vector<16xf32>
      %mul3A_1448 = arith.mulf %mul3A_1447, %max3A_1437 : vector<16xf32>
      %mul3A_1449 = arith.mulf %mul3A_1448, %bitcast3A_1445 : vector<16xf32>
      %mul3A_1450 = arith.mulf %mul3A_1449, %bitcast3A_1445 : vector<16xf32>
      %sub3A_1451 = arith.constant 1.500000e+00 : f32
      %sub3A_1452 = vector.broadcast %sub3A_1451 : f32 to vector<16xf32>
      %sub3A_1453 = arith.subf %sub3A_1452, %mul3A_1450 : vector<16xf32>
      %mul3A_1454 = arith.mulf %bitcast3A_1445, %sub3A_1453 : vector<16xf32>
      %mul3A_1455 = arith.constant 5.000000e-01 : f32
      %mul3A_1456 = vector.broadcast %mul3A_1455 : f32 to vector<16xf32>
      %mul3A_1457 = arith.mulf %mul3A_1456, %max3A_1437 : vector<16xf32>
      %mul3A_1458 = arith.mulf %mul3A_1457, %mul3A_1454 : vector<16xf32>
      %mul3A_1459 = arith.mulf %mul3A_1458, %mul3A_1454 : vector<16xf32>
      %sub3A_1460 = arith.constant 1.500000e+00 : f32
      %sub3A_1461 = vector.broadcast %sub3A_1460 : f32 to vector<16xf32>
      %sub3A_1462 = arith.subf %sub3A_1461, %mul3A_1459 : vector<16xf32>
      %mul3A_1463 = arith.mulf %mul3A_1454, %sub3A_1462 : vector<16xf32>
      %mul3A_1464 = arith.constant 5.000000e-01 : f32
      %mul3A_1465 = vector.broadcast %mul3A_1464 : f32 to vector<16xf32>
      %mul3A_1466 = arith.mulf %mul3A_1465, %max3A_1437 : vector<16xf32>
      %mul3A_1467 = arith.mulf %mul3A_1466, %mul3A_1463 : vector<16xf32>
      %mul3A_1468 = arith.mulf %mul3A_1467, %mul3A_1463 : vector<16xf32>
      %sub3A_1469 = arith.constant 1.500000e+00 : f32
      %sub3A_1470 = vector.broadcast %sub3A_1469 : f32 to vector<16xf32>
      %sub3A_1471 = arith.subf %sub3A_1470, %mul3A_1468 : vector<16xf32>
      %mul3A_1472 = arith.mulf %mul3A_1463, %sub3A_1471 : vector<16xf32>
      %mul3A_1473 = arith.mulf %get3A_1215, %get3A_1215 : vector<16xf32>
      %mul3A_1474 = arith.mulf %get3A_1222, %get3A_1222 : vector<16xf32>
      %add3A_1475 = arith.addf %mul3A_1473, %mul3A_1474 : vector<16xf32>
      %mul3A_1476 = arith.mulf %get3A_1229, %get3A_1229 : vector<16xf32>
      %add3A_1477 = arith.addf %add3A_1475, %mul3A_1476 : vector<16xf32>
      %mul3A_1478 = arith.mulf %get3A_1236, %get3A_1236 : vector<16xf32>
      %add3A_1479 = arith.addf %add3A_1477, %mul3A_1478 : vector<16xf32>
      %reduce_sum3A_1480 = arith.constant true
      %reduce_sum3A_1481 = vector.broadcast %reduce_sum3A_1480 : i1 to vector<16xi1>
      %reduce_sum3A_1482 = tpu.scan <sum>, %add3A_1479 masked %reduce_sum3A_1481 : vector<16xf32>, vector<16xi1> -> vector<16xf32>
      %reduce_sum3A_1483 = vector.extract %reduce_sum3A_1482[15] : f32 from vector<16xf32>
      %broadcast_in_dim3A_1484 = vector.broadcast %reduce_sum3A_1483 : f32 to vector<16xf32>
      %max3A_1485 = arith.constant 9.99999996E-13 : f32
      %max3A_1486 = vector.broadcast %max3A_1485 : f32 to vector<16xf32>
      %max3A_1487 = arith.maximumf %broadcast_in_dim3A_1484, %max3A_1486 : vector<16xf32>
      %bitcast3A_1488 = vector.bitcast %max3A_1487 : vector<16xf32> to vector<16xi32>
      %broadcast_in_dim3A_1489 = arith.constant 1597463007 : i32
      %broadcast_in_dim3A_1490 = vector.broadcast %broadcast_in_dim3A_1489 : i32 to vector<16xi32>
      %shift_right_arithmetic3A_1491 = arith.constant 1 : i32
      %shift_right_arithmetic3A_1492 = vector.broadcast %shift_right_arithmetic3A_1491 : i32 to vector<16xi32>
      %shift_right_arithmetic3A_1493 = arith.shrsi %bitcast3A_1488, %shift_right_arithmetic3A_1492 : vector<16xi32>
      %sub3A_1494 = arith.subi %broadcast_in_dim3A_1490, %shift_right_arithmetic3A_1493 : vector<16xi32>
      %bitcast3A_1495 = vector.bitcast %sub3A_1494 : vector<16xi32> to vector<16xf32>
      %mul3A_1496 = arith.constant 5.000000e-01 : f32
      %mul3A_1497 = vector.broadcast %mul3A_1496 : f32 to vector<16xf32>
      %mul3A_1498 = arith.mulf %mul3A_1497, %max3A_1487 : vector<16xf32>
      %mul3A_1499 = arith.mulf %mul3A_1498, %bitcast3A_1495 : vector<16xf32>
      %mul3A_1500 = arith.mulf %mul3A_1499, %bitcast3A_1495 : vector<16xf32>
      %sub3A_1501 = arith.constant 1.500000e+00 : f32
      %sub3A_1502 = vector.broadcast %sub3A_1501 : f32 to vector<16xf32>
      %sub3A_1503 = arith.subf %sub3A_1502, %mul3A_1500 : vector<16xf32>
      %mul3A_1504 = arith.mulf %bitcast3A_1495, %sub3A_1503 : vector<16xf32>
      %mul3A_1505 = arith.constant 5.000000e-01 : f32
      %mul3A_1506 = vector.broadcast %mul3A_1505 : f32 to vector<16xf32>
      %mul3A_1507 = arith.mulf %mul3A_1506, %max3A_1487 : vector<16xf32>
      %mul3A_1508 = arith.mulf %mul3A_1507, %mul3A_1504 : vector<16xf32>
      %mul3A_1509 = arith.mulf %mul3A_1508, %mul3A_1504 : vector<16xf32>
      %sub3A_1510 = arith.constant 1.500000e+00 : f32
      %sub3A_1511 = vector.broadcast %sub3A_1510 : f32 to vector<16xf32>
      %sub3A_1512 = arith.subf %sub3A_1511, %mul3A_1509 : vector<16xf32>
      %mul3A_1513 = arith.mulf %mul3A_1504, %sub3A_1512 : vector<16xf32>
      %mul3A_1514 = arith.constant 5.000000e-01 : f32
      %mul3A_1515 = vector.broadcast %mul3A_1514 : f32 to vector<16xf32>
      %mul3A_1516 = arith.mulf %mul3A_1515, %max3A_1487 : vector<16xf32>
      %mul3A_1517 = arith.mulf %mul3A_1516, %mul3A_1513 : vector<16xf32>
      %mul3A_1518 = arith.mulf %mul3A_1517, %mul3A_1513 : vector<16xf32>
      %sub3A_1519 = arith.constant 1.500000e+00 : f32
      %sub3A_1520 = vector.broadcast %sub3A_1519 : f32 to vector<16xf32>
      %sub3A_1521 = arith.subf %sub3A_1520, %mul3A_1518 : vector<16xf32>
      %mul3A_1522 = arith.mulf %mul3A_1513, %sub3A_1521 : vector<16xf32>
      %mul3A_1523 = arith.mulf %get3A_1251, %get3A_1251 : vector<16xf32>
      %mul3A_1524 = arith.mulf %get3A_1258, %get3A_1258 : vector<16xf32>
      %add3A_1525 = arith.addf %mul3A_1523, %mul3A_1524 : vector<16xf32>
      %mul3A_1526 = arith.mulf %get3A_1265, %get3A_1265 : vector<16xf32>
      %add3A_1527 = arith.addf %add3A_1525, %mul3A_1526 : vector<16xf32>
      %mul3A_1528 = arith.mulf %get3A_1272, %get3A_1272 : vector<16xf32>
      %add3A_1529 = arith.addf %add3A_1527, %mul3A_1528 : vector<16xf32>
      %reduce_sum3A_1530 = arith.constant true
      %reduce_sum3A_1531 = vector.broadcast %reduce_sum3A_1530 : i1 to vector<16xi1>
      %reduce_sum3A_1532 = tpu.scan <sum>, %add3A_1529 masked %reduce_sum3A_1531 : vector<16xf32>, vector<16xi1> -> vector<16xf32>
      %reduce_sum3A_1533 = vector.extract %reduce_sum3A_1532[15] : f32 from vector<16xf32>
      %broadcast_in_dim3A_1534 = vector.broadcast %reduce_sum3A_1533 : f32 to vector<16xf32>
      %max3A_1535 = arith.constant 9.99999996E-13 : f32
      %max3A_1536 = vector.broadcast %max3A_1535 : f32 to vector<16xf32>
      %max3A_1537 = arith.maximumf %broadcast_in_dim3A_1534, %max3A_1536 : vector<16xf32>
      %bitcast3A_1538 = vector.bitcast %max3A_1537 : vector<16xf32> to vector<16xi32>
      %broadcast_in_dim3A_1539 = arith.constant 1597463007 : i32
      %broadcast_in_dim3A_1540 = vector.broadcast %broadcast_in_dim3A_1539 : i32 to vector<16xi32>
      %shift_right_arithmetic3A_1541 = arith.constant 1 : i32
      %shift_right_arithmetic3A_1542 = vector.broadcast %shift_right_arithmetic3A_1541 : i32 to vector<16xi32>
      %shift_right_arithmetic3A_1543 = arith.shrsi %bitcast3A_1538, %shift_right_arithmetic3A_1542 : vector<16xi32>
      %sub3A_1544 = arith.subi %broadcast_in_dim3A_1540, %shift_right_arithmetic3A_1543 : vector<16xi32>
      %bitcast3A_1545 = vector.bitcast %sub3A_1544 : vector<16xi32> to vector<16xf32>
      %mul3A_1546 = arith.constant 5.000000e-01 : f32
      %mul3A_1547 = vector.broadcast %mul3A_1546 : f32 to vector<16xf32>
      %mul3A_1548 = arith.mulf %mul3A_1547, %max3A_1537 : vector<16xf32>
      %mul3A_1549 = arith.mulf %mul3A_1548, %bitcast3A_1545 : vector<16xf32>
      %mul3A_1550 = arith.mulf %mul3A_1549, %bitcast3A_1545 : vector<16xf32>
      %sub3A_1551 = arith.constant 1.500000e+00 : f32
      %sub3A_1552 = vector.broadcast %sub3A_1551 : f32 to vector<16xf32>
      %sub3A_1553 = arith.subf %sub3A_1552, %mul3A_1550 : vector<16xf32>
      %mul3A_1554 = arith.mulf %bitcast3A_1545, %sub3A_1553 : vector<16xf32>
      %mul3A_1555 = arith.constant 5.000000e-01 : f32
      %mul3A_1556 = vector.broadcast %mul3A_1555 : f32 to vector<16xf32>
      %mul3A_1557 = arith.mulf %mul3A_1556, %max3A_1537 : vector<16xf32>
      %mul3A_1558 = arith.mulf %mul3A_1557, %mul3A_1554 : vector<16xf32>
      %mul3A_1559 = arith.mulf %mul3A_1558, %mul3A_1554 : vector<16xf32>
      %sub3A_1560 = arith.constant 1.500000e+00 : f32
      %sub3A_1561 = vector.broadcast %sub3A_1560 : f32 to vector<16xf32>
      %sub3A_1562 = arith.subf %sub3A_1561, %mul3A_1559 : vector<16xf32>
      %mul3A_1563 = arith.mulf %mul3A_1554, %sub3A_1562 : vector<16xf32>
      %mul3A_1564 = arith.constant 5.000000e-01 : f32
      %mul3A_1565 = vector.broadcast %mul3A_1564 : f32 to vector<16xf32>
      %mul3A_1566 = arith.mulf %mul3A_1565, %max3A_1537 : vector<16xf32>
      %mul3A_1567 = arith.mulf %mul3A_1566, %mul3A_1563 : vector<16xf32>
      %mul3A_1568 = arith.mulf %mul3A_1567, %mul3A_1563 : vector<16xf32>
      %sub3A_1569 = arith.constant 1.500000e+00 : f32
      %sub3A_1570 = vector.broadcast %sub3A_1569 : f32 to vector<16xf32>
      %sub3A_1571 = arith.subf %sub3A_1570, %mul3A_1568 : vector<16xf32>
      %mul3A_1572 = arith.mulf %mul3A_1563, %sub3A_1571 : vector<16xf32>
      %mul3A_1573 = arith.mulf %get3A_1096, %mul3A_1322 : vector<16xf32>
      %mul3A_1574 = arith.mulf %get3A_1215, %mul3A_1522 : vector<16xf32>
      %add3A_1575 = arith.addf %mul3A_1573, %mul3A_1574 : vector<16xf32>
      %mul3A_1576 = arith.mulf %get3A_1124, %mul3A_1372 : vector<16xf32>
      %sub3A_1577 = arith.subf %add3A_1575, %mul3A_1576 : vector<16xf32>
      %abs3A = math.absf %sub3A_1577 : vector<16xf32>
      %add3A_1578 = arith.addf %broadcast_in_dim3A_5, %abs3A : vector<16xf32>
      %mul3A_1579 = arith.mulf %get3A_1152, %mul3A_1422 : vector<16xf32>
      %mul3A_1580 = arith.mulf %get3A_1251, %mul3A_1572 : vector<16xf32>
      %add3A_1581 = arith.addf %mul3A_1579, %mul3A_1580 : vector<16xf32>
      %mul3A_1582 = arith.mulf %get3A_1180, %mul3A_1472 : vector<16xf32>
      %sub3A_1583 = arith.subf %add3A_1581, %mul3A_1582 : vector<16xf32>
      %abs3A_1584 = math.absf %sub3A_1583 : vector<16xf32>
      %add3A_1585 = arith.addf %broadcast_in_dim3A_5, %abs3A_1584 : vector<16xf32>
      %mul3A_1586 = arith.mulf %get3A_1103, %mul3A_1322 : vector<16xf32>
      %mul3A_1587 = arith.mulf %get3A_1222, %mul3A_1522 : vector<16xf32>
      %add3A_1588 = arith.addf %mul3A_1586, %mul3A_1587 : vector<16xf32>
      %mul3A_1589 = arith.mulf %get3A_1131, %mul3A_1372 : vector<16xf32>
      %sub3A_1590 = arith.subf %add3A_1588, %mul3A_1589 : vector<16xf32>
      %abs3A_1591 = math.absf %sub3A_1590 : vector<16xf32>
      %add3A_1592 = arith.addf %add3A_1578, %abs3A_1591 : vector<16xf32>
      %mul3A_1593 = arith.mulf %get3A_1159, %mul3A_1422 : vector<16xf32>
      %mul3A_1594 = arith.mulf %get3A_1258, %mul3A_1572 : vector<16xf32>
      %add3A_1595 = arith.addf %mul3A_1593, %mul3A_1594 : vector<16xf32>
      %mul3A_1596 = arith.mulf %get3A_1187, %mul3A_1472 : vector<16xf32>
      %sub3A_1597 = arith.subf %add3A_1595, %mul3A_1596 : vector<16xf32>
      %abs3A_1598 = math.absf %sub3A_1597 : vector<16xf32>
      %add3A_1599 = arith.addf %add3A_1585, %abs3A_1598 : vector<16xf32>
      %mul3A_1600 = arith.mulf %get3A_1110, %mul3A_1322 : vector<16xf32>
      %mul3A_1601 = arith.mulf %get3A_1229, %mul3A_1522 : vector<16xf32>
      %add3A_1602 = arith.addf %mul3A_1600, %mul3A_1601 : vector<16xf32>
      %mul3A_1603 = arith.mulf %get3A_1138, %mul3A_1372 : vector<16xf32>
      %sub3A_1604 = arith.subf %add3A_1602, %mul3A_1603 : vector<16xf32>
      %abs3A_1605 = math.absf %sub3A_1604 : vector<16xf32>
      %add3A_1606 = arith.addf %add3A_1592, %abs3A_1605 : vector<16xf32>
      %mul3A_1607 = arith.mulf %get3A_1166, %mul3A_1422 : vector<16xf32>
      %mul3A_1608 = arith.mulf %get3A_1265, %mul3A_1572 : vector<16xf32>
      %add3A_1609 = arith.addf %mul3A_1607, %mul3A_1608 : vector<16xf32>
      %mul3A_1610 = arith.mulf %get3A_1194, %mul3A_1472 : vector<16xf32>
      %sub3A_1611 = arith.subf %add3A_1609, %mul3A_1610 : vector<16xf32>
      %abs3A_1612 = math.absf %sub3A_1611 : vector<16xf32>
      %add3A_1613 = arith.addf %add3A_1599, %abs3A_1612 : vector<16xf32>
      %mul3A_1614 = arith.mulf %get3A_1117, %mul3A_1322 : vector<16xf32>
      %mul3A_1615 = arith.mulf %get3A_1236, %mul3A_1522 : vector<16xf32>
      %add3A_1616 = arith.addf %mul3A_1614, %mul3A_1615 : vector<16xf32>
      %mul3A_1617 = arith.mulf %get3A_1145, %mul3A_1372 : vector<16xf32>
      %sub3A_1618 = arith.subf %add3A_1616, %mul3A_1617 : vector<16xf32>
      %abs3A_1619 = math.absf %sub3A_1618 : vector<16xf32>
      %add3A_1620 = arith.addf %add3A_1606, %abs3A_1619 : vector<16xf32>
      %mul3A_1621 = arith.mulf %get3A_1173, %mul3A_1422 : vector<16xf32>
      %mul3A_1622 = arith.mulf %get3A_1272, %mul3A_1572 : vector<16xf32>
      %add3A_1623 = arith.addf %mul3A_1621, %mul3A_1622 : vector<16xf32>
      %mul3A_1624 = arith.mulf %get3A_1201, %mul3A_1472 : vector<16xf32>
      %sub3A_1625 = arith.subf %add3A_1623, %mul3A_1624 : vector<16xf32>
      %abs3A_1626 = math.absf %sub3A_1625 : vector<16xf32>
      %add3A_1627 = arith.addf %add3A_1613, %abs3A_1626 : vector<16xf32>
      %reduce_sum3A_1628 = arith.constant true
      %reduce_sum3A_1629 = vector.broadcast %reduce_sum3A_1628 : i1 to vector<16xi1>
      %reduce_sum3A_1630 = tpu.scan <sum>, %add3A_1620 masked %reduce_sum3A_1629 : vector<16xf32>, vector<16xi1> -> vector<16xf32>
      %reduce_sum3A_1631 = vector.extract %reduce_sum3A_1630[15] : f32 from vector<16xf32>
      %reduce_sum3A_1632 = arith.constant true
      %reduce_sum3A_1633 = vector.broadcast %reduce_sum3A_1632 : i1 to vector<16xi1>
      %reduce_sum3A_1634 = tpu.scan <sum>, %add3A_1627 masked %reduce_sum3A_1633 : vector<16xf32>, vector<16xi1> -> vector<16xf32>
      %reduce_sum3A_1635 = vector.extract %reduce_sum3A_1634[15] : f32 from vector<16xf32>
      %broadcast_in_dim3A_1636 = vector.broadcast %reduce_sum3A_1631 : f32 to vector<16xf32>
      %broadcast_in_dim3A_1637 = vector.broadcast %reduce_sum3A_1635 : f32 to vector<16xf32>
      %broadcast_in_dim3A_1638 = vector.broadcast %scan3A_1082 : i32 to vector<16xi32>
      tpu.vector_store_idx %arg20[%broadcast_in_dim3A_1638], %broadcast_in_dim3A_1636 masked %eq3A_4 : memref<512xf32, #tpu.memory_space<vmem>>[vector<16xi32>], vector<16xf32>, vector<16xi1>
      %sub3A_1639 = arith.subf %broadcast_in_dim3A_1636, %broadcast_in_dim3A_1637 : vector<16xf32>
      %add3A_1640 = arith.constant 1.000000e+00 : f32
      %add3A_1641 = vector.broadcast %add3A_1640 : f32 to vector<16xf32>
      %add3A_1642 = arith.addf %sub3A_1639, %add3A_1641 : vector<16xf32>
      %max3A_1643 = arith.constant 0.000000e+00 : f32
      %max3A_1644 = vector.broadcast %max3A_1643 : f32 to vector<16xf32>
      %max3A_1645 = arith.maximumf %add3A_1642, %max3A_1644 : vector<16xf32>
      %add3A_1646 = arith.addf %scan3A_1083, %max3A_1645 : vector<16xf32>
      scf.yield %add3A_1646 : vector<16xf32>
    }
    %scan3A_1077 = arith.constant 512 : i32
    %mul3A_1078 = arith.constant 6.250000e-02 : f32
    %mul3A_1079 = vector.broadcast %mul3A_1078 : f32 to vector<16xf32>
    %mul3A_1080 = arith.mulf %scan3A_1076, %mul3A_1079 : vector<16xf32>
    %swap3A = arith.constant 0 : index
    %swap3A_1081 = tpu.vector_load %arg21[%swap3A] {strides = array<i32>} : memref<16xf32, #tpu.memory_space<vmem>>, vector<16xf32>,
    tpu.vector_store %arg21[%swap3A], %mul3A_1080 {strides = array<i32>} : memref<16xf32, #tpu.memory_space<vmem>>, vector<16xf32>,
    "tpu.region"() ({
      %run_scoped3A = tpu.sem_alloc : memref<!tpu.dma_semaphore, #tpu.memory_space<semaphore_mem>>
      %dma_start3A_1082 = tpu.memref_slice %arg10[%mul3A_2] : memref<16384xf32, #tpu.memory_space<hbm>> -> memref<512xf32, #tpu.memory_space<hbm>>
      %dma_start3A_1083 = tpu.memref_slice %arg10[%mul3A_2] : memref<16384xf32, #tpu.memory_space<hbm>> -> memref<512xf32, #tpu.memory_space<hbm>>
      tpu.enqueue_dma source(%arg20 : memref<512xf32, #tpu.memory_space<vmem>>) target(%dma_start3A_1083 : memref<512xf32, #tpu.memory_space<hbm>>) target_semaphore(%run_scoped3A : memref<!tpu.dma_semaphore, #tpu.memory_space<semaphore_mem>>)
      %dma_wait3A = tpu.memref_slice %arg10[%mul3A_2] : memref<16384xf32, #tpu.memory_space<hbm>> -> memref<512xf32, #tpu.memory_space<hbm>>
      %dma_wait3A_1084 = tpu.memref_slice %arg10[%mul3A_2] : memref<16384xf32, #tpu.memory_space<hbm>> -> memref<512xf32, #tpu.memory_space<hbm>>
      tpu.wait_dma2 semaphore(%run_scoped3A : memref<!tpu.dma_semaphore, #tpu.memory_space<semaphore_mem>>) src(%arg20 : memref<512xf32, #tpu.memory_space<vmem>>) dst(%dma_wait3A_1084 : memref<512xf32, #tpu.memory_space<hbm>>)
      tpu.yield
    }) : () -> ()
    "tpu.region"() ({
      %run_scoped3A = tpu.sem_alloc : memref<!tpu.dma_semaphore, #tpu.memory_space<semaphore_mem>>
      %dma_start3A_1082 = arith.constant 0 : i32
      %dma_start3A_1083 = tpu.memref_slice %arg11[%add3A, %dma_start3A_1082] : memref<32x16xf32, #tpu.memory_space<hbm>> -> memref<1x16xf32, #tpu.memory_space<hbm>>
      %dma_start3A_1084 = tpu.memref_squeeze %dma_start3A_1083 : memref<1x16xf32, #tpu.memory_space<hbm>> -> memref<16xf32, #tpu.memory_space<hbm>>
      %dma_start3A_1085 = arith.constant 0 : i32
      %dma_start3A_1086 = tpu.memref_slice %arg11[%add3A, %dma_start3A_1085] : memref<32x16xf32, #tpu.memory_space<hbm>> -> memref<1x16xf32, #tpu.memory_space<hbm>>
      %dma_start3A_1087 = tpu.memref_squeeze %dma_start3A_1086 : memref<1x16xf32, #tpu.memory_space<hbm>> -> memref<16xf32, #tpu.memory_space<hbm>>
      tpu.enqueue_dma source(%arg21 : memref<16xf32, #tpu.memory_space<vmem>>) target(%dma_start3A_1087 : memref<16xf32, #tpu.memory_space<hbm>>) target_semaphore(%run_scoped3A : memref<!tpu.dma_semaphore, #tpu.memory_space<semaphore_mem>>)
      %dma_wait3A = arith.constant 0 : i32
      %dma_wait3A_1088 = tpu.memref_slice %arg11[%add3A, %dma_wait3A] : memref<32x16xf32, #tpu.memory_space<hbm>> -> memref<1x16xf32, #tpu.memory_space<hbm>>
      %dma_wait3A_1089 = tpu.memref_squeeze %dma_wait3A_1088 : memref<1x16xf32, #tpu.memory_space<hbm>> -> memref<16xf32, #tpu.memory_space<hbm>>
      %dma_wait3A_1090 = arith.constant 0 : i32
      %dma_wait3A_1091 = tpu.memref_slice %arg11[%add3A, %dma_wait3A_1090] : memref<32x16xf32, #tpu.memory_space<hbm>> -> memref<1x16xf32, #tpu.memory_space<hbm>>
      %dma_wait3A_1092 = tpu.memref_squeeze %dma_wait3A_1091 : memref<1x16xf32, #tpu.memory_space<hbm>> -> memref<16xf32, #tpu.memory_space<hbm>>
      tpu.wait_dma2 semaphore(%run_scoped3A : memref<!tpu.dma_semaphore, #tpu.memory_space<semaphore_mem>>) src(%arg21 : memref<16xf32, #tpu.memory_space<vmem>>) dst(%dma_wait3A_1092 : memref<16xf32, #tpu.memory_space<hbm>>)
      tpu.yield
    }) : () -> ()
    return
  }
}

</mosaic_0001>

<sc_bundles>
// kernel: kernel.3.cloned.1.call-start
scs
__scs_entry_jumppad:
0x0: {  	(pc) =	sbr.rel $0x88, $3  }
0x1: {  	(tag) =	ssettag $0x0;
	lr =	simm.s32 $0x1  }
0x2: {  	[smem:$0x3F99] =	sst lr;
	_ =	strace $0xD0000000  }
0x3: {  	_ = 	snop  }
0x4: {  	_ = 	snop  }
0x5: {  	_ = 	snop  }
0x6: {  	_ = 	snop  }
0x7: {  	_ = 	snop  }
__scs_overlays_trampoline_lowered:
0x8: {  	[smem:$0x3FA8] =	sst s0  }
0x9: {  	[smem:$0x3FA9] =	sst s1  }
0xa: {  	[smem:$0x3FAA] =	sst s2  }
0xb: {  	[smem:$0x3FAB] =	sst s3  }
0xc: {  	[smem:$0x3FAC] =	sst s4  }
0xd: {  	[smem:$0x3FAD] =	sst s5  }
0xe: {  	[smem:$0x3FAE] =	sst s6  }
0xf: {  	[smem:$0x3FAF] =	sst s7  }
0x10: {  	[smem:$0x3FB0] =	sst s8  }
0x11: {  	[smem:$0x3FB1] =	sst s9;
	s0 =	simm.s32 @!p0 $0x0  }
0x12: {  	s1 =	sld [smem:$0x3F97];
	s0 =	simm.s32 @p0 $0x1  }
0x13: {  	[smem:$0x3FB2] =	sst s0;
	s0 =	simm.s32 @!p1 $0x0  }
0x14: {  	s2 =	sld [smem:$0x3F96];
	s0 =	simm.s32 @p1 $0x1  }
0x15: {  	[smem:$0x3FB3] =	sst s0;
	s0 =	simm.s32 @!p2 $0x0  }
0x16: {  	s3 =	sld [smem:$0x3FDB];
	s0 =	simm.s32 @p2 $0x1  }
0x17: {  	s4 =	simm.s32 $0x1BF5;
	[smem:$0x3FB5] =	sst s0  }
0x18: {  	s0 =	sld [smem:$0x3F98];
	_ =	swait.ge [sflag:s4], $0x0  }
0x19: {  	s7 =	sld [smem:$0x3F99]  }
0x1a: {  	s8 =	sadd.s32 $0xFFFFE003, lr  }
0x1b: {  	s9 =	sadd.s32 $0xFFFFFEF7, lr;
	s5 =	simm.s32 $0xFFFFFFFF;
	p2 =	slt.u32 s8, $0xFFFFF086  }
0x1c: {  	p1 =	slt.u32 s9, $0xF7A;
	s5 =	simm.s32 @!p2 $0x0  }
0x1d: {  	s5 =	simm.s32 @p1 $0x1;
	p0 =	seq.s32 s7, s2  }
0x1e: {  	s7 =	smul.u32 @!p0 $0xF7A, s2;
	p2 =	seq.s32 @!p0 s5, $0x0  }
0x1f: {  	s9 =	smul.u32 $0xF7A, s1;
	s8 =	simm.s32 @!p0 $0x1BF5;
	p2 =	por !p2, p0  }
0x20: {  	[sflag:s8] =	ssyncset.s32 @!p0 $0xFFFFF086;
	s6 =	sadd.s32 @!p0 s3, s7;
	s7 =	simm.s32 @!p0 $0x108  }
0x21: {  	s3 =	sadd.s32 s3, s9;
	s6 =	sadd.s32 @!p0 $0x88, s6;
	s7 =	simm.s32 @p2 $0x1082  }
0x22: {  	[simem:s7], [sflag:s8] =	dma.local @!p0 [hbm:s6], $0xF7A  }
0x23: {  	s9 =	sor.u32 $0xD0000000, s2;
	s6 =	simm.s32 $0x108;
	_ =	swait.ge @!p0 [sflag:s8], $0x0  }
0x24: {  	s3 =	sadd.s32 $0x88, s3;
	s6 =	simm.s32 @!p1 $0x1082;
	[sflag:s4] =	ssyncset.s32 $0xFFFFF086  }
0x25: {  	[simem:s6], [sflag:s4] =	dma.local [hbm:s3], $0xF7A  }
0x26: {  	[smem:$0x3F99] =	sst s1;
	(tag) =	ssettag s2;
	_ =	strace s9  }
0x27: {  	s1 =	sld [smem:$0x3FA9]  }
0x28: {  	s2 =	sld [smem:$0x3FAA]  }
0x29: {  	s4 =	sld [smem:$0x3FAC]  }
0x2a: {  	p0 =	seq.s32 s5, $0x0;
	s5 =	sld [smem:$0x3FAD]  }
0x2b: {  	s6 =	sld [smem:$0x3FAE]  }
0x2c: {  	s7 =	sld [smem:$0x3FAF]  }
0x2d: {  	s3 =	simm.s32 $0x108;
	s8 =	sld [smem:$0x3FB0]  }
0x2e: {  	s3 =	simm.s32 @!p0 $0x1082;
	s9 =	sld [smem:$0x3FB1]  }
0x2f: {  	lr =	sadd.s32 s0, s3;
	s0 =	sld [smem:$0x3FA8]  }
0x30: {  	s3 =	sld [smem:$0x3FAB]  }
0x31: {  	[smem:$0x3FB4] =	sst s10  }
0x32: {  	s10 =	sld [smem:$0x3FB2];
	_ =	sdelay $0x3  }
0x33: {  	p0 =	seq.s32 s10, $0x1;
	s10 =	sld [smem:$0x3FB4];
	_ =	sdelay $0x3  }
0x34: {  	[smem:$0x3FB4] =	sst s10  }
0x35: {  	s10 =	sld [smem:$0x3FB3];
	_ =	sdelay $0x3  }
0x36: {  	p1 =	seq.s32 s10, $0x1;
	s10 =	sld [smem:$0x3FB4];
	_ =	sdelay $0x3  }
0x37: {  	[smem:$0x3FB4] =	sst s10  }
0x38: {  	s10 =	sld [smem:$0x3FB5]  }
0x39: {  	_ = 	snop;
	(pc) =	sbr.ind lr, $3  }
0x3a: {  	_ = 	snop  }
0x3b: {  	_ = 	snop  }
0x3c: {  	p2 =	seq.s32 s10, $0x1;
	s10 =	sld [smem:$0x3FB4]  }
0x3d: {  	_ =	shalt  }
0x3e: {  	_ =	shalt  }
0x3f: {  	_ =	shalt  }
0x40: {  	_ =	shalt  }
0x41: {  	_ =	shalt  }
0x42: {  	_ =	shalt  }
0x43: {  	_ =	shalt  }
0x44: {  	_ =	shalt  }
0x45: {  	_ =	shalt  }
0x46: {  	_ =	shalt  }
0x47: {  	_ =	shalt  }
0x48: {  	_ =	shalt  }
0x49: {  	_ =	shalt  }
0x4a: {  	_ =	shalt  }
0x4b: {  	_ =	shalt  }
0x4c: {  	_ =	shalt  }
0x4d: {  	_ =	shalt  }
0x4e: {  	_ =	shalt  }
0x4f: {  	_ =	shalt  }
0x50: {  	_ =	shalt  }
0x51: {  	_ =	shalt  }
0x52: {  	_ =	shalt  }
0x53: {  	_ =	shalt  }
0x54: {  	_ =	shalt  }
0x55: {  	_ =	shalt  }
0x56: {  	_ =	shalt  }
0x57: {  	_ =	shalt  }
0x58: {  	_ =	shalt  }
0x59: {  	_ =	shalt  }
0x5a: {  	_ =	shalt  }
0x5b: {  	_ =	shalt  }
0x5c: {  	_ =	shalt  }
0x5d: {  	_ =	shalt  }
0x5e: {  	_ =	shalt  }
0x5f: {  	_ =	shalt  }
0x60: {  	_ =	shalt  }
0x61: {  	_ =	shalt  }
0x62: {  	_ =	shalt  }
0x63: {  	_ =	shalt  }
0x64: {  	_ =	shalt  }
0x65: {  	_ =	shalt  }
0x66: {  	_ =	shalt  }
0x67: {  	_ =	shalt  }
0x68: {  	_ =	shalt  }
0x69: {  	_ =	shalt  }
0x6a: {  	_ =	shalt  }
0x6b: {  	_ =	shalt  }
0x6c: {  	_ =	shalt  }
0x6d: {  	_ =	shalt  }
0x6e: {  	_ =	shalt  }
0x6f: {  	_ =	shalt  }
0x70: {  	_ =	shalt  }
0x71: {  	_ =	shalt  }
0x72: {  	_ =	shalt  }
0x73: {  	_ =	shalt  }
0x74: {  	_ =	shalt  }
0x75: {  	_ =	shalt  }
0x76: {  	_ =	shalt  }
0x77: {  	_ =	shalt  }
0x78: {  	_ =	shalt  }
0x79: {  	_ =	shalt  }
0x7a: {  	_ =	shalt  }
0x7b: {  	_ =	shalt  }
0x7c: {  	_ =	shalt  }
0x7d: {  	_ =	shalt  }
0x7e: {  	_ =	shalt  }
0x7f: {  	_ =	shalt  }
0x80: {  	_ =	shalt  }
0x81: {  	_ =	shalt  }
0x82: {  	_ =	shalt  }
0x83: {  	_ =	shalt  }
0x84: {  	_ =	shalt  }
0x85: {  	_ =	shalt  }
0x86: {  	_ =	shalt  }
0x87: {  	_ =	shalt  }
.Lfunc_end0:
.L_simem_size_0:
called_computation_lowered:
.L_overlay_start_0:
0x88: {  	s2 =	sld [smem:$0x3FD9]  }
0x89: {  	s3 =	sld [smem:$0x3FFE];
	_ =	sdelay $0x1  }
0x8a: {  	s1 =	srdreg.scid  }
0x8b: {  	s0 =	sand.u32 $0x1, s1  }
0x8c: {  	s14 =	sshll.u32 s0, $0xA;
	s2 =	sadd.s32 s3, s2  }
0x8d: {  	s2 =	sadd.s32 s2, s14  }
0x8e: {  	[smem:$0x3FC0] =	sst s2  }
0x8f: {  	_ = 	snop  }
0x90: {  	s2 =	sld [smem:$0x3FC9]  }
0x91: {  	s15 =	sld [smem:$0x3FC8]  }
0x92: {  	s4 =	sld [smem:$0x3FC7]  }
0x93: {  	s5 =	sld [smem:$0x3FD0]  }
0x94: {  	s6 =	sld [smem:$0x3FC6]  }
0x95: {  	s7 =	sld [smem:$0x3FC5]  }
0x96: {  	s9 =	simm.s32 $0xA;
	s10 =	simm.s32 $0x10;
	s8 =	sld [smem:$0x3FC4]  }
0x97: {  	[smem:s10], [sflag:s9] =	dma.local [hbm:s5], $0x1  }
0x98: {  	_ =	swait.eq [sflag:s9], $0x1  }
0x99: {  	[sflag:s9] =	ssyncset.done $0x0  }
0x9a: {  	[sflag:s9] =	ssyncadd.s32 $0xFFFFFFFF  }
0x9b: {  	s16 =	sld [smem:$0x11];
	(tm) =	ssettm $0x1  }
0x9c: {  	s17 =	sld [smem:$0x3FFB];
	_ =	sdelay $0x3  }
0x9d: {  	_ =	strace s17  }
0x9e: {  	s9 =	sld [smem:$0x3FFC];
	_ =	sdelay $0x3  }
0x9f: {  	_ =	strace s9  }
0xa0: {  	s9 =	sld [smem:$0x3FFD];
	_ =	sdelay $0x3  }
0xa1: {  	_ =	strace s9  }
0xa2: {  	_ =	strace $0x8FFFFFFF  }
0xa3: {  	s18 =	sld [smem:$0x3FDB];
	_ =	sdelay $0x1  }
0xa4: {  	s19 =	simm.s32 $_scs_section_size  }
0xa5: {  	s11 =	simm.s32 $_size__tile_overlayer_lowered;
	s12 =	simm.s32 $_tile_overlayer_lowered  }
0xa6: {  	s22 =	simm.s32 $0x1BFF;
	s21 =	sshll.u32 s12, $0x1;
	s9 =	sadd.s32 s19, s18  }
0xa7: {  	s13 =	simm.s32 $0x0;
	s20 =	sshll.u32 s11, $0x1;
	s11 =	sadd.s32 s21, s9  }
0xa8: {  	[timem:s13], [sflag:s22] =	dma.local [hbm:s11], s20  }
0xa9: {  	_ =	swait.ge [sflag:s22], s20  }
0xaa: {  	s10 =	ssub.s32 $0x0, s20;
	[sflag:s22] =	ssyncset.done $0x0  }
0xab: {  	[sflag:s22] =	ssyncadd.s32 s10;
	_ =	sdelay $0x1  }
0xac: {  	s23 =	simm.s32 $0x1B8B  }
0xad: {  	_ =	swait.ge [sflag:s23], $0x1  }
0xae: {  	[sflag:s23] =	ssyncset.done $0x0  }
0xaf: {  	s25 =	simm.s32 $0x1B8E;
	s24 =	sld [smem:$0x3FFE];
	[sflag:s23] =	ssyncadd.s32 $0xFFFFFFFF  }
0xb0: {  	s26 =	simm.s32 $execute0_lowered;
	[smem:$0x3FD2] =	sst s25  }
0xb1: {  	s11 =	sshll.u32 s26, $0x1;
	_ =	strace $0x80000046;
	[dreg:$0x1] =	wrdreg $0xFFFFFFFF  }
0xb2: {  	s28 =	simm.s32 $_size_execute0_lowered;
	s9 =	sadd.s32 s9, s11;
	[dreg:$0x0] =	wrdreg $0x0  }
0xb3: {  	s11 =	sshll.u32 s28, $0x1;
	[dreg:$0x2] =	wrdreg s9  }
0xb4: {  	[dreg:$0x3] =	wrdreg s11  }
0xb5: {  	[dreg:$0x4] =	wrdreg $0xC0  }
0xb6: {  	_ =	task [dreg:s13], $0x5FFFF  }
0xb7: {  	[dreg:$0x1] =	wrdreg $0xFFFFFFFF  }
0xb8: {  	[dreg:$0x0] =	wrdreg $0x60  }
0xb9: {  	[dreg:$0x2] =	wrdreg s2  }
0xba: {  	[dreg:$0x3] =	wrdreg s15  }
0xbb: {  	[dreg:$0x4] =	wrdreg s4  }
0xbc: {  	[dreg:$0x5] =	wrdreg s6  }
0xbd: {  	[dreg:$0x6] =	wrdreg s7  }
0xbe: {  	[dreg:$0x7] =	wrdreg s8  }
0xbf: {  	[dreg:$0x8] =	wrdreg s24  }
0xc0: {  	[dreg:$0x9] =	wrdreg s16  }
0xc1: {  	[dreg:$0xa] =	wrdreg $0x9  }
0xc2: {  	_ =	task.clear_ibuf [dreg:s13], $0xBFFFF;
	_ =	strace $0x90000046  }
0xc3: {  	s29 =	simm.s32 $0x9;
	_ =	strace $0x80000048  }
0xc4: {  	_ =	swait.ge [sflag:s29], $0x1  }
0xc5: {  	[sflag:s29] =	ssyncadd.s32 $0xFFFFFFFF  }
0xc6: {  	_ =	strace $0x90000048  }
0xc7: {  	_ =	sfence  }
0xc8: {  	s30 =	sld [smem:$0x0];
	_ =	sdelay $0x2  }
0xc9: {  	s31 =	sshll.u32 s1, $0xD;
	s1 =	sshrl.u32 s1, $0x2  }
0xca: {  	s3 =	sand.u32 $0x4000, s31;
	s1 =	sadd.s32 s1, s30  }
0xcb: {  	s0 =	sor.u32 s3, s0;
	s1 =	sshll.u32 s1, $0x11  }
0xcc: {  	s0 =	sor.u32 s1, s0  }
0xcd: {  	s0 =	sadd.s32 $0x8F2B, s0  }
0xce: {  	[sflag:s0] =	ssyncadd.remote.s32 $0x1  }
0xcf: {  	_ =	sfence.sel $0xFFFF  }
0xd0: {  	[dreg:$0x0] =	wrdreg $0xFFFFFFFF;
	(pc) =	sbr.abs _section_cstart, $3  }
0xd1: {  	[dreg:$0x1] =	wrdreg $0xFFFFFFFF  }
0xd2: {  	_ =	task.clear_ibuf [dreg:s13], $0x2FFFF;
	_ =	strace $0x9FFFFFFF  }
0xd3: {  	(tm) =	ssettm $0x7FFFFFFF  }
tec
execute0_lowered:
.L_overlay_start_1:
0x0: {  	(tag) =	ssettag $0x1  }
0x1: {  	s0 =	rddreg [dreg:$0x0]  }
0x2: {  	s1 =	rddreg [dreg:$0x1]  }
0x3: {  	s9 =	rddreg [dreg:$0x2]  }
0x4: {  	s7 =	rddreg [dreg:$0x3]  }
0x5: {  	s8 =	rddreg [dreg:$0x4]  }
0x6: {  	s10 =	rddreg [dreg:$0x5]  }
0x7: {  	s5 =	rddreg [dreg:$0x6]  }
0x8: {  	s11 =	rddreg [dreg:$0x7]  }
0x9: {  	s2 =	simm.s32 $0x0;
	s3 =	srdreg.scid;
	s4 =	stileid.u32  }
0xa: {  	s28 =	simm.s32 $0x2D00;
	s29 =	simm.s32 $0x2D80;
	s30 =	simm.s32 $0x2E00  }
0xb: {  	s31 =	simm.s32 $0x2E80;
	s15 =	simm.s32 $0x0;
	[smem:$0x7FF] =	sst s2  }
0xc: {  	s6 =	sand.u32 $0x1, s3;
	s4 =	sshll.u32 s4, $0x1;
	s3 =	sadd.s32 $0x2400, s5  }
0xd: {  	_ =	strace $0x80000047;
	s12 =	sor.u32 s6, s4;
	s6 =	ssub.s32 $0x2, s6  }
0xe: {  	s4 =	sadd.s32 $0x400, s5;
	s13 =	sshll.u32 s12, $0x4;
	s26 =	sshrl.u32 s6, $0x1  }
0xf: {  	s12 =	sshll.u32 s12, $0x6;
	s13 =	sadd.s32 s13, s5;
	s14 =	ssub.s32 s6, s26  }
0x10: {  	s5 =	sadd.s32 s0, s12;
	s6 =	sadd.s32 s1, s12;
	s7 =	sadd.s32 s7, s12  }
0x11: {  	s8 =	sadd.s32 s8, s12;
	s9 =	sadd.s32 s9, s12;
	s10 =	sadd.s32 s10, s12  }
0x12: {  	s11 =	sadd.s32 s11, s12;
	s0 =	simm.s32 $0x12B00;
	s1 =	simm.s32 $0x12D00  }
0x13: {  	s12 =	sadd.s32 $0xF44800, s13;
	s13 =	smax.u32 s14, $0x1;
	s14 =	simm.s32 $0x2  }
.LBB2_1:
0x14: {  	[tilespmem:s2], [sflag:$0x2] =	stream.linear.gather [hbm4b:s5+s2], $0x200, $0x38;
	[tilespmem:$0x12D80] =	vst v63  }
0x15: {  	_ =	swait.ge [sflag:s14], $0x200  }
0x16: {  	[sflag:s14] =	ssyncset.done $0x0  }
0x17: {  	s16 =	simm.s32 $0x280;
	[sflag:s14] =	ssyncadd.s32 $0xFFFFFE00  }
0x18: {  	[tilespmem:s16], [sflag:$0x2] =	stream.linear.gather [hbm4b:s6+s2], $0x200, $0x38;
	[tilespmem:$0x12D80] =	vst v63  }
0x19: {  	_ =	swait.ge [sflag:s14], $0x200  }
0x1a: {  	[sflag:s14] =	ssyncset.done $0x0  }
0x1b: {  	s25 =	simm.s32 $0x780;
	[sflag:s14] =	ssyncadd.s32 $0xFFFFFE00  }
0x1c: {  	[tilespmem:s25], [sflag:$0x2] =	stream.linear.gather [hbm4b:s7+s2], $0x200, $0x38;
	[tilespmem:$0x12D80] =	vst v63  }
0x1d: {  	_ =	swait.ge [sflag:s14], $0x200  }
0x1e: {  	[sflag:s14] =	ssyncset.done $0x0  }
0x1f: {  	s26 =	simm.s32 $0xA00;
	[sflag:s14] =	ssyncadd.s32 $0xFFFFFE00  }
0x20: {  	[tilespmem:s26], [sflag:$0x2] =	stream.linear.gather [hbm4b:s8+s2], $0x200, $0x38;
	[tilespmem:$0x12D80] =	vst v63  }
0x21: {  	_ =	swait.ge [sflag:s14], $0x200  }
0x22: {  	[sflag:s14] =	ssyncset.done $0x0  }
0x23: {  	s17 =	simm.s32 $0x500;
	[sflag:s14] =	ssyncadd.s32 $0xFFFFFE00  }
0x24: {  	[tilespmem:s17], [sflag:$0x2] =	stream.linear.gather [hbm4b:s9+s2], $0x200, $0x38;
	[tilespmem:$0x12D80] =	vst v63  }
0x25: {  	_ =	swait.ge [sflag:s14], $0x200  }
0x26: {  	[sflag:s14] =	ssyncset.done $0x0  }
0x27: {  	s18 =	simm.s32 $0xC80;
	[sflag:s14] =	ssyncadd.s32 $0xFFFFFE00  }
0x28: {  	[tilespmem:s18], [sflag:$0x2] =	stream.linear.gather [hbm4b:s10+s2], $0x200, $0x38;
	[tilespmem:$0x12D80] =	vst v63  }
0x29: {  	_ =	swait.ge [sflag:s14], $0x200  }
0x2a: {  	[sflag:s14] =	ssyncset.done $0x0  }
0x2b: {  	s19 =	simm.s32 $0x2F00;
	[sflag:s14] =	ssyncadd.s32 $0xFFFFFE00  }
0x2c: {  	[tilespmem:s19], [sflag:$0x2] =	stream.linear.gather [hbm4b:s4+s2], $0xFA00, $0x38;
	[tilespmem:$0x12D80] =	vst v63  }
0x2d: {  	_ =	swait.ge [sflag:s14], $0xFA00  }
0x2e: {  	[sflag:s14] =	ssyncset.done $0x0  }
0x2f: {  	[sflag:s14] =	ssyncadd.s32 $0xFFFF0600  }
0x30: {  	v0 =	vld [tilespmem:$0x0];
	_ =	sdelay $0x4  }
0x31: {  	(v2sf) =	vpush v0, $0x0;
	_ =	sdelay $0xe  }
0x32: {  	s20 =	spop (v2sf)  }
0x33: {  	s16 =	sshll.u32 s20, $0x4  }
0x34: {  	s16 =	sand.u32 $0x1FFFFFF0, s16  }
0x35: {  	s17 =	simm.s32 $0xF00;
	s16 =	sadd.s32 s3, s16  }
0x36: {  	[tilespmem:s17], [sflag:$0x1] =	stream.linear.gather [hbm4b:s16+s2], $0x80, $0x38;
	[tilespmem:$0x12D80] =	vst v63  }
0x37: {  	v0 =	vld [tilespmem:$0x280];
	_ =	sdelay $0x4  }
0x38: {  	(v2sf) =	vpush v0, $0x0;
	_ =	sdelay $0xe  }
0x39: {  	s21 =	spop (v2sf)  }
0x3a: {  	s16 =	sshll.u32 s21, $0x4  }
0x3b: {  	s16 =	sand.u32 $0x1FFFFFF0, s16  }
0x3c: {  	s22 =	simm.s32 $0xF80;
	s16 =	sadd.s32 s3, s16  }
0x3d: {  	[tilespmem:s22], [sflag:$0x1] =	stream.linear.gather [hbm4b:s16+s2], $0x80, $0x38;
	[tilespmem:$0x12D80] =	vst v63  }
0x3e: {  	v0 =	vld [tilespmem:$0x780];
	_ =	sdelay $0x4  }
0x3f: {  	(v2sf) =	vpush v0, $0x0;
	_ =	sdelay $0xe  }
0x40: {  	s23 =	spop (v2sf)  }
0x41: {  	s16 =	sshll.u32 s23, $0x4  }
0x42: {  	s16 =	sand.u32 $0x1FFFFFF0, s16  }
0x43: {  	s24 =	simm.s32 $0x1000;
	s16 =	sadd.s32 s3, s16  }
0x44: {  	[tilespmem:s24], [sflag:$0x1] =	stream.linear.gather [hbm4b:s16+s2], $0x80, $0x38;
	[tilespmem:$0x12D80] =	vst v63  }
0x45: {  	v0 =	vld [tilespmem:$0xA00];
	_ =	sdelay $0x4  }
0x46: {  	(v2sf) =	vpush v0, $0x0;
	_ =	sdelay $0xe  }
0x47: {  	s25 =	spop (v2sf)  }
0x48: {  	s16 =	sshll.u32 s25, $0x4  }
0x49: {  	s16 =	sand.u32 $0x1FFFFFF0, s16  }
0x4a: {  	s26 =	simm.s32 $0x1080;
	s16 =	sadd.s32 s3, s16  }
0x4b: {  	[tilespmem:s26], [sflag:$0x1] =	stream.linear.gather [hbm4b:s16+s2], $0x80, $0x38;
	[tilespmem:$0x12D80] =	vst v63  }
0x4c: {  	v0 =	vld [tilespmem:$0x1];
	_ =	sdelay $0x4  }
0x4d: {  	(v2sf) =	vpush v0, $0x0;
	_ =	sdelay $0xe  }
0x4e: {  	s17 =	spop (v2sf)  }
0x4f: {  	s16 =	sshll.u32 s17, $0x4  }
0x50: {  	s16 =	sand.u32 $0x1FFFFFF0, s16  }
0x51: {  	s18 =	simm.s32 $0x1100;
	s16 =	sadd.s32 s3, s16  }
0x52: {  	[tilespmem:s18], [sflag:$0x1] =	stream.linear.gather [hbm4b:s16+s2], $0x80, $0x38;
	[tilespmem:$0x12D80] =	vst v63  }
0x53: {  	v0 =	vld [tilespmem:$0x281];
	_ =	sdelay $0x4  }
0x54: {  	(v2sf) =	vpush v0, $0x0;
	_ =	sdelay $0xe  }
0x55: {  	s19 =	spop (v2sf)  }
0x56: {  	s16 =	sshll.u32 s19, $0x4  }
0x57: {  	s16 =	sand.u32 $0x1FFFFFF0, s16  }
0x58: {  	s20 =	simm.s32 $0x1180;
	s16 =	sadd.s32 s3, s16  }
0x59: {  	[tilespmem:s20], [sflag:$0x1] =	stream.linear.gather [hbm4b:s16+s2], $0x80, $0x38;
	[tilespmem:$0x12D80] =	vst v63  }
0x5a: {  	v0 =	vld [tilespmem:$0x781];
	_ =	sdelay $0x4  }
0x5b: {  	(v2sf) =	vpush v0, $0x0;
	_ =	sdelay $0xe  }
0x5c: {  	s21 =	spop (v2sf)  }
0x5d: {  	s16 =	sshll.u32 s21, $0x4  }
0x5e: {  	s16 =	sand.u32 $0x1FFFFFF0, s16  }
0x5f: {  	s22 =	simm.s32 $0x1200;
	s16 =	sadd.s32 s3, s16  }
0x60: {  	[tilespmem:s22], [sflag:$0x1] =	stream.linear.gather [hbm4b:s16+s2], $0x80, $0x38;
	[tilespmem:$0x12D80] =	vst v63  }
0x61: {  	v0 =	vld [tilespmem:$0xA01];
	_ =	sdelay $0x4  }
0x62: {  	(v2sf) =	vpush v0, $0x0;
	_ =	sdelay $0xe  }
0x63: {  	s23 =	spop (v2sf)  }
0x64: {  	s16 =	sshll.u32 s23, $0x4  }
0x65: {  	s16 =	sand.u32 $0x1FFFFFF0, s16  }
0x66: {  	s24 =	simm.s32 $0x1280;
	s16 =	sadd.s32 s3, s16  }
0x67: {  	[tilespmem:s24], [sflag:$0x1] =	stream.linear.gather [hbm4b:s16+s2], $0x80, $0x38;
	[tilespmem:$0x12D80] =	vst v63  }
0x68: {  	v0 =	vld [tilespmem:$0x2];
	_ =	sdelay $0x4  }
0x69: {  	(v2sf) =	vpush v0, $0x0;
	_ =	sdelay $0xe  }
0x6a: {  	s25 =	spop (v2sf)  }
0x6b: {  	s16 =	sshll.u32 s25, $0x4  }
0x6c: {  	s16 =	sand.u32 $0x1FFFFFF0, s16  }
0x6d: {  	s26 =	simm.s32 $0x1300;
	s16 =	sadd.s32 s3, s16  }
0x6e: {  	[tilespmem:s26], [sflag:$0x1] =	stream.linear.gather [hbm4b:s16+s2], $0x80, $0x38;
	[tilespmem:$0x12D80] =	vst v63  }
0x6f: {  	v0 =	vld [tilespmem:$0x282];
	_ =	sdelay $0x4  }
0x70: {  	(v2sf) =	vpush v0, $0x0;
	_ =	sdelay $0xe  }
0x71: {  	s17 =	spop (v2sf)  }
0x72: {  	s16 =	sshll.u32 s17, $0x4  }
0x73: {  	s16 =	sand.u32 $0x1FFFFFF0, s16  }
0x74: {  	s18 =	simm.s32 $0x1380;
	s16 =	sadd.s32 s3, s16  }
0x75: {  	[tilespmem:s18], [sflag:$0x1] =	stream.linear.gather [hbm4b:s16+s2], $0x80, $0x38;
	[tilespmem:$0x12D80] =	vst v63  }
0x76: {  	v0 =	vld [tilespmem:$0x782];
	_ =	sdelay $0x4  }
0x77: {  	(v2sf) =	vpush v0, $0x0;
	_ =	sdelay $0xe  }
0x78: {  	s19 =	spop (v2sf)  }
0x79: {  	s16 =	sshll.u32 s19, $0x4  }
0x7a: {  	s16 =	sand.u32 $0x1FFFFFF0, s16  }
0x7b: {  	s20 =	simm.s32 $0x1400;
	s16 =	sadd.s32 s3, s16  }
0x7c: {  	[tilespmem:s20], [sflag:$0x1] =	stream.linear.gather [hbm4b:s16+s2], $0x80, $0x38;
	[tilespmem:$0x12D80] =	vst v63  }
0x7d: {  	v0 =	vld [tilespmem:$0xA02];
	_ =	sdelay $0x4  }
0x7e: {  	(v2sf) =	vpush v0, $0x0;
	_ =	sdelay $0xe  }
0x7f: {  	s21 =	spop (v2sf)  }
0x80: {  	s16 =	sshll.u32 s21, $0x4  }
0x81: {  	s16 =	sand.u32 $0x1FFFFFF0, s16  }
0x82: {  	s22 =	simm.s32 $0x1480;
	s16 =	sadd.s32 s3, s16  }
0x83: {  	[tilespmem:s22], [sflag:$0x1] =	stream.linear.gather [hbm4b:s16+s2], $0x80, $0x38;
	[tilespmem:$0x12D80] =	vst v63  }
0x84: {  	v0 =	vld [tilespmem:$0x3];
	_ =	sdelay $0x4  }
0x85: {  	(v2sf) =	vpush v0, $0x0;
	_ =	sdelay $0xe  }
0x86: {  	s23 =	spop (v2sf)  }
0x87: {  	s16 =	sshll.u32 s23, $0x4  }
0x88: {  	s16 =	sand.u32 $0x1FFFFFF0, s16  }
0x89: {  	s24 =	simm.s32 $0x1500;
	s16 =	sadd.s32 s3, s16  }
0x8a: {  	[tilespmem:s24], [sflag:$0x1] =	stream.linear.gather [hbm4b:s16+s2], $0x80, $0x38;
	[tilespmem:$0x12D80] =	vst v63  }
0x8b: {  	v0 =	vld [tilespmem:$0x283];
	_ =	sdelay $0x4  }
0x8c: {  	(v2sf) =	vpush v0, $0x0;
	_ =	sdelay $0xe  }
0x8d: {  	s25 =	spop (v2sf)  }
0x8e: {  	s16 =	sshll.u32 s25, $0x4  }
0x8f: {  	s16 =	sand.u32 $0x1FFFFFF0, s16  }
0x90: {  	s26 =	simm.s32 $0x1580;
	s16 =	sadd.s32 s3, s16  }
0x91: {  	[tilespmem:s26], [sflag:$0x1] =	stream.linear.gather [hbm4b:s16+s2], $0x80, $0x38;
	[tilespmem:$0x12D80] =	vst v63  }
0x92: {  	v0 =	vld [tilespmem:$0x783];
	_ =	sdelay $0x4  }
0x93: {  	(v2sf) =	vpush v0, $0x0;
	_ =	sdelay $0xe  }
0x94: {  	s17 =	spop (v2sf)  }
0x95: {  	s16 =	sshll.u32 s17, $0x4  }
0x96: {  	s16 =	sand.u32 $0x1FFFFFF0, s16  }
0x97: {  	s18 =	simm.s32 $0x1600;
	s16 =	sadd.s32 s3, s16  }
0x98: {  	[tilespmem:s18], [sflag:$0x1] =	stream.linear.gather [hbm4b:s16+s2], $0x80, $0x38;
	[tilespmem:$0x12D80] =	vst v63  }
0x99: {  	v0 =	vld [tilespmem:$0xA03];
	_ =	sdelay $0x4  }
0x9a: {  	(v2sf) =	vpush v0, $0x0;
	_ =	sdelay $0xe  }
0x9b: {  	s19 =	spop (v2sf)  }
0x9c: {  	s16 =	sshll.u32 s19, $0x4  }
0x9d: {  	s16 =	sand.u32 $0x1FFFFFF0, s16  }
0x9e: {  	s20 =	simm.s32 $0x1680;
	s16 =	sadd.s32 s3, s16  }
0x9f: {  	[tilespmem:s20], [sflag:$0x1] =	stream.linear.gather [hbm4b:s16+s2], $0x80, $0x38;
	[tilespmem:$0x12D80] =	vst v63  }
0xa0: {  	v0 =	vld [tilespmem:$0x4];
	_ =	sdelay $0x4  }
0xa1: {  	(v2sf) =	vpush v0, $0x0;
	_ =	sdelay $0xe  }
0xa2: {  	s21 =	spop (v2sf)  }
0xa3: {  	s16 =	sshll.u32 s21, $0x4  }
0xa4: {  	s16 =	sand.u32 $0x1FFFFFF0, s16  }
0xa5: {  	s22 =	simm.s32 $0x1700;
	s16 =	sadd.s32 s3, s16  }
0xa6: {  	[tilespmem:s22], [sflag:$0x1] =	stream.linear.gather [hbm4b:s16+s2], $0x80, $0x38;
	[tilespmem:$0x12D80] =	vst v63  }
0xa7: {  	v0 =	vld [tilespmem:$0x284];
	_ =	sdelay $0x4  }
0xa8: {  	(v2sf) =	vpush v0, $0x0;
	_ =	sdelay $0xe  }
0xa9: {  	s23 =	spop (v2sf)  }
0xaa: {  	s16 =	sshll.u32 s23, $0x4  }
0xab: {  	s16 =	sand.u32 $0x1FFFFFF0, s16  }
0xac: {  	s24 =	simm.s32 $0x1780;
	s16 =	sadd.s32 s3, s16  }
0xad: {  	[tilespmem:s24], [sflag:$0x1] =	stream.linear.gather [hbm4b:s16+s2], $0x80, $0x38;
	[tilespmem:$0x12D80] =	vst v63  }
0xae: {  	v0 =	vld [tilespmem:$0x784];
	_ =	sdelay $0x4  }
0xaf: {  	(v2sf) =	vpush v0, $0x0;
	_ =	sdelay $0xe  }
0xb0: {  	s25 =	spop (v2sf)  }
0xb1: {  	s16 =	sshll.u32 s25, $0x4  }
0xb2: {  	s16 =	sand.u32 $0x1FFFFFF0, s16  }
0xb3: {  	s26 =	simm.s32 $0x1800;
	s16 =	sadd.s32 s3, s16  }
0xb4: {  	[tilespmem:s26], [sflag:$0x1] =	stream.linear.gather [hbm4b:s16+s2], $0x80, $0x38;
	[tilespmem:$0x12D80] =	vst v63  }
0xb5: {  	v0 =	vld [tilespmem:$0xA04];
	_ =	sdelay $0x4  }
0xb6: {  	(v2sf) =	vpush v0, $0x0;
	_ =	sdelay $0xe  }
0xb7: {  	s17 =	spop (v2sf)  }
0xb8: {  	s16 =	sshll.u32 s17, $0x4  }
0xb9: {  	s16 =	sand.u32 $0x1FFFFFF0, s16  }
0xba: {  	s18 =	simm.s32 $0x1880;
	s16 =	sadd.s32 s3, s16  }
0xbb: {  	[tilespmem:s18], [sflag:$0x1] =	stream.linear.gather [hbm4b:s16+s2], $0x80, $0x38;
	[tilespmem:$0x12D80] =	vst v63  }
0xbc: {  	v0 =	vld [tilespmem:$0x5];
	_ =	sdelay $0x4  }
0xbd: {  	(v2sf) =	vpush v0, $0x0;
	_ =	sdelay $0xe  }
0xbe: {  	s19 =	spop (v2sf)  }
0xbf: {  	s16 =	sshll.u32 s19, $0x4  }
0xc0: {  	s16 =	sand.u32 $0x1FFFFFF0, s16  }
0xc1: {  	s20 =	simm.s32 $0x1900;
	s16 =	sadd.s32 s3, s16  }
0xc2: {  	[tilespmem:s20], [sflag:$0x1] =	stream.linear.gather [hbm4b:s16+s2], $0x80, $0x38;
	[tilespmem:$0x12D80] =	vst v63  }
0xc3: {  	v0 =	vld [tilespmem:$0x285];
	_ =	sdelay $0x4  }
0xc4: {  	(v2sf) =	vpush v0, $0x0;
	_ =	sdelay $0xe  }
0xc5: {  	s21 =	spop (v2sf)  }
0xc6: {  	s16 =	sshll.u32 s21, $0x4  }
0xc7: {  	s16 =	sand.u32 $0x1FFFFFF0, s16  }
0xc8: {  	s22 =	simm.s32 $0x1980;
	s16 =	sadd.s32 s3, s16  }
0xc9: {  	[tilespmem:s22], [sflag:$0x1] =	stream.linear.gather [hbm4b:s16+s2], $0x80, $0x38;
	[tilespmem:$0x12D80] =	vst v63  }
0xca: {  	v0 =	vld [tilespmem:$0x785];
	_ =	sdelay $0x4  }
0xcb: {  	(v2sf) =	vpush v0, $0x0;
	_ =	sdelay $0xe  }
0xcc: {  	s23 =	spop (v2sf)  }
0xcd: {  	s16 =	sshll.u32 s23, $0x4  }
0xce: {  	s16 =	sand.u32 $0x1FFFFFF0, s16  }
0xcf: {  	s24 =	simm.s32 $0x1A00;
	s16 =	sadd.s32 s3, s16  }
0xd0: {  	[tilespmem:s24], [sflag:$0x1] =	stream.linear.gather [hbm4b:s16+s2], $0x80, $0x38;
	[tilespmem:$0x12D80] =	vst v63  }
0xd1: {  	v0 =	vld [tilespmem:$0xA05];
	_ =	sdelay $0x4  }
0xd2: {  	(v2sf) =	vpush v0, $0x0;
	_ =	sdelay $0xe  }
0xd3: {  	s25 =	spop (v2sf)  }
0xd4: {  	s16 =	sshll.u32 s25, $0x4  }
0xd5: {  	s16 =	sand.u32 $0x1FFFFFF0, s16  }
0xd6: {  	s26 =	simm.s32 $0x1A80;
	s16 =	sadd.s32 s3, s16  }
0xd7: {  	[tilespmem:s26], [sflag:$0x1] =	stream.linear.gather [hbm4b:s16+s2], $0x80, $0x38;
	[tilespmem:$0x12D80] =	vst v63  }
0xd8: {  	v0 =	vld [tilespmem:$0x6];
	_ =	sdelay $0x4  }
0xd9: {  	(v2sf) =	vpush v0, $0x0;
	_ =	sdelay $0xe  }
0xda: {  	s17 =	spop (v2sf)  }
0xdb: {  	s16 =	sshll.u32 s17, $0x4  }
0xdc: {  	s16 =	sand.u32 $0x1FFFFFF0, s16  }
0xdd: {  	s18 =	simm.s32 $0x1B00;
	s16 =	sadd.s32 s3, s16  }
0xde: {  	[tilespmem:s18], [sflag:$0x1] =	stream.linear.gather [hbm4b:s16+s2], $0x80, $0x38;
	[tilespmem:$0x12D80] =	vst v63  }
0xdf: {  	v0 =	vld [tilespmem:$0x286];
	_ =	sdelay $0x4  }
0xe0: {  	(v2sf) =	vpush v0, $0x0;
	_ =	sdelay $0xe  }
0xe1: {  	s19 =	spop (v2sf)  }
0xe2: {  	s16 =	sshll.u32 s19, $0x4  }
0xe3: {  	s16 =	sand.u32 $0x1FFFFFF0, s16  }
0xe4: {  	s20 =	simm.s32 $0x1B80;
	s16 =	sadd.s32 s3, s16  }
0xe5: {  	[tilespmem:s20], [sflag:$0x1] =	stream.linear.gather [hbm4b:s16+s2], $0x80, $0x38;
	[tilespmem:$0x12D80] =	vst v63  }
0xe6: {  	v0 =	vld [tilespmem:$0x786];
	_ =	sdelay $0x4  }
0xe7: {  	(v2sf) =	vpush v0, $0x0;
	_ =	sdelay $0xe  }
0xe8: {  	s21 =	spop (v2sf)  }
0xe9: {  	s16 =	sshll.u32 s21, $0x4  }
0xea: {  	s16 =	sand.u32 $0x1FFFFFF0, s16  }
0xeb: {  	s22 =	simm.s32 $0x1C00;
	s16 =	sadd.s32 s3, s16  }
0xec: {  	[tilespmem:s22], [sflag:$0x1] =	stream.linear.gather [hbm4b:s16+s2], $0x80, $0x38;
	[tilespmem:$0x12D80] =	vst v63  }
0xed: {  	v0 =	vld [tilespmem:$0xA06];
	_ =	sdelay $0x4  }
0xee: {  	(v2sf) =	vpush v0, $0x0;
	_ =	sdelay $0xe  }
0xef: {  	s23 =	spop (v2sf)  }
0xf0: {  	s16 =	sshll.u32 s23, $0x4  }
0xf1: {  	s16 =	sand.u32 $0x1FFFFFF0, s16  }
0xf2: {  	s24 =	simm.s32 $0x1C80;
	s16 =	sadd.s32 s3, s16  }
0xf3: {  	[tilespmem:s24], [sflag:$0x1] =	stream.linear.gather [hbm4b:s16+s2], $0x80, $0x38;
	[tilespmem:$0x12D80] =	vst v63  }
0xf4: {  	v0 =	vld [tilespmem:$0x7];
	_ =	sdelay $0x4  }
0xf5: {  	(v2sf) =	vpush v0, $0x0;
	_ =	sdelay $0xe  }
0xf6: {  	s25 =	spop (v2sf)  }
0xf7: {  	s16 =	sshll.u32 s25, $0x4  }
0xf8: {  	s16 =	sand.u32 $0x1FFFFFF0, s16  }
0xf9: {  	s26 =	simm.s32 $0x1D00;
	s16 =	sadd.s32 s3, s16  }
0xfa: {  	[tilespmem:s26], [sflag:$0x1] =	stream.linear.gather [hbm4b:s16+s2], $0x80, $0x38;
	[tilespmem:$0x12D80] =	vst v63  }
0xfb: {  	v0 =	vld [tilespmem:$0x287];
	_ =	sdelay $0x4  }
0xfc: {  	(v2sf) =	vpush v0, $0x0;
	_ =	sdelay $0xe  }
0xfd: {  	s17 =	spop (v2sf)  }
0xfe: {  	s16 =	sshll.u32 s17, $0x4  }
0xff: {  	s16 =	sand.u32 $0x1FFFFFF0, s16  }
0x100: {  	s18 =	simm.s32 $0x1D80;
	s16 =	sadd.s32 s3, s16  }
0x101: {  	[tilespmem:s18], [sflag:$0x1] =	stream.linear.gather [hbm4b:s16+s2], $0x80, $0x38;
	[tilespmem:$0x12D80] =	vst v63  }
0x102: {  	v0 =	vld [tilespmem:$0x787];
	_ =	sdelay $0x4  }
0x103: {  	(v2sf) =	vpush v0, $0x0;
	_ =	sdelay $0xe  }
0x104: {  	s19 =	spop (v2sf)  }
0x105: {  	s16 =	sshll.u32 s19, $0x4  }
0x106: {  	s16 =	sand.u32 $0x1FFFFFF0, s16  }
0x107: {  	s20 =	simm.s32 $0x1E00;
	s16 =	sadd.s32 s3, s16  }
0x108: {  	[tilespmem:s20], [sflag:$0x1] =	stream.linear.gather [hbm4b:s16+s2], $0x80, $0x38;
	[tilespmem:$0x12D80] =	vst v63  }
0x109: {  	v0 =	vld [tilespmem:$0xA07];
	_ =	sdelay $0x4  }
0x10a: {  	(v2sf) =	vpush v0, $0x0;
	_ =	sdelay $0xe  }
0x10b: {  	s21 =	spop (v2sf)  }
0x10c: {  	s16 =	sshll.u32 s21, $0x4  }
0x10d: {  	s16 =	sand.u32 $0x1FFFFFF0, s16  }
0x10e: {  	s22 =	simm.s32 $0x1E80;
	s16 =	sadd.s32 s3, s16  }
0x10f: {  	[tilespmem:s22], [sflag:$0x1] =	stream.linear.gather [hbm4b:s16+s2], $0x80, $0x38;
	[tilespmem:$0x12D80] =	vst v63  }
0x110: {  	v0 =	vld [tilespmem:$0x8];
	_ =	sdelay $0x4  }
0x111: {  	(v2sf) =	vpush v0, $0x0;
	_ =	sdelay $0xe  }
0x112: {  	s23 =	spop (v2sf)  }
0x113: {  	s16 =	sshll.u32 s23, $0x4  }
0x114: {  	s16 =	sand.u32 $0x1FFFFFF0, s16  }
0x115: {  	s24 =	simm.s32 $0x1F00;
	s16 =	sadd.s32 s3, s16  }
0x116: {  	[tilespmem:s24], [sflag:$0x1] =	stream.linear.gather [hbm4b:s16+s2], $0x80, $0x38;
	[tilespmem:$0x12D80] =	vst v63  }
0x117: {  	v0 =	vld [tilespmem:$0x288];
	_ =	sdelay $0x4  }
0x118: {  	(v2sf) =	vpush v0, $0x0;
	_ =	sdelay $0xe  }
0x119: {  	s25 =	spop (v2sf)  }
0x11a: {  	s16 =	sshll.u32 s25, $0x4  }
0x11b: {  	s16 =	sand.u32 $0x1FFFFFF0, s16  }
0x11c: {  	s26 =	simm.s32 $0x1F80;
	s16 =	sadd.s32 s3, s16  }
0x11d: {  	[tilespmem:s26], [sflag:$0x1] =	stream.linear.gather [hbm4b:s16+s2], $0x80, $0x38;
	[tilespmem:$0x12D80] =	vst v63  }
0x11e: {  	v0 =	vld [tilespmem:$0x788];
	_ =	sdelay $0x4  }
0x11f: {  	(v2sf) =	vpush v0, $0x0;
	_ =	sdelay $0xe  }
0x120: {  	s17 =	spop (v2sf)  }
0x121: {  	s16 =	sshll.u32 s17, $0x4  }
0x122: {  	s16 =	sand.u32 $0x1FFFFFF0, s16  }
0x123: {  	s18 =	simm.s32 $0x2000;
	s16 =	sadd.s32 s3, s16  }
0x124: {  	[tilespmem:s18], [sflag:$0x1] =	stream.linear.gather [hbm4b:s16+s2], $0x80, $0x38;
	[tilespmem:$0x12D80] =	vst v63  }
0x125: {  	v0 =	vld [tilespmem:$0xA08];
	_ =	sdelay $0x4  }
0x126: {  	(v2sf) =	vpush v0, $0x0;
	_ =	sdelay $0xe  }
0x127: {  	s19 =	spop (v2sf)  }
0x128: {  	s16 =	sshll.u32 s19, $0x4  }
0x129: {  	s16 =	sand.u32 $0x1FFFFFF0, s16  }
0x12a: {  	s20 =	simm.s32 $0x2080;
	s16 =	sadd.s32 s3, s16  }
0x12b: {  	[tilespmem:s20], [sflag:$0x1] =	stream.linear.gather [hbm4b:s16+s2], $0x80, $0x38;
	[tilespmem:$0x12D80] =	vst v63  }
0x12c: {  	v0 =	vld [tilespmem:$0x9];
	_ =	sdelay $0x4  }
0x12d: {  	(v2sf) =	vpush v0, $0x0;
	_ =	sdelay $0xe  }
0x12e: {  	s21 =	spop (v2sf)  }
0x12f: {  	s16 =	sshll.u32 s21, $0x4  }
0x130: {  	s16 =	sand.u32 $0x1FFFFFF0, s16  }
0x131: {  	s22 =	simm.s32 $0x2100;
	s16 =	sadd.s32 s3, s16  }
0x132: {  	[tilespmem:s22], [sflag:$0x1] =	stream.linear.gather [hbm4b:s16+s2], $0x80, $0x38;
	[tilespmem:$0x12D80] =	vst v63  }
0x133: {  	v0 =	vld [tilespmem:$0x289];
	_ =	sdelay $0x4  }
0x134: {  	(v2sf) =	vpush v0, $0x0;
	_ =	sdelay $0xe  }
0x135: {  	s23 =	spop (v2sf)  }
0x136: {  	s16 =	sshll.u32 s23, $0x4  }
0x137: {  	s16 =	sand.u32 $0x1FFFFFF0, s16  }
0x138: {  	s24 =	simm.s32 $0x2180;
	s16 =	sadd.s32 s3, s16  }
0x139: {  	[tilespmem:s24], [sflag:$0x1] =	stream.linear.gather [hbm4b:s16+s2], $0x80, $0x38;
	[tilespmem:$0x12D80] =	vst v63  }
0x13a: {  	v0 =	vld [tilespmem:$0x789];
	_ =	sdelay $0x4  }
0x13b: {  	(v2sf) =	vpush v0, $0x0;
	_ =	sdelay $0xe  }
0x13c: {  	s25 =	spop (v2sf)  }
0x13d: {  	s16 =	sshll.u32 s25, $0x4  }
0x13e: {  	s16 =	sand.u32 $0x1FFFFFF0, s16  }
0x13f: {  	s26 =	simm.s32 $0x2200;
	s16 =	sadd.s32 s3, s16  }
0x140: {  	[tilespmem:s26], [sflag:$0x1] =	stream.linear.gather [hbm4b:s16+s2], $0x80, $0x38;
	[tilespmem:$0x12D80] =	vst v63  }
0x141: {  	v0 =	vld [tilespmem:$0xA09];
	_ =	sdelay $0x4  }
0x142: {  	(v2sf) =	vpush v0, $0x0;
	_ =	sdelay $0xe  }
0x143: {  	s17 =	spop (v2sf)  }
0x144: {  	s16 =	sshll.u32 s17, $0x4  }
0x145: {  	s16 =	sand.u32 $0x1FFFFFF0, s16  }
0x146: {  	s18 =	simm.s32 $0x2280;
	s16 =	sadd.s32 s3, s16  }
0x147: {  	[tilespmem:s18], [sflag:$0x1] =	stream.linear.gather [hbm4b:s16+s2], $0x80, $0x38;
	[tilespmem:$0x12D80] =	vst v63  }
0x148: {  	v0 =	vld [tilespmem:$0xA];
	_ =	sdelay $0x4  }
0x149: {  	(v2sf) =	vpush v0, $0x0;
	_ =	sdelay $0xe  }
0x14a: {  	s19 =	spop (v2sf)  }
0x14b: {  	s16 =	sshll.u32 s19, $0x4  }
0x14c: {  	s16 =	sand.u32 $0x1FFFFFF0, s16  }
0x14d: {  	s20 =	simm.s32 $0x2300;
	s16 =	sadd.s32 s3, s16  }
0x14e: {  	[tilespmem:s20], [sflag:$0x1] =	stream.linear.gather [hbm4b:s16+s2], $0x80, $0x38;
	[tilespmem:$0x12D80] =	vst v63  }
0x14f: {  	v0 =	vld [tilespmem:$0x28A];
	_ =	sdelay $0x4  }
0x150: {  	(v2sf) =	vpush v0, $0x0;
	_ =	sdelay $0xe  }
0x151: {  	s21 =	spop (v2sf)  }
0x152: {  	s16 =	sshll.u32 s21, $0x4  }
0x153: {  	s16 =	sand.u32 $0x1FFFFFF0, s16  }
0x154: {  	s22 =	simm.s32 $0x2380;
	s16 =	sadd.s32 s3, s16  }
0x155: {  	[tilespmem:s22], [sflag:$0x1] =	stream.linear.gather [hbm4b:s16+s2], $0x80, $0x38;
	[tilespmem:$0x12D80] =	vst v63  }
0x156: {  	v0 =	vld [tilespmem:$0x78A];
	_ =	sdelay $0x4  }
0x157: {  	(v2sf) =	vpush v0, $0x0;
	_ =	sdelay $0xe  }
0x158: {  	s23 =	spop (v2sf)  }
0x159: {  	s16 =	sshll.u32 s23, $0x4  }
0x15a: {  	s16 =	sand.u32 $0x1FFFFFF0, s16  }
0x15b: {  	s24 =	simm.s32 $0x2400;
	s16 =	sadd.s32 s3, s16  }
0x15c: {  	[tilespmem:s24], [sflag:$0x1] =	stream.linear.gather [hbm4b:s16+s2], $0x80, $0x38;
	[tilespmem:$0x12D80] =	vst v63  }
0x15d: {  	v0 =	vld [tilespmem:$0xA0A];
	_ =	sdelay $0x4  }
0x15e: {  	(v2sf) =	vpush v0, $0x0;
	_ =	sdelay $0xe  }
0x15f: {  	s25 =	spop (v2sf)  }
0x160: {  	s16 =	sshll.u32 s25, $0x4  }
0x161: {  	s16 =	sand.u32 $0x1FFFFFF0, s16  }
0x162: {  	s26 =	simm.s32 $0x2480;
	s16 =	sadd.s32 s3, s16  }
0x163: {  	[tilespmem:s26], [sflag:$0x1] =	stream.linear.gather [hbm4b:s16+s2], $0x80, $0x38;
	[tilespmem:$0x12D80] =	vst v63  }
0x164: {  	v0 =	vld [tilespmem:$0xB];
	_ =	sdelay $0x4  }
0x165: {  	(v2sf) =	vpush v0, $0x0;
	_ =	sdelay $0xe  }
0x166: {  	s17 =	spop (v2sf)  }
0x167: {  	s16 =	sshll.u32 s17, $0x4  }
0x168: {  	s16 =	sand.u32 $0x1FFFFFF0, s16  }
0x169: {  	s18 =	simm.s32 $0x2500;
	s16 =	sadd.s32 s3, s16  }
0x16a: {  	[tilespmem:s18], [sflag:$0x1] =	stream.linear.gather [hbm4b:s16+s2], $0x80, $0x38;
	[tilespmem:$0x12D80] =	vst v63  }
0x16b: {  	v0 =	vld [tilespmem:$0x28B];
	_ =	sdelay $0x4  }
0x16c: {  	(v2sf) =	vpush v0, $0x0;
	_ =	sdelay $0xe  }
0x16d: {  	s19 =	spop (v2sf)  }
0x16e: {  	s16 =	sshll.u32 s19, $0x4  }
0x16f: {  	s16 =	sand.u32 $0x1FFFFFF0, s16  }
0x170: {  	s20 =	simm.s32 $0x2580;
	s16 =	sadd.s32 s3, s16  }
0x171: {  	[tilespmem:s20], [sflag:$0x1] =	stream.linear.gather [hbm4b:s16+s2], $0x80, $0x38;
	[tilespmem:$0x12D80] =	vst v63  }
0x172: {  	v0 =	vld [tilespmem:$0x78B];
	_ =	sdelay $0x4  }
0x173: {  	(v2sf) =	vpush v0, $0x0;
	_ =	sdelay $0xe  }
0x174: {  	s21 =	spop (v2sf)  }
0x175: {  	s16 =	sshll.u32 s21, $0x4  }
0x176: {  	s16 =	sand.u32 $0x1FFFFFF0, s16  }
0x177: {  	s22 =	simm.s32 $0x2600;
	s16 =	sadd.s32 s3, s16  }
0x178: {  	[tilespmem:s22], [sflag:$0x1] =	stream.linear.gather [hbm4b:s16+s2], $0x80, $0x38;
	[tilespmem:$0x12D80] =	vst v63  }
0x179: {  	v0 =	vld [tilespmem:$0xA0B];
	_ =	sdelay $0x4  }
0x17a: {  	(v2sf) =	vpush v0, $0x0;
	_ =	sdelay $0xe  }
0x17b: {  	s23 =	spop (v2sf)  }
0x17c: {  	s16 =	sshll.u32 s23, $0x4  }
0x17d: {  	s16 =	sand.u32 $0x1FFFFFF0, s16  }
0x17e: {  	s24 =	simm.s32 $0x2680;
	s16 =	sadd.s32 s3, s16  }
0x17f: {  	[tilespmem:s24], [sflag:$0x1] =	stream.linear.gather [hbm4b:s16+s2], $0x80, $0x38;
	[tilespmem:$0x12D80] =	vst v63  }
0x180: {  	v0 =	vld [tilespmem:$0xC];
	_ =	sdelay $0x4  }
0x181: {  	(v2sf) =	vpush v0, $0x0;
	_ =	sdelay $0xe  }
0x182: {  	s25 =	spop (v2sf)  }
0x183: {  	s16 =	sshll.u32 s25, $0x4  }
0x184: {  	s16 =	sand.u32 $0x1FFFFFF0, s16  }
0x185: {  	s26 =	simm.s32 $0x2700;
	s16 =	sadd.s32 s3, s16  }
0x186: {  	[tilespmem:s26], [sflag:$0x1] =	stream.linear.gather [hbm4b:s16+s2], $0x80, $0x38;
	[tilespmem:$0x12D80] =	vst v63  }
0x187: {  	v0 =	vld [tilespmem:$0x28C];
	_ =	sdelay $0x4  }
0x188: {  	(v2sf) =	vpush v0, $0x0;
	_ =	sdelay $0xe  }
0x189: {  	s17 =	spop (v2sf)  }
0x18a: {  	s16 =	sshll.u32 s17, $0x4  }
0x18b: {  	s16 =	sand.u32 $0x1FFFFFF0, s16  }
0x18c: {  	s18 =	simm.s32 $0x2780;
	s16 =	sadd.s32 s3, s16  }
0x18d: {  	[tilespmem:s18], [sflag:$0x1] =	stream.linear.gather [hbm4b:s16+s2], $0x80, $0x38;
	[tilespmem:$0x12D80] =	vst v63  }
0x18e: {  	v0 =	vld [tilespmem:$0x78C];
	_ =	sdelay $0x4  }
0x18f: {  	(v2sf) =	vpush v0, $0x0;
	_ =	sdelay $0xe  }
0x190: {  	s19 =	spop (v2sf)  }
0x191: {  	s16 =	sshll.u32 s19, $0x4  }
0x192: {  	s16 =	sand.u32 $0x1FFFFFF0, s16  }
0x193: {  	s20 =	simm.s32 $0x2800;
	s16 =	sadd.s32 s3, s16  }
0x194: {  	[tilespmem:s20], [sflag:$0x1] =	stream.linear.gather [hbm4b:s16+s2], $0x80, $0x38;
	[tilespmem:$0x12D80] =	vst v63  }
0x195: {  	v0 =	vld [tilespmem:$0xA0C];
	_ =	sdelay $0x4  }
0x196: {  	(v2sf) =	vpush v0, $0x0;
	_ =	sdelay $0xe  }
0x197: {  	s21 =	spop (v2sf)  }
0x198: {  	s16 =	sshll.u32 s21, $0x4  }
0x199: {  	s16 =	sand.u32 $0x1FFFFFF0, s16  }
0x19a: {  	s22 =	simm.s32 $0x2880;
	s16 =	sadd.s32 s3, s16  }
0x19b: {  	[tilespmem:s22], [sflag:$0x1] =	stream.linear.gather [hbm4b:s16+s2], $0x80, $0x38;
	[tilespmem:$0x12D80] =	vst v63  }
0x19c: {  	v0 =	vld [tilespmem:$0xD];
	_ =	sdelay $0x4  }
0x19d: {  	(v2sf) =	vpush v0, $0x0;
	_ =	sdelay $0xe  }
0x19e: {  	s23 =	spop (v2sf)  }
0x19f: {  	s16 =	sshll.u32 s23, $0x4  }
0x1a0: {  	s16 =	sand.u32 $0x1FFFFFF0, s16  }
0x1a1: {  	s24 =	simm.s32 $0x2900;
	s16 =	sadd.s32 s3, s16  }
0x1a2: {  	[tilespmem:s24], [sflag:$0x1] =	stream.linear.gather [hbm4b:s16+s2], $0x80, $0x38;
	[tilespmem:$0x12D80] =	vst v63  }
0x1a3: {  	v0 =	vld [tilespmem:$0x28D];
	_ =	sdelay $0x4  }
0x1a4: {  	(v2sf) =	vpush v0, $0x0;
	_ =	sdelay $0xe  }
0x1a5: {  	s25 =	spop (v2sf)  }
0x1a6: {  	s16 =	sshll.u32 s25, $0x4  }
0x1a7: {  	s16 =	sand.u32 $0x1FFFFFF0, s16  }
0x1a8: {  	s26 =	simm.s32 $0x2980;
	s16 =	sadd.s32 s3, s16  }
0x1a9: {  	[tilespmem:s26], [sflag:$0x1] =	stream.linear.gather [hbm4b:s16+s2], $0x80, $0x38;
	[tilespmem:$0x12D80] =	vst v63  }
0x1aa: {  	v0 =	vld [tilespmem:$0x78D];
	_ =	sdelay $0x4  }
0x1ab: {  	(v2sf) =	vpush v0, $0x0;
	_ =	sdelay $0xe  }
0x1ac: {  	s17 =	spop (v2sf)  }
0x1ad: {  	s16 =	sshll.u32 s17, $0x4  }
0x1ae: {  	s16 =	sand.u32 $0x1FFFFFF0, s16  }
0x1af: {  	s18 =	simm.s32 $0x2A00;
	s16 =	sadd.s32 s3, s16  }
0x1b0: {  	[tilespmem:s18], [sflag:$0x1] =	stream.linear.gather [hbm4b:s16+s2], $0x80, $0x38;
	[tilespmem:$0x12D80] =	vst v63  }
0x1b1: {  	v0 =	vld [tilespmem:$0xA0D];
	_ =	sdelay $0x4  }
0x1b2: {  	(v2sf) =	vpush v0, $0x0;
	_ =	sdelay $0xe  }
0x1b3: {  	s19 =	spop (v2sf)  }
0x1b4: {  	s16 =	sshll.u32 s19, $0x4  }
0x1b5: {  	s16 =	sand.u32 $0x1FFFFFF0, s16  }
0x1b6: {  	s20 =	simm.s32 $0x2A80;
	s16 =	sadd.s32 s3, s16  }
0x1b7: {  	[tilespmem:s20], [sflag:$0x1] =	stream.linear.gather [hbm4b:s16+s2], $0x80, $0x38;
	[tilespmem:$0x12D80] =	vst v63  }
0x1b8: {  	v0 =	vld [tilespmem:$0xE];
	_ =	sdelay $0x4  }
0x1b9: {  	(v2sf) =	vpush v0, $0x0;
	_ =	sdelay $0xe  }
0x1ba: {  	s21 =	spop (v2sf)  }
0x1bb: {  	s16 =	sshll.u32 s21, $0x4  }
0x1bc: {  	s16 =	sand.u32 $0x1FFFFFF0, s16  }
0x1bd: {  	s22 =	simm.s32 $0x2B00;
	s16 =	sadd.s32 s3, s16  }
0x1be: {  	[tilespmem:s22], [sflag:$0x1] =	stream.linear.gather [hbm4b:s16+s2], $0x80, $0x38;
	[tilespmem:$0x12D80] =	vst v63  }
0x1bf: {  	v0 =	vld [tilespmem:$0x28E];
	_ =	sdelay $0x4  }
0x1c0: {  	(v2sf) =	vpush v0, $0x0;
	_ =	sdelay $0xe  }
0x1c1: {  	s23 =	spop (v2sf)  }
0x1c2: {  	s16 =	sshll.u32 s23, $0x4  }
0x1c3: {  	s16 =	sand.u32 $0x1FFFFFF0, s16  }
0x1c4: {  	s24 =	simm.s32 $0x2B80;
	s16 =	sadd.s32 s3, s16  }
0x1c5: {  	[tilespmem:s24], [sflag:$0x1] =	stream.linear.gather [hbm4b:s16+s2], $0x80, $0x38;
	[tilespmem:$0x12D80] =	vst v63  }
0x1c6: {  	v0 =	vld [tilespmem:$0x78E];
	_ =	sdelay $0x4  }
0x1c7: {  	(v2sf) =	vpush v0, $0x0;
	_ =	sdelay $0xe  }
0x1c8: {  	s25 =	spop (v2sf)  }
0x1c9: {  	s16 =	sshll.u32 s25, $0x4  }
0x1ca: {  	s16 =	sand.u32 $0x1FFFFFF0, s16  }
0x1cb: {  	s26 =	simm.s32 $0x2C00;
	s16 =	sadd.s32 s3, s16  }
0x1cc: {  	[tilespmem:s26], [sflag:$0x1] =	stream.linear.gather [hbm4b:s16+s2], $0x80, $0x38;
	[tilespmem:$0x12D80] =	vst v63  }
0x1cd: {  	v0 =	vld [tilespmem:$0xA0E];
	_ =	sdelay $0x4  }
0x1ce: {  	(v2sf) =	vpush v0, $0x0;
	_ =	sdelay $0xe  }
0x1cf: {  	s18 =	spop (v2sf)  }
0x1d0: {  	s16 =	sshll.u32 s18, $0x4  }
0x1d1: {  	s16 =	sand.u32 $0x1FFFFFF0, s16  }
0x1d2: {  	s19 =	simm.s32 $0x2C80;
	s16 =	sadd.s32 s3, s16  }
0x1d3: {  	[tilespmem:s19], [sflag:$0x1] =	stream.linear.gather [hbm4b:s16+s2], $0x80, $0x38;
	[tilespmem:$0x12D80] =	vst v63  }
0x1d4: {  	v0 =	vld [tilespmem:$0xF];
	_ =	sdelay $0x4  }
0x1d5: {  	(v2sf) =	vpush v0, $0x0;
	_ =	sdelay $0xe  }
0x1d6: {  	s20 =	spop (v2sf)  }
0x1d7: {  	s16 =	sshll.u32 s20, $0x4  }
0x1d8: {  	s16 =	sand.u32 $0x1FFFFFF0, s16  }
0x1d9: {  	s16 =	sadd.s32 s3, s16  }
0x1da: {  	[tilespmem:s28], [sflag:$0x1] =	stream.linear.gather [hbm4b:s16+s2], $0x80, $0x38;
	[tilespmem:$0x12D80] =	vst v63  }
0x1db: {  	v0 =	vld [tilespmem:$0x28F];
	_ =	sdelay $0x4  }
0x1dc: {  	(v2sf) =	vpush v0, $0x0;
	_ =	sdelay $0xe  }
0x1dd: {  	s21 =	spop (v2sf)  }
0x1de: {  	s16 =	sshll.u32 s21, $0x4  }
0x1df: {  	s16 =	sand.u32 $0x1FFFFFF0, s16  }
0x1e0: {  	s16 =	sadd.s32 s3, s16  }
0x1e1: {  	[tilespmem:s29], [sflag:$0x1] =	stream.linear.gather [hbm4b:s16+s2], $0x80, $0x38;
	[tilespmem:$0x12D80] =	vst v63  }
0x1e2: {  	v0 =	vld [tilespmem:$0x78F];
	_ =	sdelay $0x4  }
0x1e3: {  	(v2sf) =	vpush v0, $0x0;
	_ =	sdelay $0xe  }
0x1e4: {  	s22 =	spop (v2sf)  }
0x1e5: {  	s16 =	sshll.u32 s22, $0x4  }
0x1e6: {  	s16 =	sand.u32 $0x1FFFFFF0, s16  }
0x1e7: {  	s16 =	sadd.s32 s3, s16  }
0x1e8: {  	[tilespmem:s30], [sflag:$0x1] =	stream.linear.gather [hbm4b:s16+s2], $0x80, $0x38;
	[tilespmem:$0x12D80] =	vst v63  }
0x1e9: {  	v0 =	vld [tilespmem:$0xA0F];
	_ =	sdelay $0x4  }
0x1ea: {  	(v2sf) =	vpush v0, $0x0;
	_ =	sdelay $0xe  }
0x1eb: {  	s23 =	spop (v2sf)  }
0x1ec: {  	s16 =	sshll.u32 s23, $0x4  }
0x1ed: {  	s24 =	sand.u32 $0x1, s2;
	s16 =	sand.u32 $0x1FFFFFF0, s16  }
0x1ee: {  	p0 =	seq.s32 s24, $0x1;
	s16 =	sadd.s32 s3, s16  }
0x1ef: {  	[tilespmem:s31], [sflag:$0x1] =	stream.linear.gather [hbm4b:s16+s2], $0x80, $0x38;
	[tilespmem:$0x12D80] =	vst v63  }
0x1f0: {  	s16 =	simm.s32 @!p0 $0x1  }
0x1f1: {  	_ =	swait.ge @!p0 [sflag:s16], $0x400  }
0x1f2: {  	[sflag:s16] =	ssyncset.done @!p0 $0x0  }
0x1f3: {  	s25 =	simm.s32 $0x10;
	[sflag:s16] =	ssyncadd.s32 @!p0 $0xFFFFFC00  }
0x1f4: {  	v2 =	vld [tilespmem:s25+$0x4F0];
	_ =	sdelay $0x2  }
0x1f5: {  	s26 =	simm.s32 $0x0  }
0x1f6: {  	s17 =	sand.u32 $0x1E00, s26;
	v4 =	vld [tilespmem:s25+$0xC70]  }
0x1f7: {  	v1 =	vld [tilespmem:s17+$0x10B0];
	(v2sf) =	vpush v2, $0x0  }
0x1f8: {  	v3 =	vld [tilespmem:s17+$0x1080]  }
0x1f9: {  	v6 =	vld [tilespmem:s17+$0x1010]  }
0x1fa: {  	p0 =	por $0x0, $0x0;
	v2 =	vld [tilespmem:s17+$0x1090]  }
0x1fb: {  	s16 =	simm.s32 @!p0 $0x10;
	v12 =	vld [tilespmem:s17+$0x1000]  }
0x1fc: {  	v8 =	vld @!p0 [tilespmem:s16+$0x0];
	(v2sf) =	vpush v4, $0x0  }
0x1fd: {  	v0 =	vld [tilespmem:s17+$0x10A0]  }
0x1fe: {  	v5 =	vld [tilespmem:s17+$0x1020]  }
0x1ff: {  	v14 =	vld [tilespmem:s17+$0xF90];
	v9 =	vmul.f32 v3, v3;
	v7 =	vmul.f32 v2, v2  }
0x200: {  	v13 =	vmul.f32 v12, v12;
	v4 =	vld [tilespmem:s17+$0x1030]  }
0x201: {  	v15 =	vmul.f32 v6, v6;
	(v2sf) =	vpush @!p0 v8, $0x0;
	v11 =	vadd.f32 v7, v9;
	v9 =	vld [tilespmem:s17+$0xF80]  }
0x202: {  	v16 =	vld [tilespmem:s17+$0xFB0];
	v10 =	vmul.f32 v0, v0  }
0x203: {  	v28 =	vmul.f32 v5, v5;
	v27 =	vadd.f32 v15, v13;
	v7 =	vld [tilespmem:s17+$0xFA0]  }
0x204: {  	v18 =	vld [tilespmem:s17+$0xF00];
	v17 =	vmul.f32 v1, v1;
	v10 =	vadd.f32 v10, v11  }
0x205: {  	v15 =	vld [tilespmem:s17+$0xF10];
	v30 =	vadd.f32 v28, v27;
	v31 =	vmul.f32 v4, v4  }
0x206: {  	v21 =	vld [tilespmem:s17+$0xF30];
	v32 =	vmul.f32 v14, v14;
	v29 =	vadd.f32 v17, v10;
	v19 =	vmul.f32 v9, v9;
	s18 =	spop (v2sf)  }
0x207: {  	v33 =	vadd.f32 v31, v30;
	v17 =	vld [tilespmem:s17+$0xF20];
	s18 =	sshll.u32 s18, $0x6  }
0x208: {  	v35 =	vmul.f32 v7, v7;
	(xrf2) =	vadd.scan.msk.f32 $0xffff, v29;
	v34 =	vadd.f32 v32, v19;
	v19 =	vld [tilespmem:s18+$0x2F00]  }
0x209: {  	v37 =	vmul.f32 v16, v16;
	(xrf2) =	vadd.scan.msk.f32 $0xffff, v33;
	v22 =	vld [tilespmem:s18+$0x2F10]  }
0x20a: {  	v39 =	vmul.f32 v18, v18;
	v38 =	vmul.f32 v15, v15;
	v36 =	vadd.f32 v35, v34  }
0x20b: {  	s19 =	spop (v2sf);
	v20 =	vld [tilespmem:s18+$0x2F20]  }
0x20c: {  	v13 =	vadd.f32 v38, v39;
	v24 =	vmul.f32 v17, v17;
	s19 =	sshll.u32 s19, $0x6;
	v23 =	vld [tilespmem:s18+$0x2F30];
	v8 =	vadd.f32 v37, v36  }
0x20d: {  	v25 =	vmul.f32 v21, v21;
	v10 =	vld [tilespmem:s19+$0x2F00]  }
0x20e: {  	v11 =	vld [tilespmem:s19+$0x2F10];
	v24 =	vadd.f32 v24, v13;
	(xrf2) =	vadd.scan.msk.f32 $0xffff, v8;
	v26 =	vmul.f32 v19, v19;
	v27 =	vmul.f32 v22, v22;
	_ =	sdelay $0x1  }
0x20f: {  	s18 =	spop @!p0 (v2sf);
	v13 =	vld [tilespmem:s19+$0x2F20];
	v24 =	vadd.f32 v25, v24;
	v28 =	vmul.f32 v20, v20;
	v26 =	vadd.f32 v27, v26  }
0x210: {  	s18 =	sshll.u32 @!p0 s18, $0x4;
	v8 =	vld [tilespmem:s19+$0x2F30]  }
0x211: {  	s18 =	sand.u32 @!p0 $0x1FFFFFF0, s18;
	v30 =	vmul.f32 v23, v23;
	v29, _, _ =	vpop (xrf2);
	(xrf2) =	vadd.scan.msk.f32 $0xffff, v24;
	v26 =	vadd.f32 v28, v26  }
0x212: {  	s20 =	sadd.s32 $0xF00, s17;
	s19 =	sadd.s32 @!p0 s3, s18;
	s18 =	simm.s32 @!p0 $0x0;
	v41 =	vmul.f32 v10, v10;
	v42 =	vmul.f32 v11, v11;
	v40 =	vmax.f32 v29, $9.999999960e-13;
	v43, _, _ =	vpop (xrf2)  }
0x213: {  	[tilespmem:s20], [sflag:$0x1] =	stream.linear.gather @!p0 [hbm4b:s19+s18], $0x80, $0x38;
	v25 =	vbroadcast v40, $0xF;
	v24 =	vmax.f32 v43, $9.999999960e-13;
	v26 =	vadd.f32 v30, v26;
	[tilespmem:$0x12D80] =	vst v63  }
0x214: {  	v44 =	vmul.f32 v13, v13;
	v29 =	vld @!p0 [tilespmem:s16+$0x280];
	v24 =	vbroadcast v24, $0xF  }
0x215: {  	v31 =	vmul.f32 v8, v8;
	v27 =	vadd.f32 v42, v41;
	v32 =	vshra.s32 v25, $0x1;
	(xrf2) =	vadd.scan.msk.f32 $0xffff, v26  }
0x216: {  	v25 =	vmul.f32 $5.000000000e-01, v25;
	v45 =	vshra.s32 v24, $0x1;
	v24 =	vmul.f32 $5.000000000e-01, v24  }
0x217: {  	v27 =	vadd.f32 v44, v27;
	v32 =	vsub.s32 $0x5F3759DF, v32;
	v30 =	vsub.s32 $0x5F3759DF, v45;
	v33, _, _ =	vpop (xrf2)  }
0x218: {  	v48 =	vmul.f32 v32, v25;
	v47 =	vmul.f32 v30, v24;
	v46 =	vmax.f32 v33, $9.999999960e-13  }
0x219: {  	v27 =	vadd.f32 v31, v27;
	(v2sf) =	vpush @!p0 v29, $0x0;
	v26 =	vbroadcast v46, $0xF  }
0x21a: {  	v33 =	vmul.f32 v30, v47  }
0x21b: {  	v28 =	vmul.f32 v32, v48;
	v52, _, _ =	vpop (xrf2);
	(xrf2) =	vadd.scan.msk.f32 $0xffff, v27;
	v49 =	vshra.s32 v26, $0x1;
	v26 =	vmul.f32 $5.000000000e-01, v26  }
0x21c: {  	v51 =	vsub.f32 $1.500000000e+00, v33;
	v53 =	vmax.f32 v52, $9.999999960e-13;
	v50 =	vsub.s32 $0x5F3759DF, v49  }
0x21d: {  	v28 =	vsub.f32 $1.500000000e+00, v28;
	v27 =	vbroadcast v53, $0xF;
	v54 =	vmul.f32 v50, v26  }
0x21e: {  	v30 =	vmul.f32 v30, v51  }
0x21f: {  	v28 =	vmul.f32 v32, v28;
	v56 =	vshra.s32 v27, $0x1;
	v55 =	vmul.f32 v50, v54;
	v35, _, _ =	vpop (xrf2)  }
0x220: {  	v27 =	vmul.f32 $5.000000000e-01, v27;
	v57 =	vmul.f32 v30, v24;
	v35 =	vmax.f32 v35, $9.999999960e-13  }
0x221: {  	v32 =	vsub.s32 $0x5F3759DF, v56;
	v31 =	vsub.f32 $1.500000000e+00, v55;
	v58 =	vbroadcast v35, $0xF  }
0x222: {  	v36 =	vmul.f32 v32, v27;
	v33 =	vmul.f32 v57, v30  }
0x223: {  	v29 =	vmul.f32 v50, v31;
	v60 =	vshra.s32 v58, $0x1;
	v31 =	vmul.f32 $5.000000000e-01, v58  }
0x224: {  	v59 =	vmul.f32 v32, v36;
	v33 =	vsub.f32 $1.500000000e+00, v33;
	v36 =	vsub.s32 $0x5F3759DF, v60  }
0x225: {  	v38, _, _ =	vpop (xrf2);
	v62 =	vmul.f32 v36, v31  }
0x226: {  	v37 =	vmul.f32 v29, v26;
	v30 =	vmul.f32 v33, v30;
	v61 =	vmax.f32 v38, $9.999999960e-13  }
0x227: {  	v33 =	vbroadcast v61, $0xF;
	v42 =	vmul.f32 v36, v62  }
0x228: {  	v35 =	vsub.f32 $1.500000000e+00, v59;
	s19 =	spop @!p0 (v2sf);
	v63 =	vmul.f32 v37, v29  }
0x229: {  	s19 =	sshll.u32 @!p0 s19, $0x4;
	v39 =	vshra.s32 v33, $0x1;
	v33 =	vmul.f32 $5.000000000e-01, v33;
	v37 =	vsub.f32 $1.500000000e+00, v42  }
0x22a: {  	v32 =	vmul.f32 v32, v35;
	s19 =	sand.u32 @!p0 $0x1FFFFFF0, s19;
	v39 =	vsub.s32 $0x5F3759DF, v39  }
0x22b: {  	s20 =	sadd.s32 $0xF80, s17;
	s19 =	sadd.s32 @!p0 s3, s19;
	v40 =	vmul.f32 v39, v33;
	v44 =	vmul.f32 v36, v37  }
0x22c: {  	v43 =	vmul.f32 v32, v27;
	[tilespmem:s20], [sflag:$0x1] =	stream.linear.gather @!p0 [hbm4b:s19+s18], $0x80, $0x38;
	[tilespmem:$0x12D80] =	vst v63  }
0x22d: {  	v46 =	vmul.f32 v39, v40;
	v40 =	vld @!p0 [tilespmem:s16+$0x780];
	v47 =	vmul.f32 v44, v31  }
0x22e: {  	v38 =	vmul.f32 v43, v32  }
0x22f: {  	v35 =	vsub.f32 $1.500000000e+00, v63;
	v49 =	vmul.f32 v47, v44  }
0x230: {  	v45 =	vsub.f32 $1.500000000e+00, v38  }
0x231: {  	v29 =	vmul.f32 v35, v29;
	v50 =	vsub.f32 $1.500000000e+00, v49  }
0x232: {  	v32 =	vmul.f32 v45, v32;
	(v2sf) =	vpush @!p0 v40, $0x0  }
0x233: {  	v26 =	vmul.f32 v29, v26;
	v52 =	vmul.f32 v50, v44  }
0x234: {  	v27 =	vmul.f32 v32, v27  }
0x235: {  	v26 =	vmul.f32 v26, v29;
	v31 =	vmul.f32 v52, v31  }
0x236: {  	v34 =	vmul.f32 v28, v25;
	v27 =	vmul.f32 v27, v32  }
0x237: {  	v26 =	vsub.f32 $1.500000000e+00, v26;
	v31 =	vmul.f32 v31, v52  }
0x238: {  	v34 =	vmul.f32 v34, v28;
	v48 =	vsub.f32 $1.500000000e+00, v46;
	v27 =	vsub.f32 $1.500000000e+00, v27  }
0x239: {  	v24 =	vmul.f32 v30, v24;
	v26 =	vmul.f32 v26, v29;
	v31 =	vsub.f32 $1.500000000e+00, v31  }
0x23a: {  	v36 =	vmul.f32 v39, v48;
	v27 =	vmul.f32 v27, v32  }
0x23b: {  	v14 =	vmul.f32 v26, v14;
	v29 =	vmul.f32 v31, v52  }
0x23c: {  	v18 =	vmul.f32 v27, v18;
	v15 =	vmul.f32 v27, v15  }
0x23d: {  	v19 =	vmul.f32 v29, v19;
	v22 =	vmul.f32 v29, v22  }
0x23e: {  	v34 =	vsub.f32 $1.500000000e+00, v34;
	v17 =	vmul.f32 v27, v17;
	v20 =	vmul.f32 v29, v20  }
0x23f: {  	v9 =	vmul.f32 v26, v9;
	v18 =	vadd.f32 v19, v18;
	v15 =	vadd.f32 v22, v15  }
0x240: {  	v24 =	vmul.f32 v24, v30;
	v51 =	vmul.f32 v36, v33;
	v17 =	vadd.f32 v20, v17  }
0x241: {  	v7 =	vmul.f32 v26, v7;
	s19 =	spop @!p0 (v2sf);
	v9 =	vsub.f32 v18, v9;
	v14 =	vsub.f32 v15, v14  }
0x242: {  	v28 =	vmul.f32 v34, v28;
	v24 =	vsub.f32 $1.500000000e+00, v24;
	v53 =	vmul.f32 v51, v36;
	s19 =	sshll.u32 @!p0 s19, $0x4  }
0x243: {  	s19 =	sand.u32 @!p0 $0x1FFFFFF0, s19;
	v7 =	vsub.f32 v17, v7;
	v9 =	vand.u32 $0x7FFFFFFF, v9;
	v14 =	vand.u32 $0x7FFFFFFF, v14  }
0x244: {  	s20 =	sadd.s32 $0x1000, s17;
	v24 =	vmul.f32 v24, v30;
	v30 =	vsub.f32 $1.500000000e+00, v53;
	s19 =	sadd.s32 @!p0 s3, s19;
	v9 =	vadd.f32 v14, v9  }
0x245: {  	v25 =	vmul.f32 v28, v25;
	[tilespmem:s20], [sflag:$0x1] =	stream.linear.gather @!p0 [hbm4b:s19+s18], $0x80, $0x38;
	v7 =	vand.u32 $0x7FFFFFFF, v7;
	[tilespmem:$0x12D80] =	vst v63  }
0x246: {  	v30 =	vmul.f32 v30, v36;
	v7 =	vadd.f32 v9, v7;
	v9 =	vld @!p0 [tilespmem:s16+$0xA00]  }
0x247: {  	v25 =	vmul.f32 v25, v28  }
0x248: {  	v54 =	vmul.f32 v30, v33  }
0x249: {  	v25 =	vsub.f32 $1.500000000e+00, v25;
	v21 =	vmul.f32 v27, v21  }
0x24a: {  	v56 =	vmul.f32 v54, v30;
	v55 =	vmul.f32 v29, v23  }
0x24b: {  	v57 =	vmul.f32 v25, v28;
	(v2sf) =	vpush @!p0 v9, $0x0  }
0x24c: {  	v16 =	vmul.f32 v26, v16;
	v59 =	vsub.f32 $1.500000000e+00, v56;
	v58 =	vadd.f32 v55, v21  }
0x24d: {  	v3 =	vmul.f32 v57, v3  }
0x24e: {  	v2 =	vmul.f32 v57, v2;
	v60 =	vmul.f32 v59, v30;
	v61 =	vsub.f32 v58, v16  }
0x24f: {  	v12 =	vmul.f32 v24, v12;
	v6 =	vmul.f32 v24, v6  }
0x250: {  	v10 =	vmul.f32 v60, v10;
	v11 =	vmul.f32 v60, v11;
	v14 =	vand.u32 $0x7FFFFFFF, v61  }
0x251: {  	v5 =	vmul.f32 v24, v5;
	v13 =	vmul.f32 v60, v13;
	v7 =	vadd.f32 v7, v14  }
0x252: {  	v62 =	vmul.f32 v57, v0;
	v10 =	vadd.f32 v10, v12;
	v6 =	vadd.f32 v11, v6  }
0x253: {  	v4 =	vmul.f32 v24, v4;
	v8 =	vmul.f32 v60, v8;
	v5 =	vadd.f32 v13, v5;
	(xrf2) =	vadd.scan.msk.f32 $0xffff, v7  }
0x254: {  	v3 =	vsub.f32 v10, v3;
	v2 =	vsub.f32 v6, v2  }
0x255: {  	v63 =	vmul.f32 v57, v1;
	v4 =	vadd.f32 v8, v4;
	v5 =	vsub.f32 v5, v62  }
0x256: {  	s21 =	simm.s32 $0x48;
	s22 =	simm.s32 $0x0;
	v0 =	vimm.f32 $0.0e+00;
	v1 =	vand.u32 $0x7FFFFFFF, v3;
	v2 =	vand.u32 $0x7FFFFFFF, v2  }
0x257: {  	s19 =	simm.s32 $0x44;
	s20 =	simm.s32 $0x0;
	v3 =	vand.u32 $0x7FFFFFFF, v5;
	s16 =	simm.s32 $0x1;
	v1 =	vadd.f32 v2, v1;
	v2 =	vsub.f32 v4, v63  }
.LBB2_2:
0x258: {  	s23 =	sand.u32 $0x1, s16  }
0x259: {  	v1 =	vadd.f32 v1, v3;
	v2 =	vand.u32 $0x7FFFFFFF, v2;
	s20 =	sadd.s32 $0x800, s20;
	s24 =	smov.u32 s21;
	s21 =	sadd.s32 $0x4, s21  }
0x25a: {  	p1 =	sne.s32 s21, $0x840;
	p2 =	seq.s32 s23, $0x1;
	s23 =	spop @!p0 (v2sf)  }
0x25b: {  	s23 =	sshll.u32 @!p0 s23, $0x4;
	v1 =	vadd.f32 v1, v2;
	v2 =	vmov s22;
	s22 =	smov.u32 s16  }
0x25c: {  	s23 =	sand.u32 @!p0 $0x1FFFFFF0, s23  }
0x25d: {  	s17 =	sadd.s32 $0x1080, s17;
	s23 =	sadd.s32 @!p0 s3, s23;
	v3, _, _ =	vpop (xrf2);
	(xrf2) =	vadd.scan.msk.f32 $0xffff, v1  }
0x25e: {  	[tilespmem:s17], [sflag:$0x1] =	stream.linear.gather @!p0 [hbm4b:s23+s18], $0x80, $0x38;
	v1 =	vbroadcast v3, $0xF;
	[tilespmem:$0x12D80] =	vst v63  }
0x25f: {  	_ = 	snop  }
0x260: {  	s17 =	simm.s32 @!p2 $0x1;
	[tilespmem:v2+s0+$0x0] =	vst.idx.msk $0x1, v1  }
0x261: {  	_ =	swait.ge @!p2 [sflag:s17], $0x400  }
0x262: {  	[sflag:s17] =	ssyncset.done @!p2 $0x0  }
0x263: {  	s18 =	sshra.s32 s19, $0x2;
	[sflag:s17] =	ssyncadd.s32 @!p2 $0xFFFFFC00  }
0x264: {  	v1 =	vld [tilespmem:s18+$0x4F0];
	_ =	sdelay $0x1  }
0x265: {  	s17 =	sshrl.u32 s20, $0x2  }
0x266: {  	p0 =	sgt.u32 s16, $0x1EF;
	s17 =	sand.u32 $0x1E00, s17;
	v5 =	vld [tilespmem:s18+$0xC70];
	v4, _, _ =	vpop (xrf2)  }
0x267: {  	s23 =	sshra.s32 @!p0 s19, $0x2;
	s19 =	smov.u32 s24;
	v2 =	vld [tilespmem:s17+$0x10B0];
	v3 =	vsub.f32 v3, v4  }
0x268: {  	v6 =	vld @!p0 [tilespmem:s23+$0x0];
	(v2sf) =	vpush v1, $0x0  }
0x269: {  	v1 =	vld [tilespmem:s17+$0x10A0];
	v7 =	vadd.f32 $1.000000000e+00, v3  }
0x26a: {  	v3 =	vld [tilespmem:s17+$0x1090]  }
0x26b: {  	v4 =	vld [tilespmem:s17+$0x1080];
	(v2sf) =	vpush v5, $0x0;
	v5 =	vmax.f32 v7, $0.0e+00  }
0x26c: {  	v10 =	vld [tilespmem:s17+$0x1010];
	v8 =	vbroadcast v5, $0xF  }
0x26d: {  	v5 =	vld [tilespmem:s17+$0x1030];
	(v2sf) =	vpush @!p0 v6, $0x0  }
0x26e: {  	v7 =	vld [tilespmem:s17+$0x1020];
	v0 =	vadd.f32 v8, v0  }
0x26f: {  	v19 =	vld [tilespmem:s17+$0x1000];
	v6 =	vmul.f32 v3, v3  }
0x270: {  	v12 =	vld [tilespmem:s17+$0xF30];
	v8 =	vmul.f32 v4, v4  }
0x271: {  	v15 =	vld [tilespmem:s17+$0xFB0]  }
0x272: {  	v11 =	vld [tilespmem:s17+$0xFA0];
	v6 =	vadd.f32 v6, v8;
	v8 =	vmul.f32 v1, v1  }
0x273: {  	v9 =	vmul.f32 v2, v2;
	v22 =	vld [tilespmem:s17+$0xF90]  }
0x274: {  	v16 =	vmul.f32 v10, v10;
	v14 =	vld [tilespmem:s17+$0xF80];
	v13 =	vmul.f32 v19, v19;
	v6 =	vadd.f32 v8, v6  }
0x275: {  	v20 =	vld [tilespmem:s17+$0xF20]  }
0x276: {  	v17 =	vld [tilespmem:s17+$0xF10];
	v8 =	vadd.f32 v16, v13;
	v13 =	vmul.f32 v7, v7;
	v6 =	vadd.f32 v9, v6  }
0x277: {  	v23 =	vld [tilespmem:s17+$0xF00];
	s18 =	spop (v2sf)  }
0x278: {  	v16 =	vmul.f32 v5, v5;
	s18 =	sshll.u32 s18, $0x6;
	v9 =	vmul.f32 v22, v22;
	v8 =	vadd.f32 v13, v8;
	(xrf2) =	vadd.scan.msk.f32 $0xffff, v6  }
0x279: {  	v13 =	vld [tilespmem:s18+$0x2F30];
	v6 =	vmul.f32 v14, v14  }
0x27a: {  	v18 =	vld [tilespmem:s18+$0x2F20];
	v16 =	vadd.f32 v16, v8;
	s24 =	spop (v2sf)  }
0x27b: {  	v24 =	vmul.f32 v11, v11;
	v21 =	vld [tilespmem:s18+$0x2F00];
	s24 =	sshll.u32 s24, $0x6;
	v25 =	vmul.f32 v17, v17;
	v9 =	vadd.f32 v9, v6  }
0x27c: {  	v8 =	vld [tilespmem:s24+$0x2F00];
	s25 =	spop @!p0 (v2sf);
	(xrf2) =	vadd.scan.msk.f32 $0xffff, v16  }
0x27d: {  	v26 =	vmul.f32 v15, v15;
	v6 =	vld [tilespmem:s24+$0x2F30];
	s25 =	sshll.u32 @!p0 s25, $0x4;
	v16 =	vadd.f32 v24, v9  }
0x27e: {  	v27 =	vmul.f32 v23, v23;
	v9 =	vld [tilespmem:s24+$0x2F20];
	s25 =	sand.u32 @!p0 $0x1FFFFFF0, s25  }
0x27f: {  	v24 =	vld [tilespmem:s18+$0x2F10];
	s25 =	sadd.s32 @!p0 s3, s25;
	v26 =	vadd.f32 v26, v16;
	v28 =	vmul.f32 v18, v18  }
0x280: {  	s26 =	sadd.s32 $0xF00, s17;
	v25 =	vadd.f32 v25, v27;
	v27 =	vmul.f32 v20, v20;
	s18 =	simm.s32 @!p0 $0x0;
	v16 =	vld [tilespmem:s24+$0x2F10]  }
0x281: {  	[tilespmem:s26], [sflag:$0x1] =	stream.linear.gather @!p0 [hbm4b:s25+s18], $0x80, $0x38;
	[tilespmem:$0x12D80] =	vst v63  }
0x282: {  	(xrf2) =	vadd.scan.msk.f32 $0xffff, v26  }
0x283: {  	v25 =	vadd.f32 v27, v25;
	v27 =	vmul.f32 v12, v12;
	v26 =	vld @!p0 [tilespmem:s23+$0x280];
	v29, _, _ =	vpop (xrf2)  }
0x284: {  	v30 =	vmul.f32 v21, v21;
	v29 =	vmax.f32 v29, $9.999999960e-13  }
0x285: {  	v34 =	vadd.f32 v27, v25;
	v27 =	vmul.f32 v8, v8  }
0x286: {  	v29 =	vbroadcast v29, $0xF;
	v31 =	vmul.f32 v24, v24  }
0x287: {  	v33 =	vmul.f32 v9, v9;
	v32 =	vmul.f32 v16, v16;
	(xrf2) =	vadd.scan.msk.f32 $0xffff, v34;
	v25, _, _ =	vpop (xrf2)  }
0x288: {  	v30 =	vadd.f32 v31, v30;
	v31 =	vmul.f32 v13, v13;
	v25 =	vmax.f32 v25, $9.999999960e-13  }
0x289: {  	v35 =	vmul.f32 v6, v6;
	v34 =	vbroadcast v25, $0xF;
	(v2sf) =	vpush @!p0 v26, $0x0  }
0x28a: {  	v26 =	vshra.s32 v29, $0x1;
	v25 =	vmul.f32 $5.000000000e-01, v29;
	v28 =	vadd.f32 v28, v30  }
0x28b: {  	v27 =	vadd.f32 v32, v27;
	v29 =	vshra.s32 v34, $0x1;
	v30 =	vmul.f32 $5.000000000e-01, v34  }
0x28c: {  	v26 =	vsub.s32 $0x5F3759DF, v26;
	v28 =	vadd.f32 v31, v28;
	v29 =	vsub.s32 $0x5F3759DF, v29;
	v31, _, _ =	vpop (xrf2)  }
0x28d: {  	v27 =	vadd.f32 v33, v27;
	v31 =	vmax.f32 v31, $9.999999960e-13;
	v32 =	vmul.f32 v29, v30  }
0x28e: {  	v33 =	vmul.f32 v26, v25;
	v31 =	vbroadcast v31, $0xF;
	(xrf2) =	vadd.scan.msk.f32 $0xffff, v28  }
0x28f: {  	v27 =	vadd.f32 v35, v27;
	v28 =	vmul.f32 v29, v32  }
0x290: {  	v33 =	vmul.f32 v26, v33;
	v32 =	vshra.s32 v31, $0x1;
	v31 =	vmul.f32 $5.000000000e-01, v31  }
0x291: {  	v32 =	vsub.s32 $0x5F3759DF, v32;
	v28 =	vsub.f32 $1.500000000e+00, v28;
	v34, _, _ =	vpop (xrf2);
	(xrf2) =	vadd.scan.msk.f32 $0xffff, v27  }
0x292: {  	v33 =	vsub.f32 $1.500000000e+00, v33;
	v27 =	vmax.f32 v34, $9.999999960e-13;
	v34 =	vmul.f32 v32, v31  }
0x293: {  	v27 =	vbroadcast v27, $0xF;
	v28 =	vmul.f32 v29, v28  }
0x294: {  	v26 =	vmul.f32 v26, v33;
	v29 =	vmul.f32 v32, v34  }
0x295: {  	v33 =	vshra.s32 v27, $0x1;
	v27 =	vmul.f32 $5.000000000e-01, v27;
	v34 =	vmul.f32 v28, v30  }
0x296: {  	v37 =	vmul.f32 v26, v25;
	v33 =	vsub.s32 $0x5F3759DF, v33;
	v29 =	vsub.f32 $1.500000000e+00, v29  }
0x297: {  	v36 =	vmul.f32 v33, v27;
	v34 =	vmul.f32 v34, v28  }
0x298: {  	v29 =	vmul.f32 v32, v29;
	v32 =	vmul.f32 v37, v26;
	s24 =	spop @!p0 (v2sf);
	v35, _, _ =	vpop (xrf2)  }
0x299: {  	s24 =	sshll.u32 @!p0 s24, $0x4;
	v36 =	vmul.f32 v33, v36;
	v38 =	vsub.f32 $1.500000000e+00, v34;
	v35 =	vmax.f32 v35, $9.999999960e-13  }
0x29a: {  	s24 =	sand.u32 @!p0 $0x1FFFFFF0, s24;
	v37 =	vmul.f32 v29, v31;
	v32 =	vsub.f32 $1.500000000e+00, v32;
	v35 =	vbroadcast v35, $0xF  }
0x29b: {  	s25 =	sadd.s32 $0xF80, s17;
	s24 =	sadd.s32 @!p0 s3, s24;
	v36 =	vsub.f32 $1.500000000e+00, v36;
	v28 =	vmul.f32 v38, v28;
	v34, _, _ =	vpop (xrf2)  }
0x29c: {  	[tilespmem:s25], [sflag:$0x1] =	stream.linear.gather @!p0 [hbm4b:s24+s18], $0x80, $0x38;
	v38 =	vshra.s32 v35, $0x1;
	v35 =	vmul.f32 $5.000000000e-01, v35;
	v34 =	vmax.f32 v34, $9.999999960e-13;
	[tilespmem:$0x12D80] =	vst v63  }
0x29d: {  	v39 =	vld @!p0 [tilespmem:s23+$0x780];
	v33 =	vmul.f32 v33, v36;
	v36 =	vsub.s32 $0x5F3759DF, v38;
	v34 =	vbroadcast v34, $0xF  }
0x29e: {  	v37 =	vmul.f32 v37, v29;
	v38 =	vmul.f32 v36, v35  }
0x29f: {  	v40 =	vmul.f32 v33, v27;
	v41 =	vshra.s32 v34, $0x1;
	v34 =	vmul.f32 $5.000000000e-01, v34  }
0x2a0: {  	v37 =	vsub.f32 $1.500000000e+00, v37;
	v38 =	vmul.f32 v36, v38;
	v41 =	vsub.s32 $0x5F3759DF, v41  }
0x2a1: {  	v40 =	vmul.f32 v40, v33;
	v42 =	vmul.f32 v41, v34  }
0x2a2: {  	v29 =	vmul.f32 v37, v29;
	v37 =	vsub.f32 $1.500000000e+00, v38;
	(v2sf) =	vpush @!p0 v39, $0x0  }
0x2a3: {  	v30 =	vmul.f32 v28, v30;
	v38 =	vsub.f32 $1.500000000e+00, v40;
	v39 =	vmul.f32 v41, v42  }
0x2a4: {  	v31 =	vmul.f32 v29, v31;
	v36 =	vmul.f32 v36, v37  }
0x2a5: {  	v30 =	vmul.f32 v30, v28;
	v33 =	vmul.f32 v38, v33;
	v37 =	vsub.f32 $1.500000000e+00, v39  }
0x2a6: {  	v31 =	vmul.f32 v31, v29;
	v38 =	vmul.f32 v36, v35  }
0x2a7: {  	v30 =	vsub.f32 $1.500000000e+00, v30;
	v27 =	vmul.f32 v33, v27;
	v37 =	vmul.f32 v41, v37  }
0x2a8: {  	v26 =	vmul.f32 v32, v26;
	v31 =	vsub.f32 $1.500000000e+00, v31;
	v32 =	vmul.f32 v38, v36  }
0x2a9: {  	v27 =	vmul.f32 v27, v33;
	v38 =	vmul.f32 v37, v34  }
0x2aa: {  	v28 =	vmul.f32 v30, v28;
	v29 =	vmul.f32 v31, v29;
	v30 =	vsub.f32 $1.500000000e+00, v32  }
0x2ab: {  	v25 =	vmul.f32 v26, v25;
	v27 =	vsub.f32 $1.500000000e+00, v27;
	v31 =	vmul.f32 v38, v37  }
0x2ac: {  	v19 =	vmul.f32 v28, v19;
	v30 =	vmul.f32 v30, v36  }
0x2ad: {  	v22 =	vmul.f32 v29, v22;
	v27 =	vmul.f32 v27, v33;
	v31 =	vsub.f32 $1.500000000e+00, v31  }
0x2ae: {  	v10 =	vmul.f32 v28, v10;
	v32 =	vmul.f32 v30, v35  }
0x2af: {  	v15 =	vmul.f32 v29, v15;
	v23 =	vmul.f32 v27, v23  }
0x2b0: {  	v12 =	vmul.f32 v27, v12;
	v32 =	vmul.f32 v32, v30  }
0x2b1: {  	v31 =	vmul.f32 v31, v37;
	v20 =	vmul.f32 v27, v20;
	s24 =	spop @!p0 (v2sf)  }
0x2b2: {  	v14 =	vmul.f32 v29, v14;
	v11 =	vmul.f32 v29, v11;
	s24 =	sshll.u32 @!p0 s24, $0x4;
	v32 =	vsub.f32 $1.500000000e+00, v32  }
0x2b3: {  	v7 =	vmul.f32 v28, v7;
	v17 =	vmul.f32 v27, v17;
	s24 =	sand.u32 @!p0 $0x1FFFFFF0, s24  }
0x2b4: {  	s25 =	sadd.s32 $0x1000, s17;
	v29 =	vmul.f32 v31, v34;
	s24 =	sadd.s32 @!p0 s3, s24;
	v27 =	vmul.f32 v32, v30  }
0x2b5: {  	v25 =	vmul.f32 v25, v26;
	v5 =	vmul.f32 v28, v5;
	[tilespmem:s25], [sflag:$0x1] =	stream.linear.gather @!p0 [hbm4b:s24+s18], $0x80, $0x38;
	[tilespmem:$0x12D80] =	vst v63  }
0x2b6: {  	v28 =	vld @!p0 [tilespmem:s23+$0xA00];
	v21 =	vmul.f32 v27, v21;
	v24 =	vmul.f32 v27, v24  }
0x2b7: {  	v25 =	vsub.f32 $1.500000000e+00, v25;
	v18 =	vmul.f32 v27, v18;
	v13 =	vmul.f32 v27, v13  }
0x2b8: {  	v27 =	vmul.f32 v29, v31;
	v21 =	vadd.f32 v21, v23;
	v17 =	vadd.f32 v24, v17  }
0x2b9: {  	v23 =	vmul.f32 v25, v26;
	v18 =	vadd.f32 v18, v20;
	v12 =	vadd.f32 v13, v12  }
0x2ba: {  	v13 =	vsub.f32 v21, v14;
	v14 =	vsub.f32 v17, v22  }
0x2bb: {  	v17 =	vsub.f32 $1.500000000e+00, v27;
	v4 =	vmul.f32 v23, v4;
	(v2sf) =	vpush @!p0 v28, $0x0  }
0x2bc: {  	v11 =	vsub.f32 v18, v11;
	v13 =	vand.u32 $0x7FFFFFFF, v13;
	v14 =	vand.u32 $0x7FFFFFFF, v14  }
0x2bd: {  	v17 =	vmul.f32 v17, v31;
	v13 =	vadd.f32 v14, v13  }
0x2be: {  	v12 =	vsub.f32 v12, v15;
	v2 =	vmul.f32 v23, v2;
	v11 =	vand.u32 $0x7FFFFFFF, v11  }
0x2bf: {  	v8 =	vmul.f32 v17, v8;
	v14 =	vmul.f32 v17, v16;
	v11 =	vadd.f32 v13, v11  }
0x2c0: {  	v3 =	vmul.f32 v23, v3;
	v12 =	vand.u32 $0x7FFFFFFF, v12;
	v9 =	vmul.f32 v17, v9  }
0x2c1: {  	v1 =	vmul.f32 v23, v1;
	v8 =	vadd.f32 v8, v19;
	v11 =	vadd.f32 v11, v12  }
0x2c2: {  	v6 =	vmul.f32 v17, v6;
	v10 =	vadd.f32 v14, v10;
	v7 =	vadd.f32 v9, v7  }
0x2c3: {  	v4 =	vsub.f32 v8, v4;
	(xrf2) =	vadd.scan.msk.f32 $0xffff, v11  }
.Ltmp0:
0x2c4: {  	v3 =	vsub.f32 v10, v3;
	v7 =	vsub.f32 v7, v1;
	(pc) =	sbr.rel @p1 .LBB2_2-.Ltmp0, $4  }
0x2c5: {  	v1 =	vand.u32 $0x7FFFFFFF, v4;
	v4 =	vadd.f32 v6, v5  }
0x2c6: {  	v3 =	vand.u32 $0x7FFFFFFF, v3  }
0x2c7: {  	v1 =	vadd.f32 v3, v1;
	v3 =	vand.u32 $0x7FFFFFFF, v7;
	v2 =	vsub.f32 v4, v2  }
0x2c8: {  	s16 =	sadd.s32 $0x1, s16  }
0x2c9: {  	_ =	sdelay $0x1  }
0x2ca: {  	v4 =	vmov s22;
	s21 =	spop @!p0 (v2sf)  }
0x2cb: {  	v3 =	vadd.f32 v1, v3;
	s21 =	sshll.u32 @!p0 s21, $0x4  }
0x2cc: {  	s26 =	sand.u32 $0x1, s16;
	v2 =	vand.u32 $0x7FFFFFFF, v2;
	s21 =	sand.u32 @!p0 $0x1FFFFFF0, s21;
	v1, _, _ =	vpop (xrf2)  }
0x2cd: {  	s17 =	sadd.s32 $0x1080, s17;
	p1 =	seq.s32 s26, $0x1;
	v2 =	vadd.f32 v3, v2;
	s21 =	sadd.s32 @!p0 s3, s21;
	v25 =	vbroadcast v1, $0xF  }
0x2ce: {  	[tilespmem:s17], [sflag:$0x1] =	stream.linear.gather @!p0 [hbm4b:s21+s18], $0x80, $0x38;
	[tilespmem:$0x12D80] =	vst v63  }
0x2cf: {  	(xrf2) =	vadd.scan.msk.f32 $0xffff, v2;
	s17 =	simm.s32 @!p1 $0x1;
	[tilespmem:v4+s0+$0x0] =	vst.idx.msk $0x1, v25  }
0x2d0: {  	_ =	swait.ge @!p1 [sflag:s17], $0x400  }
0x2d1: {  	[sflag:s17] =	ssyncset.done @!p1 $0x0  }
0x2d2: {  	s23 =	sshra.s32 s19, $0x2;
	[sflag:s17] =	ssyncadd.s32 @!p1 $0xFFFFFC00  }
0x2d3: {  	s24 =	sadd.s32 $0x800, s20;
	p0 =	sgt.u32 s16, $0x1EF;
	v26 =	vld [tilespmem:s23+$0x4F0]  }
0x2d4: {  	s18 =	sshra.s32 @!p0 s19, $0x2;
	s17 =	sshrl.u32 s24, $0x2;
	v6 =	vld [tilespmem:s23+$0xC70]  }
0x2d5: {  	s17 =	sand.u32 $0x1E00, s17;
	v16 =	vld @!p0 [tilespmem:s18+$0x0]  }
0x2d6: {  	v3 =	vld [tilespmem:s17+$0x1090]  }
0x2d7: {  	v5 =	vld [tilespmem:s17+$0x1080]  }
0x2d8: {  	v9 =	vld [tilespmem:s17+$0x1010]  }
0x2d9: {  	v11 =	vld [tilespmem:s17+$0x1000];
	(v2sf) =	vpush v26, $0x0  }
0x2da: {  	v4 =	vld [tilespmem:s17+$0x10A0]  }
0x2db: {  	v8 =	vld [tilespmem:s17+$0x1020]  }
0x2dc: {  	v2 =	vld [tilespmem:s17+$0x10B0];
	(v2sf) =	vpush v6, $0x0  }
0x2dd: {  	v7 =	vld [tilespmem:s17+$0x1030];
	v27 =	vmul.f32 v3, v3;
	v12 =	vmul.f32 v5, v5  }
0x2de: {  	v13 =	vld [tilespmem:s17+$0xF90];
	v14 =	vmul.f32 v11, v11;
	v15 =	vmul.f32 v9, v9  }
0x2df: {  	v10 =	vld [tilespmem:s17+$0xF80];
	v17 =	vmul.f32 v4, v4;
	v6 =	vadd.f32 v27, v12  }
0x2e0: {  	v22 =	vld [tilespmem:s17+$0xF00];
	v19 =	vmul.f32 v8, v8;
	v18 =	vadd.f32 v15, v14  }
0x2e1: {  	v20 =	vmul.f32 v2, v2;
	v12 =	vld [tilespmem:s17+$0xFA0];
	v6 =	vadd.f32 v17, v6  }
0x2e2: {  	v29 =	vmul.f32 v7, v7;
	v14 =	vld [tilespmem:s17+$0xF10];
	v28 =	vadd.f32 v19, v18  }
0x2e3: {  	v15 =	vld [tilespmem:s17+$0xFB0];
	v6 =	vadd.f32 v20, v6  }
0x2e4: {  	v21 =	vld [tilespmem:s17+$0xF20];
	v30 =	vmul.f32 v13, v13;
	v31 =	vmul.f32 v10, v10;
	v17 =	vadd.f32 v29, v28  }
0x2e5: {  	(xrf2) =	vadd.scan.msk.f32 $0xffff, v6  }
0x2e6: {  	v26 =	vld [tilespmem:s17+$0xF30];
	v32 =	vadd.f32 v30, v31;
	v33 =	vmul.f32 v12, v12;
	(xrf2) =	vadd.scan.msk.f32 $0xffff, v17  }
0x2e7: {  	v36 =	vmul.f32 v22, v22;
	v35 =	vmul.f32 v14, v14  }
0x2e8: {  	v34 =	vmul.f32 v15, v15;
	v6 =	vadd.f32 v33, v32;
	s25 =	spop (v2sf)  }
0x2e9: {  	v37 =	vmul.f32 v21, v21;
	(v2sf) =	vpush @!p0 v16, $0x0;
	v17 =	vadd.f32 v35, v36;
	s19 =	sshll.u32 s25, $0x6  }
0x2ea: {  	v6 =	vadd.f32 v34, v6;
	v18 =	vld [tilespmem:s19+$0x2F20]  }
0x2eb: {  	v27 =	vmul.f32 v26, v26;
	v17 =	vadd.f32 v37, v17;
	s26 =	spop (v2sf);
	v24 =	vld [tilespmem:s19+$0x2F00]  }
0x2ec: {  	s20 =	sshll.u32 s26, $0x6;
	v25 =	vld [tilespmem:s19+$0x2F10]  }
0x2ed: {  	(xrf2) =	vadd.scan.msk.f32 $0xffff, v6;
	v27 =	vadd.f32 v27, v17;
	v16 =	vld [tilespmem:s20+$0x2F00]  }
0x2ee: {  	v6, _, _ =	vpop (xrf2);
	v20 =	vld [tilespmem:s20+$0x2F10]  }
0x2ef: {  	(xrf2) =	vadd.scan.msk.f32 $0xffff, v27;
	v19 =	vld [tilespmem:s20+$0x2F20];
	v28, _, _ =	vpop (xrf2)  }
0x2f0: {  	v28 =	vmax.f32 v28, $9.999999960e-13;
	v38, _, _ =	vpop (xrf2)  }
0x2f1: {  	v23 =	vld [tilespmem:s19+$0x2F30];
	v28 =	vbroadcast v28, $0xF;
	v27 =	vmax.f32 v38, $9.999999960e-13;
	v29 =	vmul.f32 v24, v24  }
0x2f2: {  	v17 =	vld [tilespmem:s20+$0x2F30];
	v30 =	vmul.f32 v25, v25;
	v27 =	vbroadcast v27, $0xF  }
0x2f3: {  	v32 =	vmul.f32 v16, v16;
	v39 =	vmul.f32 v20, v20  }
0x2f4: {  	v31 =	vmul.f32 v18, v18;
	v33 =	vmul.f32 v19, v19;
	v29 =	vadd.f32 v30, v29  }
0x2f5: {  	v40 =	vshra.s32 v27, $0x1;
	v27 =	vmul.f32 $5.000000000e-01, v27;
	v30 =	vadd.f32 v39, v32  }
0x2f6: {  	v34 =	vmul.f32 v23, v23;
	v29 =	vadd.f32 v31, v29;
	v31 =	vsub.s32 $0x5F3759DF, v40  }
0x2f7: {  	v41 =	vmul.f32 v17, v17;
	v42, _, _ =	vpop (xrf2);
	v35 =	vmul.f32 v31, v27;
	v30 =	vadd.f32 v33, v30  }
0x2f8: {  	s19 =	spop @!p0 (v2sf);
	v44 =	vshra.s32 v28, $0x1;
	v29 =	vadd.f32 v34, v29;
	v34 =	vmax.f32 v42, $9.999999960e-13  }
0x2f9: {  	s19 =	sshll.u32 @!p0 s19, $0x4;
	v47, _, _ =	vpop (xrf2);
	v43 =	vbroadcast v34, $0xF;
	v45 =	vmul.f32 v31, v35;
	v30 =	vadd.f32 v41, v30  }
0x2fa: {  	s19 =	sand.u32 @!p0 $0x1FFFFFF0, s19;
	v28 =	vmul.f32 $5.000000000e-01, v28;
	v35 =	vmax.f32 v47, $9.999999960e-13;
	(xrf2) =	vadd.scan.msk.f32 $0xffff, v29;
	v29 =	vsub.s32 $0x5F3759DF, v44  }
0x2fb: {  	s21 =	sadd.s32 $0xF00, s17;
	s20 =	sadd.s32 @!p0 s3, s19;
	s19 =	simm.s32 @!p0 $0x0;
	v46 =	vshra.s32 v43, $0x1;
	v33 =	vmul.f32 $5.000000000e-01, v43;
	v34 =	vsub.f32 $1.500000000e+00, v45;
	(xrf2) =	vadd.scan.msk.f32 $0xffff, v30  }
0x2fc: {  	[tilespmem:s21], [sflag:$0x1] =	stream.linear.gather @!p0 [hbm4b:s20+s19], $0x80, $0x38;
	v35 =	vbroadcast v35, $0xF;
	v36 =	vmul.f32 v29, v28;
	v32 =	vsub.s32 $0x5F3759DF, v46;
	[tilespmem:$0x12D80] =	vst v63  }
0x2fd: {  	v30 =	vld @!p0 [tilespmem:s18+$0x280];
	v37 =	vmul.f32 v32, v33;
	v31 =	vmul.f32 v31, v34  }
0x2fe: {  	v50 =	vshra.s32 v35, $0x1;
	v35 =	vmul.f32 $5.000000000e-01, v35;
	v48 =	vmul.f32 v29, v36  }
0x2ff: {  	v49 =	vmul.f32 v32, v37;
	v38 =	vmul.f32 v31, v27;
	v37 =	vsub.s32 $0x5F3759DF, v50  }
0x300: {  	v34 =	vsub.f32 $1.500000000e+00, v48;
	v51 =	vmul.f32 v37, v35  }
0x301: {  	v36 =	vsub.f32 $1.500000000e+00, v49;
	v38 =	vmul.f32 v38, v31  }
0x302: {  	(v2sf) =	vpush @!p0 v30, $0x0;
	v29 =	vmul.f32 v29, v34;
	v30 =	vmul.f32 v37, v51  }
0x303: {  	v32 =	vmul.f32 v32, v36;
	v53 =	vsub.f32 $1.500000000e+00, v38  }
0x304: {  	v54 =	vmul.f32 v29, v28;
	v52, _, _ =	vpop (xrf2);
	v30 =	vsub.f32 $1.500000000e+00, v30  }
0x305: {  	v34 =	vmax.f32 v52, $9.999999960e-13;
	v39 =	vmul.f32 v32, v33;
	v31 =	vmul.f32 v53, v31;
	v55, _, _ =	vpop (xrf2)  }
0x306: {  	v38 =	vmul.f32 v54, v29;
	v34 =	vbroadcast v34, $0xF;
	v36 =	vmax.f32 v55, $9.999999960e-13  }
0x307: {  	v30 =	vmul.f32 v37, v30;
	v36 =	vbroadcast v36, $0xF  }
0x308: {  	v39 =	vmul.f32 v39, v32;
	v27 =	vmul.f32 v31, v27;
	v38 =	vsub.f32 $1.500000000e+00, v38  }
0x309: {  	v40 =	vshra.s32 v34, $0x1;
	v34 =	vmul.f32 $5.000000000e-01, v34;
	v41 =	vmul.f32 v30, v35  }
0x30a: {  	v56 =	vsub.s32 $0x5F3759DF, v40;
	v42 =	vshra.s32 v36, $0x1;
	v36 =	vmul.f32 $5.000000000e-01, v36  }
0x30b: {  	v27 =	vmul.f32 v27, v31;
	v40 =	vmul.f32 v56, v34;
	v42 =	vsub.s32 $0x5F3759DF, v42  }
0x30c: {  	v39 =	vsub.f32 $1.500000000e+00, v39;
	v29 =	vmul.f32 v38, v29;
	v43 =	vmul.f32 v42, v36  }
0x30d: {  	v41 =	vmul.f32 v41, v30;
	v40 =	vmul.f32 v56, v40  }
0x30e: {  	v32 =	vmul.f32 v39, v32;
	v27 =	vsub.f32 $1.500000000e+00, v27;
	v59 =	vmul.f32 v42, v43  }
0x30f: {  	v28 =	vmul.f32 v29, v28;
	v58 =	vsub.f32 $1.500000000e+00, v41;
	v57 =	vsub.f32 $1.500000000e+00, v40  }
0x310: {  	v33 =	vmul.f32 v32, v33;
	v27 =	vmul.f32 v27, v31;
	v60 =	vsub.f32 $1.500000000e+00, v59  }
0x311: {  	v30 =	vmul.f32 v58, v30;
	v37 =	vmul.f32 v56, v57  }
0x312: {  	s20 =	spop @!p0 (v2sf);
	v33 =	vmul.f32 v33, v32;
	v39 =	vmul.f32 v42, v60  }
0x313: {  	s20 =	sshll.u32 @!p0 s20, $0x4;
	v35 =	vmul.f32 v30, v35;
	v61 =	vmul.f32 v37, v34  }
0x314: {  	v28 =	vmul.f32 v28, v29;
	s20 =	sand.u32 @!p0 $0x1FFFFFF0, s20;
	v63 =	vmul.f32 v39, v36  }
0x315: {  	s21 =	sadd.s32 $0xF80, s17;
	v33 =	vsub.f32 $1.500000000e+00, v33;
	s20 =	sadd.s32 @!p0 s3, s20;
	v35 =	vmul.f32 v35, v30;
	v62 =	vmul.f32 v61, v37  }
0x316: {  	v11 =	vmul.f32 v27, v11;
	[tilespmem:s21], [sflag:$0x1] =	stream.linear.gather @!p0 [hbm4b:s20+s19], $0x80, $0x38;
	v45 =	vmul.f32 v63, v39;
	[tilespmem:$0x12D80] =	vst v63  }
0x317: {  	v32 =	vmul.f32 v33, v32;
	v33 =	vld @!p0 [tilespmem:s18+$0x780];
	v35 =	vsub.f32 $1.500000000e+00, v35;
	v44 =	vsub.f32 $1.500000000e+00, v62  }
0x318: {  	v9 =	vmul.f32 v27, v9;
	v28 =	vsub.f32 $1.500000000e+00, v28;
	v46 =	vsub.f32 $1.500000000e+00, v45  }
0x319: {  	v30 =	vmul.f32 v35, v30;
	v31 =	vmul.f32 v44, v37  }
0x31a: {  	v51 =	vmul.f32 v28, v29;
	v48 =	vmul.f32 v46, v39  }
0x31b: {  	v22 =	vmul.f32 v30, v22;
	v34 =	vmul.f32 v31, v34  }
0x31c: {  	v26 =	vmul.f32 v30, v26;
	(v2sf) =	vpush @!p0 v33, $0x0;
	v49 =	vmul.f32 v48, v36  }
0x31d: {  	v21 =	vmul.f32 v30, v21;
	v47 =	vmul.f32 v34, v31  }
0x31e: {  	v14 =	vmul.f32 v30, v14;
	v30 =	vmul.f32 v49, v48  }
0x31f: {  	v8 =	vmul.f32 v27, v8;
	v7 =	vmul.f32 v27, v7;
	v33 =	vsub.f32 $1.500000000e+00, v47  }
0x320: {  	v5 =	vmul.f32 v51, v5;
	v3 =	vmul.f32 v51, v3;
	v50 =	vsub.f32 $1.500000000e+00, v30  }
0x321: {  	v13 =	vmul.f32 v32, v13;
	v31 =	vmul.f32 v33, v31  }
0x322: {  	v10 =	vmul.f32 v32, v10;
	v52 =	vmul.f32 v50, v48  }
0x323: {  	v24 =	vmul.f32 v31, v24;
	v25 =	vmul.f32 v31, v25  }
0x324: {  	v18 =	vmul.f32 v31, v18;
	v23 =	vmul.f32 v31, v23  }
0x325: {  	v16 =	vmul.f32 v52, v16;
	v20 =	vmul.f32 v52, v20;
	v22 =	vadd.f32 v24, v22  }
0x326: {  	v19 =	vmul.f32 v52, v19;
	v14 =	vadd.f32 v25, v14;
	v18 =	vadd.f32 v18, v21  }
0x327: {  	v54 =	vmul.f32 v52, v17;
	v53 =	vadd.f32 v23, v26;
	v11 =	vadd.f32 v16, v11  }
0x328: {  	v12 =	vmul.f32 v32, v12;
	v9 =	vadd.f32 v20, v9;
	v8 =	vadd.f32 v19, v8  }
0x329: {  	v4 =	vmul.f32 v51, v4;
	v7 =	vadd.f32 v54, v7;
	v10 =	vsub.f32 v22, v10  }
0x32a: {  	v2 =	vmul.f32 v51, v2;
	v13 =	vsub.f32 v14, v13;
	v12 =	vsub.f32 v18, v12  }
0x32b: {  	v15 =	vmul.f32 v32, v15;
	v5 =	vsub.f32 v11, v5;
	v3 =	vsub.f32 v9, v3;
	s20 =	spop @!p0 (v2sf)  }
0x32c: {  	v4 =	vsub.f32 v8, v4;
	v10 =	vand.u32 $0x7FFFFFFF, v10;
	v13 =	vand.u32 $0x7FFFFFFF, v13;
	s20 =	sshll.u32 @!p0 s20, $0x4  }
0x32d: {  	v55 =	vadd.f32 v13, v10;
	v5 =	vand.u32 $0x7FFFFFFF, v5;
	v3 =	vand.u32 $0x7FFFFFFF, v3;
	s20 =	sand.u32 @!p0 $0x1FFFFFF0, s20  }
0x32e: {  	s21 =	sadd.s32 $0x1000, s17;
	v57 =	vsub.f32 v53, v15;
	v56 =	vand.u32 $0x7FFFFFFF, v12;
	v3 =	vadd.f32 v3, v5;
	s20 =	sadd.s32 @!p0 s3, s20  }
0x32f: {  	v2 =	vsub.f32 v7, v2;
	v4 =	vand.u32 $0x7FFFFFFF, v4;
	v58 =	vadd.f32 v55, v56;
	[tilespmem:s21], [sflag:$0x1] =	stream.linear.gather @!p0 [hbm4b:s20+s19], $0x80, $0x38;
	[tilespmem:$0x12D80] =	vst v63  }
0x330: {  	v59 =	vand.u32 $0x7FFFFFFF, v57;
	v3 =	vadd.f32 v3, v4;
	v7 =	vld @!p0 [tilespmem:s18+$0xA00]  }
0x331: {  	v2 =	vand.u32 $0x7FFFFFFF, v2;
	v60 =	vadd.f32 v58, v59  }
0x332: {  	v2 =	vadd.f32 v3, v2  }
0x333: {  	(xrf2) =	vadd.scan.msk.f32 $0xffff, v60  }
0x334: {  	(xrf2) =	vadd.scan.msk.f32 $0xffff, v2  }
0x335: {  	(v2sf) =	vpush @!p0 v7, $0x0;
	_ =	sdelay $0x7  }
0x336: {  	v1 =	vsub.f32 v1, v6;
	v61, _, _ =	vpop (xrf2)  }
0x337: {  	v62, _, _ =	vpop (xrf2)  }
0x338: {  	v1 =	vadd.f32 $1.000000000e+00, v1;
	v3 =	vsub.f32 v61, v62;
	_ =	sdelay $0x1  }
0x339: {  	v1 =	vmax.f32 v1, $0.0e+00;
	v3 =	vadd.f32 $1.000000000e+00, v3  }
0x33a: {  	v1 =	vbroadcast v1, $0xF  }
0x33b: {  	v3 =	vmax.f32 v3, $0.0e+00  }
0x33c: {  	v0 =	vadd.f32 v1, v0;
	v63 =	vmov s16;
	v3 =	vbroadcast v3, $0xF;
	s18 =	spop @!p0 (v2sf)  }
0x33d: {  	s16 =	sshll.u32 @!p0 s18, $0x4  }
0x33e: {  	v0 =	vadd.f32 v3, v0;
	s16 =	sand.u32 @!p0 $0x1FFFFFF0, s16  }
0x33f: {  	s17 =	sadd.s32 $0x1080, s17;
	v2 =	vbroadcast v61, $0xF;
	s16 =	sadd.s32 @!p0 s3, s16  }
0x340: {  	v0 =	vmul.f32 $6.250000000e-02, v0;
	[tilespmem:s17], [sflag:$0x1] =	stream.linear.gather @!p0 [hbm4b:s16+s19], $0x80, $0x38;
	[tilespmem:$0x12D80] =	vst v63  }
0x341: {  	[tilespmem:v63+s0+$0x0] =	vst.idx.msk $0x1, v2  }
0x342: {  	[tilespmem:$0x12D00] =	vst v0  }
0x343: {  	[hbm4b:s11+s2] =	stream.linear.scatter [tilespmem:s0], [sflag:$0x2], $0x200, $0x38;
	[tilespmem:$0x12D80] =	vst v63  }
0x344: {  	s15 =	sadd.s32 $0x1, s15;
	_ =	swait.ge [sflag:s14], $0x200  }
0x345: {  	p0 =	sne.s32 s15, s13;
	[sflag:s14] =	ssyncset.done $0x0  }
.Ltmp1:
0x346: {  	[sflag:s14] =	ssyncadd.s32 $0xFFFFFE00;
	(pc) =	sbr.rel @p0 .LBB2_1-.Ltmp1, $4  }
0x347: {  	[hbm4b:s12+s2] =	stream.linear.scatter [tilespmem:s1], [sflag:$0x2], $0x80, $0x38;
	[tilespmem:$0x12D80] =	vst v63  }
0x348: {  	_ =	swait.ge [sflag:s14], $0x80  }
0x349: {  	[sflag:s14] =	ssyncset.done $0x0  }
0x34a: {  	[sflag:s14] =	ssyncadd.s32 $0xFFFFFF80  }
0x34b: {  	_ =	sfence.sel $0x180000  }
0x34c: {  	[bflag:$0x0] =	sbarrier.arrive $0xFFFF  }
0x34d: {  	_ =	strace $0x90000047  }
0x34e: {  	s0 =	stileid.u32;
	[bflag:$0x2] =	sbarrier.arrive $0xFFFF  }
0x34f: {  	p0 =	sne.s32 s0, $0x0;
	s0 =	rddreg [dreg:$0x8]  }
0x350: {  	s0 =	sadd.s32 @!p0 $0x100000, s0  }
0x351: {  	[sflag:s0] =	ssyncadd.tile.s32 @!p0 $0x1;
	_ =	shalt  }
.Lfunc_end2:
_tile_overlayer_lowered:
.L_overlay_start_2:
0x352: {  	(tag) =	ssettag $0x2  }
0x353: {  	s0 =	rddreg [dreg:$0x0];
	s2 =	stileid.u32  }
0x354: {  	s1 =	rddreg [dreg:$0x1];
	p0 =	sne.s32 s2, $0x0  }
0x355: {  	s3 =	rddreg [dreg:$0x2];
	[bflag:$0x3] =	sbarrier.arrive $0xFFFF;
	s2 =	simm.s32 @!p0 $0x1C02  }
0x356: {  	[timem:s3], [sflag:s2] =	dma.local @!p0 [hbm:s0], s1  }
0x357: {  	s0 =	simm.s32 @!p0 $0x2  }
0x358: {  	_ =	swait.ge @!p0 [sflag:s0], s1  }
0x359: {  	s1 =	ssub.s32 @!p0 $0x0, s1;
	[sflag:s0] =	ssyncset.done @!p0 $0x0  }
0x35a: {  	[sflag:s0] =	ssyncadd.s32 @!p0 s1  }
0x35b: {  	[bflag:$0x3] =	sbarrier.arrive $0xFFFF  }
0x35c: {  	_ =	shalt  }

</sc_bundles>
